<compile_context>
chip_gen: v7x
topology: tpu7x:2x2x1
jax: 0.10.2.dev20260603
libtpu: 0.0.44.dev20260713+nightly
codegen_flags: <defaults>
</compile_context>

<pallas_src>
import functools

import jax
import jax.numpy as jnp
from jax import lax
from jax.experimental import pallas as pl
from jax.experimental.pallas import tpu as pltpu
from jax.experimental.pallas import tpu_sc as plsc

_B = 128
_V = 100000
_C = 0.1
_NC = 2
_NS = 16
_NW = _NC * _NS
_RPW = _B // _NW
_WORDS = _RPW * _V
_CH = 20000
_CHPR = _V // _CH
_NCH = _WORDS // _CH
_NBUF = 4
_UNROLL = 8
_FULL = (_CH // (16 * _UNROLL)) * (16 * _UNROLL)
_NIT = _FULL // (16 * _UNROLL)
_NTAIL = (_CH - _FULL) // 16


def _sc_body(tgt_hbm, predf_hbm, out_hbm, tgt_v, idx_v, corr_v, bufs_v,
             tot_v, csem, *dsems):
    cid = lax.axis_index("c")
    sid = lax.axis_index("s")
    wid = sid * _NC + cid
    base = wid * _WORDS

    pltpu.sync_copy(tgt_hbm, tgt_v)
    lanes = lax.iota(jnp.int32, 16)
    rloc = jnp.minimum(lanes, _RPW - 1)
    rows = wid * _RPW + rloc
    t16 = plsc.load_gather(tgt_v, [rows])
    idx_v[...] = rows * _V + t16
    pltpu.async_copy(predf_hbm.at[idx_v], corr_v, csem).wait()

    def chunk_src(j):
        return predf_hbm.at[pl.ds(base + j * _CH, _CH)]

    handles = {}
    for j in range(_NBUF):
        handles[j] = pltpu.async_copy(
            chunk_src(j), bufs_v.at[pl.ds(j * _CH, _CH)], dsems[j])

    accs = tuple(jnp.zeros((16,), jnp.float32) for _ in range(_UNROLL))
    for j in range(_NCH):
        handles[j].wait()
        boff = (j % _NBUF) * _CH
        shift16 = plsc.load_gather(
            corr_v, [jnp.full((16,), j // _CHPR, jnp.int32)]) - _C

        def body(i, a, boff=boff, shift16=shift16):
            off = boff + i * (16 * _UNROLL)
            return tuple(
                a[k] + jnp.maximum(
                    bufs_v[pl.ds(off + k * 16, 16)] - shift16, 0.0)
                for k in range(_UNROLL))

        accs = lax.fori_loop(0, _NIT, body, accs)
        for k in range(_NTAIL):
            x = bufs_v[pl.ds(boff + _FULL + k * 16, 16)]
            accs = tuple(
                (a + jnp.maximum(x - shift16, 0.0)) if kk == k else a
                for kk, a in enumerate(accs))
        nxt = j + _NBUF
        if nxt < _NCH:
            handles[nxt] = pltpu.async_copy(
                chunk_src(nxt), bufs_v.at[pl.ds(boff, _CH)], dsems[j % _NBUF])

    tot = accs[0]
    for k in range(1, _UNROLL):
        tot = tot + accs[k]
    tot_v[...] = tot
    pltpu.sync_copy(tot_v, out_hbm.at[wid])


_sc_loss = functools.partial(
    pl.kernel,
    out_type=jax.ShapeDtypeStruct((_NW, 16), jnp.float32),
    mesh=plsc.VectorSubcoreMesh(core_axis_name="c", subcore_axis_name="s",
                                num_cores=_NC, num_subcores=_NS),
    scratch_types=[
        pltpu.VMEM((_B,), jnp.int32),
        pltpu.VMEM((16,), jnp.int32),
        pltpu.VMEM((16,), jnp.float32),
        pltpu.VMEM((_NBUF * _CH,), jnp.float32),
        pltpu.VMEM((16,), jnp.float32),
        pltpu.SemaphoreType.DMA,
    ] + [pltpu.SemaphoreType.DMA] * _NBUF,
    compiler_params=pltpu.CompilerParams(needs_layout_passes=False),
)(_sc_body)


def kernel(target, prediction):
    partials = _sc_loss(target.astype(jnp.int32), prediction.reshape(-1))
    return ((jnp.sum(partials) - _B * _C) / _B).reshape((1,))

# --- scband reference (transcript-rebuilt; emitter-appended) ---
"""Pipeline reference for scband-glass-simple-loss-25606595019257 (READ-ONLY COPY).

The authoritative reference and input builder live on the scoring server;
editing this copy changes nothing except your own understanding.
"""

import jax, jax.numpy as jnp
import numpy as np

B = 128
V = 100000

def setup_inputs(seed: int = 0) -> dict:
    key = jax.random.key(seed)
    k1, k2 = jax.random.split(key)
    target = jax.random.randint(k1, (B,), 0, V, dtype=jnp.int64)
    prediction = jax.random.normal(k2, (B, V), dtype=jnp.float32)
    return {"target": target, "prediction": prediction}

def reference(target, prediction):
    c = 0.1
    # correct-class logit per row: prediction[i][target[i]]
    correct = jnp.take_along_axis(prediction, target[:, None].astype(jnp.int32), axis=1)  # [B, 1]
    l = jnp.maximum(prediction - correct + c, 0.0)
    # zero out the target-class entry in each row (it would otherwise contribute c)
    rows = jnp.arange(prediction.shape[0])
    l = l.at[rows, target].set(0.0)
    L = jnp.sum(l)
    out = (L / prediction.shape[0]).reshape((1,))
    return out

if __name__ == "__main__":
    import jax
    _d = setup_inputs()
    print(jax.jit(kernel)(*tuple(_d.values())))

</pallas_src>

<mosaic_0001>
#map = affine_map<(d0, d1) -> (0)>
#map1 = affine_map<(d0, d1) -> (0, 0)>
module attributes {stable_mosaic.version = 14 : i64} {
  func.func @_sc_body(%arg0: i32, %arg1: i32, %arg2: memref<128xi32, #tpu.memory_space<hbm>>, %arg3: memref<12800000xf32, #tpu.memory_space<hbm>>, %arg4: memref<32x16xf32, #tpu.memory_space<hbm>>, %arg5: memref<128xi32, #tpu.memory_space<vmem>>, %arg6: memref<16xi32, #tpu.memory_space<vmem>>, %arg7: memref<16xf32, #tpu.memory_space<vmem>>, %arg8: memref<80000xf32, #tpu.memory_space<vmem>>, %arg9: memref<16xf32, #tpu.memory_space<vmem>>, %arg10: memref<!tpu.dma_semaphore, #tpu.memory_space<semaphore_mem>>, %arg11: memref<!tpu.dma_semaphore, #tpu.memory_space<semaphore_mem>>, %arg12: memref<!tpu.dma_semaphore, #tpu.memory_space<semaphore_mem>>, %arg13: memref<!tpu.dma_semaphore, #tpu.memory_space<semaphore_mem>>, %arg14: memref<!tpu.dma_semaphore, #tpu.memory_space<semaphore_mem>>) attributes {dimension_semantics = [#tpu.dimension_semantics<core_parallel>, #tpu.dimension_semantics<subcore_parallel>], iteration_bounds = array<i64: 2, 16>, scalar_prefetch = 0 : i64, scratch_operands = 10 : i64, tpu.core_type = #tpu.core_type<sc_vector_subcore>, window_params = [{transform_indices = #map}, {transform_indices = #map}, {transform_indices = #map1}]} {
    %mul3A = arith.constant 2 : i32
    %mul3A_0 = arith.muli %arg1, %mul3A : i32
    %add3A = arith.addi %mul3A_0, %arg0 : i32
    %mul3A_1 = arith.constant 400000 : i32
    %mul3A_2 = arith.muli %add3A, %mul3A_1 : i32
    "tpu.region"() ({
      %run_scoped3A = tpu.sem_alloc : memref<!tpu.dma_semaphore, #tpu.memory_space<semaphore_mem>>
      tpu.enqueue_dma source(%arg2 : memref<128xi32, #tpu.memory_space<hbm>>) target(%arg5 : memref<128xi32, #tpu.memory_space<vmem>>) target_semaphore(%run_scoped3A : memref<!tpu.dma_semaphore, #tpu.memory_space<semaphore_mem>>)
      tpu.wait_dma2 semaphore(%run_scoped3A : memref<!tpu.dma_semaphore, #tpu.memory_space<semaphore_mem>>) src(%arg2 : memref<128xi32, #tpu.memory_space<hbm>>) dst(%arg5 : memref<128xi32, #tpu.memory_space<vmem>>)
      tpu.yield
    }) : () -> ()
    %iota3A = tpu.iota {dimensions = array<i32: 0>} : vector<16xi32>
    %min3A = arith.constant 3 : i32
    %min3A_3 = vector.broadcast %min3A : i32 to vector<16xi32>
    %min3A_4 = arith.minsi %iota3A, %min3A_3 : vector<16xi32>
    %mul3A_5 = arith.constant 4 : i32
    %mul3A_6 = arith.muli %add3A, %mul3A_5 : i32
    %add3A_7 = vector.broadcast %mul3A_6 : i32 to vector<16xi32>
    %add3A_8 = arith.addi %add3A_7, %min3A_4 : vector<16xi32>
    %gather3A = tpu.vector_load_idx %arg5[%add3A_8] : memref<128xi32, #tpu.memory_space<vmem>>[vector<16xi32>], vector<16xi32>,
    %mul3A_9 = arith.constant 100000 : i32
    %mul3A_10 = vector.broadcast %mul3A_9 : i32 to vector<16xi32>
    %mul3A_11 = arith.muli %add3A_8, %mul3A_10 : vector<16xi32>
    %add3A_12 = arith.addi %mul3A_11, %gather3A : vector<16xi32>
    %swap3A = arith.constant 0 : index
    %swap3A_13 = tpu.vector_load %arg6[%swap3A] {strides = array<i32>} : memref<16xi32, #tpu.memory_space<vmem>>, vector<16xi32>,
    tpu.vector_store %arg6[%swap3A], %add3A_12 {strides = array<i32>} : memref<16xi32, #tpu.memory_space<vmem>>, vector<16xi32>,
    %dma_start3A = arith.constant 0 : i32
    %dma_start3A_14 = tpu.memref_slice %arg3[%dma_start3A] : memref<12800000xf32, #tpu.memory_space<hbm>> -> memref<12800000xf32, #tpu.memory_space<hbm>>
    tpu.enqueue_indirect_dma source(%dma_start3A_14 : memref<12800000xf32, #tpu.memory_space<hbm>>) target(%arg7 : memref<16xf32, #tpu.memory_space<vmem>>) offsets(%arg6 : memref<16xi32, #tpu.memory_space<vmem>>) semaphore(%arg10 : memref<!tpu.dma_semaphore, #tpu.memory_space<semaphore_mem>>)
    %dma_wait3A = arith.constant 0 : i32
    %dma_wait3A_15 = tpu.memref_slice %arg3[%dma_wait3A] : memref<12800000xf32, #tpu.memory_space<hbm>> -> memref<12800000xf32, #tpu.memory_space<hbm>>
    tpu.wait_indirect_dma semaphore(%arg10 : memref<!tpu.dma_semaphore, #tpu.memory_space<semaphore_mem>>) src(%dma_wait3A_15 : memref<12800000xf32, #tpu.memory_space<hbm>>) dst(%arg7 : memref<16xf32, #tpu.memory_space<vmem>>)
    %add3A_16 = arith.constant 0 : i32
    %add3A_17 = arith.addi %mul3A_2, %add3A_16 : i32
    %dma_start3A_18 = arith.constant 0 : i32
    %dma_start3A_19 = tpu.memref_slice %arg8[%dma_start3A_18] : memref<80000xf32, #tpu.memory_space<vmem>> -> memref<20000xf32, #tpu.memory_space<vmem>>
    %dma_start3A_20 = tpu.memref_slice %arg3[%add3A_17] : memref<12800000xf32, #tpu.memory_space<hbm>> -> memref<20000xf32, #tpu.memory_space<hbm>>
    %dma_start3A_21 = arith.constant 0 : i32
    %dma_start3A_22 = tpu.memref_slice %arg8[%dma_start3A_21] : memref<80000xf32, #tpu.memory_space<vmem>> -> memref<20000xf32, #tpu.memory_space<vmem>>
    %dma_start3A_23 = tpu.memref_slice %arg3[%add3A_17] : memref<12800000xf32, #tpu.memory_space<hbm>> -> memref<20000xf32, #tpu.memory_space<hbm>>
    tpu.enqueue_dma source(%dma_start3A_23 : memref<20000xf32, #tpu.memory_space<hbm>>) target(%dma_start3A_22 : memref<20000xf32, #tpu.memory_space<vmem>>) target_semaphore(%arg11 : memref<!tpu.dma_semaphore, #tpu.memory_space<semaphore_mem>>)
    %add3A_24 = arith.constant 20000 : i32
    %add3A_25 = arith.addi %mul3A_2, %add3A_24 : i32
    %dma_start3A_26 = arith.constant 20000 : i32
    %dma_start3A_27 = tpu.memref_slice %arg8[%dma_start3A_26] : memref<80000xf32, #tpu.memory_space<vmem>> -> memref<20000xf32, #tpu.memory_space<vmem>>
    %dma_start3A_28 = tpu.memref_slice %arg3[%add3A_25] : memref<12800000xf32, #tpu.memory_space<hbm>> -> memref<20000xf32, #tpu.memory_space<hbm>>
    %dma_start3A_29 = arith.constant 20000 : i32
    %dma_start3A_30 = tpu.memref_slice %arg8[%dma_start3A_29] : memref<80000xf32, #tpu.memory_space<vmem>> -> memref<20000xf32, #tpu.memory_space<vmem>>
    %dma_start3A_31 = tpu.memref_slice %arg3[%add3A_25] : memref<12800000xf32, #tpu.memory_space<hbm>> -> memref<20000xf32, #tpu.memory_space<hbm>>
    tpu.enqueue_dma source(%dma_start3A_31 : memref<20000xf32, #tpu.memory_space<hbm>>) target(%dma_start3A_30 : memref<20000xf32, #tpu.memory_space<vmem>>) target_semaphore(%arg12 : memref<!tpu.dma_semaphore, #tpu.memory_space<semaphore_mem>>)
    %add3A_32 = arith.constant 40000 : i32
    %add3A_33 = arith.addi %mul3A_2, %add3A_32 : i32
    %dma_start3A_34 = arith.constant 40000 : i32
    %dma_start3A_35 = tpu.memref_slice %arg8[%dma_start3A_34] : memref<80000xf32, #tpu.memory_space<vmem>> -> memref<20000xf32, #tpu.memory_space<vmem>>
    %dma_start3A_36 = tpu.memref_slice %arg3[%add3A_33] : memref<12800000xf32, #tpu.memory_space<hbm>> -> memref<20000xf32, #tpu.memory_space<hbm>>
    %dma_start3A_37 = arith.constant 40000 : i32
    %dma_start3A_38 = tpu.memref_slice %arg8[%dma_start3A_37] : memref<80000xf32, #tpu.memory_space<vmem>> -> memref<20000xf32, #tpu.memory_space<vmem>>
    %dma_start3A_39 = tpu.memref_slice %arg3[%add3A_33] : memref<12800000xf32, #tpu.memory_space<hbm>> -> memref<20000xf32, #tpu.memory_space<hbm>>
    tpu.enqueue_dma source(%dma_start3A_39 : memref<20000xf32, #tpu.memory_space<hbm>>) target(%dma_start3A_38 : memref<20000xf32, #tpu.memory_space<vmem>>) target_semaphore(%arg13 : memref<!tpu.dma_semaphore, #tpu.memory_space<semaphore_mem>>)
    %add3A_40 = arith.constant 60000 : i32
    %add3A_41 = arith.addi %mul3A_2, %add3A_40 : i32
    %dma_start3A_42 = arith.constant 60000 : i32
    %dma_start3A_43 = tpu.memref_slice %arg8[%dma_start3A_42] : memref<80000xf32, #tpu.memory_space<vmem>> -> memref<20000xf32, #tpu.memory_space<vmem>>
    %dma_start3A_44 = tpu.memref_slice %arg3[%add3A_41] : memref<12800000xf32, #tpu.memory_space<hbm>> -> memref<20000xf32, #tpu.memory_space<hbm>>
    %dma_start3A_45 = arith.constant 60000 : i32
    %dma_start3A_46 = tpu.memref_slice %arg8[%dma_start3A_45] : memref<80000xf32, #tpu.memory_space<vmem>> -> memref<20000xf32, #tpu.memory_space<vmem>>
    %dma_start3A_47 = tpu.memref_slice %arg3[%add3A_41] : memref<12800000xf32, #tpu.memory_space<hbm>> -> memref<20000xf32, #tpu.memory_space<hbm>>
    tpu.enqueue_dma source(%dma_start3A_47 : memref<20000xf32, #tpu.memory_space<hbm>>) target(%dma_start3A_46 : memref<20000xf32, #tpu.memory_space<vmem>>) target_semaphore(%arg14 : memref<!tpu.dma_semaphore, #tpu.memory_space<semaphore_mem>>)
    %broadcast_in_dim3A = arith.constant 0.000000e+00 : f32
    %broadcast_in_dim3A_48 = vector.broadcast %broadcast_in_dim3A : f32 to vector<16xf32>
    %broadcast_in_dim3A_49 = arith.constant 0.000000e+00 : f32
    %broadcast_in_dim3A_50 = vector.broadcast %broadcast_in_dim3A_49 : f32 to vector<16xf32>
    %broadcast_in_dim3A_51 = arith.constant 0.000000e+00 : f32
    %broadcast_in_dim3A_52 = vector.broadcast %broadcast_in_dim3A_51 : f32 to vector<16xf32>
    %broadcast_in_dim3A_53 = arith.constant 0.000000e+00 : f32
    %broadcast_in_dim3A_54 = vector.broadcast %broadcast_in_dim3A_53 : f32 to vector<16xf32>
    %broadcast_in_dim3A_55 = arith.constant 0.000000e+00 : f32
    %broadcast_in_dim3A_56 = vector.broadcast %broadcast_in_dim3A_55 : f32 to vector<16xf32>
    %broadcast_in_dim3A_57 = arith.constant 0.000000e+00 : f32
    %broadcast_in_dim3A_58 = vector.broadcast %broadcast_in_dim3A_57 : f32 to vector<16xf32>
    %broadcast_in_dim3A_59 = arith.constant 0.000000e+00 : f32
    %broadcast_in_dim3A_60 = vector.broadcast %broadcast_in_dim3A_59 : f32 to vector<16xf32>
    %broadcast_in_dim3A_61 = arith.constant 0.000000e+00 : f32
    %broadcast_in_dim3A_62 = vector.broadcast %broadcast_in_dim3A_61 : f32 to vector<16xf32>
    %dma_wait3A_63 = arith.constant 0 : i32
    %dma_wait3A_64 = tpu.memref_slice %arg8[%dma_wait3A_63] : memref<80000xf32, #tpu.memory_space<vmem>> -> memref<20000xf32, #tpu.memory_space<vmem>>
    %dma_wait3A_65 = tpu.memref_slice %arg3[%add3A_17] : memref<12800000xf32, #tpu.memory_space<hbm>> -> memref<20000xf32, #tpu.memory_space<hbm>>
    %dma_wait3A_66 = arith.constant 0 : i32
    %dma_wait3A_67 = tpu.memref_slice %arg8[%dma_wait3A_66] : memref<80000xf32, #tpu.memory_space<vmem>> -> memref<20000xf32, #tpu.memory_space<vmem>>
    %dma_wait3A_68 = tpu.memref_slice %arg3[%add3A_17] : memref<12800000xf32, #tpu.memory_space<hbm>> -> memref<20000xf32, #tpu.memory_space<hbm>>
    tpu.wait_dma2 semaphore(%arg11 : memref<!tpu.dma_semaphore, #tpu.memory_space<semaphore_mem>>) src(%dma_wait3A_68 : memref<20000xf32, #tpu.memory_space<hbm>>) dst(%dma_wait3A_67 : memref<20000xf32, #tpu.memory_space<vmem>>)
    %broadcast_in_dim3A_69 = arith.constant 0 : i32
    %broadcast_in_dim3A_70 = vector.broadcast %broadcast_in_dim3A_69 : i32 to vector<16xi32>
    %gather3A_71 = tpu.vector_load_idx %arg7[%broadcast_in_dim3A_70] : memref<16xf32, #tpu.memory_space<vmem>>[vector<16xi32>], vector<16xf32>,
    %sub3A = arith.constant 1.000000e-01 : f32
    %sub3A_72 = vector.broadcast %sub3A : f32 to vector<16xf32>
    %sub3A_73 = arith.subf %gather3A_71, %sub3A_72 : vector<16xf32>
    %scan3A = arith.constant 0 : i32
    %scan3A_74 = arith.constant 156 : i32
    %scan3A_75 = arith.addi %scan3A, %scan3A_74 : i32
    %scan3A_76 = arith.constant 1 : i32
    %scan3A_77:8 = scf.for %scan3A_836 = %scan3A to %scan3A_75 step %scan3A_76 iter_args(%scan3A_837 = %broadcast_in_dim3A_48, %scan3A_838 = %broadcast_in_dim3A_50, %scan3A_839 = %broadcast_in_dim3A_52, %scan3A_840 = %broadcast_in_dim3A_54, %scan3A_841 = %broadcast_in_dim3A_56, %scan3A_842 = %broadcast_in_dim3A_58, %scan3A_843 = %broadcast_in_dim3A_60, %scan3A_844 = %broadcast_in_dim3A_62) -> (vector<16xf32>, vector<16xf32>, vector<16xf32>, vector<16xf32>, vector<16xf32>, vector<16xf32>, vector<16xf32>, vector<16xf32>)  : i32 {
      %mul3A_845 = arith.constant 128 : i32
      %mul3A_846 = arith.muli %scan3A_836, %mul3A_845 : i32
      %add3A_847 = arith.constant 0 : i32
      %add3A_848 = arith.addi %add3A_847, %mul3A_846 : i32
      %add3A_849 = arith.constant 0 : i32
      %add3A_850 = arith.addi %add3A_848, %add3A_849 : i32
      %get3A_851 = arith.index_cast %add3A_850 : i32 to index
      %get3A_852 = tpu.vector_load %arg8[%get3A_851] {strides = array<i32>} : memref<80000xf32, #tpu.memory_space<vmem>>, vector<16xf32>,
      %sub3A_853 = arith.subf %get3A_852, %sub3A_73 : vector<16xf32>
      %max3A_854 = arith.constant 0.000000e+00 : f32
      %max3A_855 = vector.broadcast %max3A_854 : f32 to vector<16xf32>
      %max3A_856 = arith.maximumf %sub3A_853, %max3A_855 : vector<16xf32>
      %add3A_857 = arith.addf %scan3A_837, %max3A_856 : vector<16xf32>
      %add3A_858 = arith.constant 16 : i32
      %add3A_859 = arith.addi %add3A_848, %add3A_858 : i32
      %get3A_860 = arith.index_cast %add3A_859 : i32 to index
      %get3A_861 = tpu.vector_load %arg8[%get3A_860] {strides = array<i32>} : memref<80000xf32, #tpu.memory_space<vmem>>, vector<16xf32>,
      %sub3A_862 = arith.subf %get3A_861, %sub3A_73 : vector<16xf32>
      %max3A_863 = arith.constant 0.000000e+00 : f32
      %max3A_864 = vector.broadcast %max3A_863 : f32 to vector<16xf32>
      %max3A_865 = arith.maximumf %sub3A_862, %max3A_864 : vector<16xf32>
      %add3A_866 = arith.addf %scan3A_838, %max3A_865 : vector<16xf32>
      %add3A_867 = arith.constant 32 : i32
      %add3A_868 = arith.addi %add3A_848, %add3A_867 : i32
      %get3A_869 = arith.index_cast %add3A_868 : i32 to index
      %get3A_870 = tpu.vector_load %arg8[%get3A_869] {strides = array<i32>} : memref<80000xf32, #tpu.memory_space<vmem>>, vector<16xf32>,
      %sub3A_871 = arith.subf %get3A_870, %sub3A_73 : vector<16xf32>
      %max3A_872 = arith.constant 0.000000e+00 : f32
      %max3A_873 = vector.broadcast %max3A_872 : f32 to vector<16xf32>
      %max3A_874 = arith.maximumf %sub3A_871, %max3A_873 : vector<16xf32>
      %add3A_875 = arith.addf %scan3A_839, %max3A_874 : vector<16xf32>
      %add3A_876 = arith.constant 48 : i32
      %add3A_877 = arith.addi %add3A_848, %add3A_876 : i32
      %get3A_878 = arith.index_cast %add3A_877 : i32 to index
      %get3A_879 = tpu.vector_load %arg8[%get3A_878] {strides = array<i32>} : memref<80000xf32, #tpu.memory_space<vmem>>, vector<16xf32>,
      %sub3A_880 = arith.subf %get3A_879, %sub3A_73 : vector<16xf32>
      %max3A_881 = arith.constant 0.000000e+00 : f32
      %max3A_882 = vector.broadcast %max3A_881 : f32 to vector<16xf32>
      %max3A_883 = arith.maximumf %sub3A_880, %max3A_882 : vector<16xf32>
      %add3A_884 = arith.addf %scan3A_840, %max3A_883 : vector<16xf32>
      %add3A_885 = arith.constant 64 : i32
      %add3A_886 = arith.addi %add3A_848, %add3A_885 : i32
      %get3A_887 = arith.index_cast %add3A_886 : i32 to index
      %get3A_888 = tpu.vector_load %arg8[%get3A_887] {strides = array<i32>} : memref<80000xf32, #tpu.memory_space<vmem>>, vector<16xf32>,
      %sub3A_889 = arith.subf %get3A_888, %sub3A_73 : vector<16xf32>
      %max3A_890 = arith.constant 0.000000e+00 : f32
      %max3A_891 = vector.broadcast %max3A_890 : f32 to vector<16xf32>
      %max3A_892 = arith.maximumf %sub3A_889, %max3A_891 : vector<16xf32>
      %add3A_893 = arith.addf %scan3A_841, %max3A_892 : vector<16xf32>
      %add3A_894 = arith.constant 80 : i32
      %add3A_895 = arith.addi %add3A_848, %add3A_894 : i32
      %get3A_896 = arith.index_cast %add3A_895 : i32 to index
      %get3A_897 = tpu.vector_load %arg8[%get3A_896] {strides = array<i32>} : memref<80000xf32, #tpu.memory_space<vmem>>, vector<16xf32>,
      %sub3A_898 = arith.subf %get3A_897, %sub3A_73 : vector<16xf32>
      %max3A_899 = arith.constant 0.000000e+00 : f32
      %max3A_900 = vector.broadcast %max3A_899 : f32 to vector<16xf32>
      %max3A_901 = arith.maximumf %sub3A_898, %max3A_900 : vector<16xf32>
      %add3A_902 = arith.addf %scan3A_842, %max3A_901 : vector<16xf32>
      %add3A_903 = arith.constant 96 : i32
      %add3A_904 = arith.addi %add3A_848, %add3A_903 : i32
      %get3A_905 = arith.index_cast %add3A_904 : i32 to index
      %get3A_906 = tpu.vector_load %arg8[%get3A_905] {strides = array<i32>} : memref<80000xf32, #tpu.memory_space<vmem>>, vector<16xf32>,
      %sub3A_907 = arith.subf %get3A_906, %sub3A_73 : vector<16xf32>
      %max3A_908 = arith.constant 0.000000e+00 : f32
      %max3A_909 = vector.broadcast %max3A_908 : f32 to vector<16xf32>
      %max3A_910 = arith.maximumf %sub3A_907, %max3A_909 : vector<16xf32>
      %add3A_911 = arith.addf %scan3A_843, %max3A_910 : vector<16xf32>
      %add3A_912 = arith.constant 112 : i32
      %add3A_913 = arith.addi %add3A_848, %add3A_912 : i32
      %get3A_914 = arith.index_cast %add3A_913 : i32 to index
      %get3A_915 = tpu.vector_load %arg8[%get3A_914] {strides = array<i32>} : memref<80000xf32, #tpu.memory_space<vmem>>, vector<16xf32>,
      %sub3A_916 = arith.subf %get3A_915, %sub3A_73 : vector<16xf32>
      %max3A_917 = arith.constant 0.000000e+00 : f32
      %max3A_918 = vector.broadcast %max3A_917 : f32 to vector<16xf32>
      %max3A_919 = arith.maximumf %sub3A_916, %max3A_918 : vector<16xf32>
      %add3A_920 = arith.addf %scan3A_844, %max3A_919 : vector<16xf32>
      scf.yield %add3A_857, %add3A_866, %add3A_875, %add3A_884, %add3A_893, %add3A_902, %add3A_911, %add3A_920 : vector<16xf32>, vector<16xf32>, vector<16xf32>, vector<16xf32>, vector<16xf32>, vector<16xf32>, vector<16xf32>, vector<16xf32>
    }
    %scan3A_78 = arith.constant 156 : i32
    %get3A = arith.constant 19968 : index
    %get3A_79 = tpu.vector_load %arg8[%get3A] {strides = array<i32>} : memref<80000xf32, #tpu.memory_space<vmem>>, vector<16xf32>,
    %sub3A_80 = arith.subf %get3A_79, %sub3A_73 : vector<16xf32>
    %max3A = arith.constant 0.000000e+00 : f32
    %max3A_81 = vector.broadcast %max3A : f32 to vector<16xf32>
    %max3A_82 = arith.maximumf %sub3A_80, %max3A_81 : vector<16xf32>
    %add3A_83 = arith.addf %scan3A_77#0, %max3A_82 : vector<16xf32>
    %get3A_84 = arith.constant 19984 : index
    %get3A_85 = tpu.vector_load %arg8[%get3A_84] {strides = array<i32>} : memref<80000xf32, #tpu.memory_space<vmem>>, vector<16xf32>,
    %sub3A_86 = arith.subf %get3A_85, %sub3A_73 : vector<16xf32>
    %max3A_87 = arith.constant 0.000000e+00 : f32
    %max3A_88 = vector.broadcast %max3A_87 : f32 to vector<16xf32>
    %max3A_89 = arith.maximumf %sub3A_86, %max3A_88 : vector<16xf32>
    %add3A_90 = arith.addf %scan3A_77#1, %max3A_89 : vector<16xf32>
    %add3A_91 = arith.constant 80000 : i32
    %add3A_92 = arith.addi %mul3A_2, %add3A_91 : i32
    %dma_start3A_93 = arith.constant 0 : i32
    %dma_start3A_94 = tpu.memref_slice %arg8[%dma_start3A_93] : memref<80000xf32, #tpu.memory_space<vmem>> -> memref<20000xf32, #tpu.memory_space<vmem>>
    %dma_start3A_95 = tpu.memref_slice %arg3[%add3A_92] : memref<12800000xf32, #tpu.memory_space<hbm>> -> memref<20000xf32, #tpu.memory_space<hbm>>
    %dma_start3A_96 = arith.constant 0 : i32
    %dma_start3A_97 = tpu.memref_slice %arg8[%dma_start3A_96] : memref<80000xf32, #tpu.memory_space<vmem>> -> memref<20000xf32, #tpu.memory_space<vmem>>
    %dma_start3A_98 = tpu.memref_slice %arg3[%add3A_92] : memref<12800000xf32, #tpu.memory_space<hbm>> -> memref<20000xf32, #tpu.memory_space<hbm>>
    tpu.enqueue_dma source(%dma_start3A_98 : memref<20000xf32, #tpu.memory_space<hbm>>) target(%dma_start3A_97 : memref<20000xf32, #tpu.memory_space<vmem>>) target_semaphore(%arg11 : memref<!tpu.dma_semaphore, #tpu.memory_space<semaphore_mem>>)
    %dma_wait3A_99 = arith.constant 20000 : i32
    %dma_wait3A_100 = tpu.memref_slice %arg8[%dma_wait3A_99] : memref<80000xf32, #tpu.memory_space<vmem>> -> memref<20000xf32, #tpu.memory_space<vmem>>
    %dma_wait3A_101 = tpu.memref_slice %arg3[%add3A_25] : memref<12800000xf32, #tpu.memory_space<hbm>> -> memref<20000xf32, #tpu.memory_space<hbm>>
    %dma_wait3A_102 = arith.constant 20000 : i32
    %dma_wait3A_103 = tpu.memref_slice %arg8[%dma_wait3A_102] : memref<80000xf32, #tpu.memory_space<vmem>> -> memref<20000xf32, #tpu.memory_space<vmem>>
    %dma_wait3A_104 = tpu.memref_slice %arg3[%add3A_25] : memref<12800000xf32, #tpu.memory_space<hbm>> -> memref<20000xf32, #tpu.memory_space<hbm>>
    tpu.wait_dma2 semaphore(%arg12 : memref<!tpu.dma_semaphore, #tpu.memory_space<semaphore_mem>>) src(%dma_wait3A_104 : memref<20000xf32, #tpu.memory_space<hbm>>) dst(%dma_wait3A_103 : memref<20000xf32, #tpu.memory_space<vmem>>)
    %broadcast_in_dim3A_105 = arith.constant 0 : i32
    %broadcast_in_dim3A_106 = vector.broadcast %broadcast_in_dim3A_105 : i32 to vector<16xi32>
    %gather3A_107 = tpu.vector_load_idx %arg7[%broadcast_in_dim3A_106] : memref<16xf32, #tpu.memory_space<vmem>>[vector<16xi32>], vector<16xf32>,
    %sub3A_108 = arith.constant 1.000000e-01 : f32
    %sub3A_109 = vector.broadcast %sub3A_108 : f32 to vector<16xf32>
    %sub3A_110 = arith.subf %gather3A_107, %sub3A_109 : vector<16xf32>
    %scan3A_111 = arith.constant 0 : i32
    %scan3A_112 = arith.constant 156 : i32
    %scan3A_113 = arith.addi %scan3A_111, %scan3A_112 : i32
    %scan3A_114 = arith.constant 1 : i32
    %scan3A_115:8 = scf.for %scan3A_836 = %scan3A_111 to %scan3A_113 step %scan3A_114 iter_args(%scan3A_837 = %add3A_83, %scan3A_838 = %add3A_90, %scan3A_839 = %scan3A_77#2, %scan3A_840 = %scan3A_77#3, %scan3A_841 = %scan3A_77#4, %scan3A_842 = %scan3A_77#5, %scan3A_843 = %scan3A_77#6, %scan3A_844 = %scan3A_77#7) -> (vector<16xf32>, vector<16xf32>, vector<16xf32>, vector<16xf32>, vector<16xf32>, vector<16xf32>, vector<16xf32>, vector<16xf32>)  : i32 {
      %mul3A_845 = arith.constant 128 : i32
      %mul3A_846 = arith.muli %scan3A_836, %mul3A_845 : i32
      %add3A_847 = arith.constant 20000 : i32
      %add3A_848 = arith.addi %add3A_847, %mul3A_846 : i32
      %add3A_849 = arith.constant 0 : i32
      %add3A_850 = arith.addi %add3A_848, %add3A_849 : i32
      %get3A_851 = arith.index_cast %add3A_850 : i32 to index
      %get3A_852 = tpu.vector_load %arg8[%get3A_851] {strides = array<i32>} : memref<80000xf32, #tpu.memory_space<vmem>>, vector<16xf32>,
      %sub3A_853 = arith.subf %get3A_852, %sub3A_110 : vector<16xf32>
      %max3A_854 = arith.constant 0.000000e+00 : f32
      %max3A_855 = vector.broadcast %max3A_854 : f32 to vector<16xf32>
      %max3A_856 = arith.maximumf %sub3A_853, %max3A_855 : vector<16xf32>
      %add3A_857 = arith.addf %scan3A_837, %max3A_856 : vector<16xf32>
      %add3A_858 = arith.constant 16 : i32
      %add3A_859 = arith.addi %add3A_848, %add3A_858 : i32
      %get3A_860 = arith.index_cast %add3A_859 : i32 to index
      %get3A_861 = tpu.vector_load %arg8[%get3A_860] {strides = array<i32>} : memref<80000xf32, #tpu.memory_space<vmem>>, vector<16xf32>,
      %sub3A_862 = arith.subf %get3A_861, %sub3A_110 : vector<16xf32>
      %max3A_863 = arith.constant 0.000000e+00 : f32
      %max3A_864 = vector.broadcast %max3A_863 : f32 to vector<16xf32>
      %max3A_865 = arith.maximumf %sub3A_862, %max3A_864 : vector<16xf32>
      %add3A_866 = arith.addf %scan3A_838, %max3A_865 : vector<16xf32>
      %add3A_867 = arith.constant 32 : i32
      %add3A_868 = arith.addi %add3A_848, %add3A_867 : i32
      %get3A_869 = arith.index_cast %add3A_868 : i32 to index
      %get3A_870 = tpu.vector_load %arg8[%get3A_869] {strides = array<i32>} : memref<80000xf32, #tpu.memory_space<vmem>>, vector<16xf32>,
      %sub3A_871 = arith.subf %get3A_870, %sub3A_110 : vector<16xf32>
      %max3A_872 = arith.constant 0.000000e+00 : f32
      %max3A_873 = vector.broadcast %max3A_872 : f32 to vector<16xf32>
      %max3A_874 = arith.maximumf %sub3A_871, %max3A_873 : vector<16xf32>
      %add3A_875 = arith.addf %scan3A_839, %max3A_874 : vector<16xf32>
      %add3A_876 = arith.constant 48 : i32
      %add3A_877 = arith.addi %add3A_848, %add3A_876 : i32
      %get3A_878 = arith.index_cast %add3A_877 : i32 to index
      %get3A_879 = tpu.vector_load %arg8[%get3A_878] {strides = array<i32>} : memref<80000xf32, #tpu.memory_space<vmem>>, vector<16xf32>,
      %sub3A_880 = arith.subf %get3A_879, %sub3A_110 : vector<16xf32>
      %max3A_881 = arith.constant 0.000000e+00 : f32
      %max3A_882 = vector.broadcast %max3A_881 : f32 to vector<16xf32>
      %max3A_883 = arith.maximumf %sub3A_880, %max3A_882 : vector<16xf32>
      %add3A_884 = arith.addf %scan3A_840, %max3A_883 : vector<16xf32>
      %add3A_885 = arith.constant 64 : i32
      %add3A_886 = arith.addi %add3A_848, %add3A_885 : i32
      %get3A_887 = arith.index_cast %add3A_886 : i32 to index
      %get3A_888 = tpu.vector_load %arg8[%get3A_887] {strides = array<i32>} : memref<80000xf32, #tpu.memory_space<vmem>>, vector<16xf32>,
      %sub3A_889 = arith.subf %get3A_888, %sub3A_110 : vector<16xf32>
      %max3A_890 = arith.constant 0.000000e+00 : f32
      %max3A_891 = vector.broadcast %max3A_890 : f32 to vector<16xf32>
      %max3A_892 = arith.maximumf %sub3A_889, %max3A_891 : vector<16xf32>
      %add3A_893 = arith.addf %scan3A_841, %max3A_892 : vector<16xf32>
      %add3A_894 = arith.constant 80 : i32
      %add3A_895 = arith.addi %add3A_848, %add3A_894 : i32
      %get3A_896 = arith.index_cast %add3A_895 : i32 to index
      %get3A_897 = tpu.vector_load %arg8[%get3A_896] {strides = array<i32>} : memref<80000xf32, #tpu.memory_space<vmem>>, vector<16xf32>,
      %sub3A_898 = arith.subf %get3A_897, %sub3A_110 : vector<16xf32>
      %max3A_899 = arith.constant 0.000000e+00 : f32
      %max3A_900 = vector.broadcast %max3A_899 : f32 to vector<16xf32>
      %max3A_901 = arith.maximumf %sub3A_898, %max3A_900 : vector<16xf32>
      %add3A_902 = arith.addf %scan3A_842, %max3A_901 : vector<16xf32>
      %add3A_903 = arith.constant 96 : i32
      %add3A_904 = arith.addi %add3A_848, %add3A_903 : i32
      %get3A_905 = arith.index_cast %add3A_904 : i32 to index
      %get3A_906 = tpu.vector_load %arg8[%get3A_905] {strides = array<i32>} : memref<80000xf32, #tpu.memory_space<vmem>>, vector<16xf32>,
      %sub3A_907 = arith.subf %get3A_906, %sub3A_110 : vector<16xf32>
      %max3A_908 = arith.constant 0.000000e+00 : f32
      %max3A_909 = vector.broadcast %max3A_908 : f32 to vector<16xf32>
      %max3A_910 = arith.maximumf %sub3A_907, %max3A_909 : vector<16xf32>
      %add3A_911 = arith.addf %scan3A_843, %max3A_910 : vector<16xf32>
      %add3A_912 = arith.constant 112 : i32
      %add3A_913 = arith.addi %add3A_848, %add3A_912 : i32
      %get3A_914 = arith.index_cast %add3A_913 : i32 to index
      %get3A_915 = tpu.vector_load %arg8[%get3A_914] {strides = array<i32>} : memref<80000xf32, #tpu.memory_space<vmem>>, vector<16xf32>,
      %sub3A_916 = arith.subf %get3A_915, %sub3A_110 : vector<16xf32>
      %max3A_917 = arith.constant 0.000000e+00 : f32
      %max3A_918 = vector.broadcast %max3A_917 : f32 to vector<16xf32>
      %max3A_919 = arith.maximumf %sub3A_916, %max3A_918 : vector<16xf32>
      %add3A_920 = arith.addf %scan3A_844, %max3A_919 : vector<16xf32>
      scf.yield %add3A_857, %add3A_866, %add3A_875, %add3A_884, %add3A_893, %add3A_902, %add3A_911, %add3A_920 : vector<16xf32>, vector<16xf32>, vector<16xf32>, vector<16xf32>, vector<16xf32>, vector<16xf32>, vector<16xf32>, vector<16xf32>
    }
    %scan3A_116 = arith.constant 156 : i32
    %get3A_117 = arith.constant 39968 : index
    %get3A_118 = tpu.vector_load %arg8[%get3A_117] {strides = array<i32>} : memref<80000xf32, #tpu.memory_space<vmem>>, vector<16xf32>,
    %sub3A_119 = arith.subf %get3A_118, %sub3A_110 : vector<16xf32>
    %max3A_120 = arith.constant 0.000000e+00 : f32
    %max3A_121 = vector.broadcast %max3A_120 : f32 to vector<16xf32>
    %max3A_122 = arith.maximumf %sub3A_119, %max3A_121 : vector<16xf32>
    %add3A_123 = arith.addf %scan3A_115#0, %max3A_122 : vector<16xf32>
    %get3A_124 = arith.constant 39984 : index
    %get3A_125 = tpu.vector_load %arg8[%get3A_124] {strides = array<i32>} : memref<80000xf32, #tpu.memory_space<vmem>>, vector<16xf32>,
    %sub3A_126 = arith.subf %get3A_125, %sub3A_110 : vector<16xf32>
    %max3A_127 = arith.constant 0.000000e+00 : f32
    %max3A_128 = vector.broadcast %max3A_127 : f32 to vector<16xf32>
    %max3A_129 = arith.maximumf %sub3A_126, %max3A_128 : vector<16xf32>
    %add3A_130 = arith.addf %scan3A_115#1, %max3A_129 : vector<16xf32>
    %add3A_131 = arith.constant 100000 : i32
    %add3A_132 = arith.addi %mul3A_2, %add3A_131 : i32
    %dma_start3A_133 = arith.constant 20000 : i32
    %dma_start3A_134 = tpu.memref_slice %arg8[%dma_start3A_133] : memref<80000xf32, #tpu.memory_space<vmem>> -> memref<20000xf32, #tpu.memory_space<vmem>>
    %dma_start3A_135 = tpu.memref_slice %arg3[%add3A_132] : memref<12800000xf32, #tpu.memory_space<hbm>> -> memref<20000xf32, #tpu.memory_space<hbm>>
    %dma_start3A_136 = arith.constant 20000 : i32
    %dma_start3A_137 = tpu.memref_slice %arg8[%dma_start3A_136] : memref<80000xf32, #tpu.memory_space<vmem>> -> memref<20000xf32, #tpu.memory_space<vmem>>
    %dma_start3A_138 = tpu.memref_slice %arg3[%add3A_132] : memref<12800000xf32, #tpu.memory_space<hbm>> -> memref<20000xf32, #tpu.memory_space<hbm>>
    tpu.enqueue_dma source(%dma_start3A_138 : memref<20000xf32, #tpu.memory_space<hbm>>) target(%dma_start3A_137 : memref<20000xf32, #tpu.memory_space<vmem>>) target_semaphore(%arg12 : memref<!tpu.dma_semaphore, #tpu.memory_space<semaphore_mem>>)
    %dma_wait3A_139 = arith.constant 40000 : i32
    %dma_wait3A_140 = tpu.memref_slice %arg8[%dma_wait3A_139] : memref<80000xf32, #tpu.memory_space<vmem>> -> memref<20000xf32, #tpu.memory_space<vmem>>
    %dma_wait3A_141 = tpu.memref_slice %arg3[%add3A_33] : memref<12800000xf32, #tpu.memory_space<hbm>> -> memref<20000xf32, #tpu.memory_space<hbm>>
    %dma_wait3A_142 = arith.constant 40000 : i32
    %dma_wait3A_143 = tpu.memref_slice %arg8[%dma_wait3A_142] : memref<80000xf32, #tpu.memory_space<vmem>> -> memref<20000xf32, #tpu.memory_space<vmem>>
    %dma_wait3A_144 = tpu.memref_slice %arg3[%add3A_33] : memref<12800000xf32, #tpu.memory_space<hbm>> -> memref<20000xf32, #tpu.memory_space<hbm>>
    tpu.wait_dma2 semaphore(%arg13 : memref<!tpu.dma_semaphore, #tpu.memory_space<semaphore_mem>>) src(%dma_wait3A_144 : memref<20000xf32, #tpu.memory_space<hbm>>) dst(%dma_wait3A_143 : memref<20000xf32, #tpu.memory_space<vmem>>)
    %broadcast_in_dim3A_145 = arith.constant 0 : i32
    %broadcast_in_dim3A_146 = vector.broadcast %broadcast_in_dim3A_145 : i32 to vector<16xi32>
    %gather3A_147 = tpu.vector_load_idx %arg7[%broadcast_in_dim3A_146] : memref<16xf32, #tpu.memory_space<vmem>>[vector<16xi32>], vector<16xf32>,
    %sub3A_148 = arith.constant 1.000000e-01 : f32
    %sub3A_149 = vector.broadcast %sub3A_148 : f32 to vector<16xf32>
    %sub3A_150 = arith.subf %gather3A_147, %sub3A_149 : vector<16xf32>
    %scan3A_151 = arith.constant 0 : i32
    %scan3A_152 = arith.constant 156 : i32
    %scan3A_153 = arith.addi %scan3A_151, %scan3A_152 : i32
    %scan3A_154 = arith.constant 1 : i32
    %scan3A_155:8 = scf.for %scan3A_836 = %scan3A_151 to %scan3A_153 step %scan3A_154 iter_args(%scan3A_837 = %add3A_123, %scan3A_838 = %add3A_130, %scan3A_839 = %scan3A_115#2, %scan3A_840 = %scan3A_115#3, %scan3A_841 = %scan3A_115#4, %scan3A_842 = %scan3A_115#5, %scan3A_843 = %scan3A_115#6, %scan3A_844 = %scan3A_115#7) -> (vector<16xf32>, vector<16xf32>, vector<16xf32>, vector<16xf32>, vector<16xf32>, vector<16xf32>, vector<16xf32>, vector<16xf32>)  : i32 {
      %mul3A_845 = arith.constant 128 : i32
      %mul3A_846 = arith.muli %scan3A_836, %mul3A_845 : i32
      %add3A_847 = arith.constant 40000 : i32
      %add3A_848 = arith.addi %add3A_847, %mul3A_846 : i32
      %add3A_849 = arith.constant 0 : i32
      %add3A_850 = arith.addi %add3A_848, %add3A_849 : i32
      %get3A_851 = arith.index_cast %add3A_850 : i32 to index
      %get3A_852 = tpu.vector_load %arg8[%get3A_851] {strides = array<i32>} : memref<80000xf32, #tpu.memory_space<vmem>>, vector<16xf32>,
      %sub3A_853 = arith.subf %get3A_852, %sub3A_150 : vector<16xf32>
      %max3A_854 = arith.constant 0.000000e+00 : f32
      %max3A_855 = vector.broadcast %max3A_854 : f32 to vector<16xf32>
      %max3A_856 = arith.maximumf %sub3A_853, %max3A_855 : vector<16xf32>
      %add3A_857 = arith.addf %scan3A_837, %max3A_856 : vector<16xf32>
      %add3A_858 = arith.constant 16 : i32
      %add3A_859 = arith.addi %add3A_848, %add3A_858 : i32
      %get3A_860 = arith.index_cast %add3A_859 : i32 to index
      %get3A_861 = tpu.vector_load %arg8[%get3A_860] {strides = array<i32>} : memref<80000xf32, #tpu.memory_space<vmem>>, vector<16xf32>,
      %sub3A_862 = arith.subf %get3A_861, %sub3A_150 : vector<16xf32>
      %max3A_863 = arith.constant 0.000000e+00 : f32
      %max3A_864 = vector.broadcast %max3A_863 : f32 to vector<16xf32>
      %max3A_865 = arith.maximumf %sub3A_862, %max3A_864 : vector<16xf32>
      %add3A_866 = arith.addf %scan3A_838, %max3A_865 : vector<16xf32>
      %add3A_867 = arith.constant 32 : i32
      %add3A_868 = arith.addi %add3A_848, %add3A_867 : i32
      %get3A_869 = arith.index_cast %add3A_868 : i32 to index
      %get3A_870 = tpu.vector_load %arg8[%get3A_869] {strides = array<i32>} : memref<80000xf32, #tpu.memory_space<vmem>>, vector<16xf32>,
      %sub3A_871 = arith.subf %get3A_870, %sub3A_150 : vector<16xf32>
      %max3A_872 = arith.constant 0.000000e+00 : f32
      %max3A_873 = vector.broadcast %max3A_872 : f32 to vector<16xf32>
      %max3A_874 = arith.maximumf %sub3A_871, %max3A_873 : vector<16xf32>
      %add3A_875 = arith.addf %scan3A_839, %max3A_874 : vector<16xf32>
      %add3A_876 = arith.constant 48 : i32
      %add3A_877 = arith.addi %add3A_848, %add3A_876 : i32
      %get3A_878 = arith.index_cast %add3A_877 : i32 to index
      %get3A_879 = tpu.vector_load %arg8[%get3A_878] {strides = array<i32>} : memref<80000xf32, #tpu.memory_space<vmem>>, vector<16xf32>,
      %sub3A_880 = arith.subf %get3A_879, %sub3A_150 : vector<16xf32>
      %max3A_881 = arith.constant 0.000000e+00 : f32
      %max3A_882 = vector.broadcast %max3A_881 : f32 to vector<16xf32>
      %max3A_883 = arith.maximumf %sub3A_880, %max3A_882 : vector<16xf32>
      %add3A_884 = arith.addf %scan3A_840, %max3A_883 : vector<16xf32>
      %add3A_885 = arith.constant 64 : i32
      %add3A_886 = arith.addi %add3A_848, %add3A_885 : i32
      %get3A_887 = arith.index_cast %add3A_886 : i32 to index
      %get3A_888 = tpu.vector_load %arg8[%get3A_887] {strides = array<i32>} : memref<80000xf32, #tpu.memory_space<vmem>>, vector<16xf32>,
      %sub3A_889 = arith.subf %get3A_888, %sub3A_150 : vector<16xf32>
      %max3A_890 = arith.constant 0.000000e+00 : f32
      %max3A_891 = vector.broadcast %max3A_890 : f32 to vector<16xf32>
      %max3A_892 = arith.maximumf %sub3A_889, %max3A_891 : vector<16xf32>
      %add3A_893 = arith.addf %scan3A_841, %max3A_892 : vector<16xf32>
      %add3A_894 = arith.constant 80 : i32
      %add3A_895 = arith.addi %add3A_848, %add3A_894 : i32
      %get3A_896 = arith.index_cast %add3A_895 : i32 to index
      %get3A_897 = tpu.vector_load %arg8[%get3A_896] {strides = array<i32>} : memref<80000xf32, #tpu.memory_space<vmem>>, vector<16xf32>,
      %sub3A_898 = arith.subf %get3A_897, %sub3A_150 : vector<16xf32>
      %max3A_899 = arith.constant 0.000000e+00 : f32
      %max3A_900 = vector.broadcast %max3A_899 : f32 to vector<16xf32>
      %max3A_901 = arith.maximumf %sub3A_898, %max3A_900 : vector<16xf32>
      %add3A_902 = arith.addf %scan3A_842, %max3A_901 : vector<16xf32>
      %add3A_903 = arith.constant 96 : i32
      %add3A_904 = arith.addi %add3A_848, %add3A_903 : i32
      %get3A_905 = arith.index_cast %add3A_904 : i32 to index
      %get3A_906 = tpu.vector_load %arg8[%get3A_905] {strides = array<i32>} : memref<80000xf32, #tpu.memory_space<vmem>>, vector<16xf32>,
      %sub3A_907 = arith.subf %get3A_906, %sub3A_150 : vector<16xf32>
      %max3A_908 = arith.constant 0.000000e+00 : f32
      %max3A_909 = vector.broadcast %max3A_908 : f32 to vector<16xf32>
      %max3A_910 = arith.maximumf %sub3A_907, %max3A_909 : vector<16xf32>
      %add3A_911 = arith.addf %scan3A_843, %max3A_910 : vector<16xf32>
      %add3A_912 = arith.constant 112 : i32
      %add3A_913 = arith.addi %add3A_848, %add3A_912 : i32
      %get3A_914 = arith.index_cast %add3A_913 : i32 to index
      %get3A_915 = tpu.vector_load %arg8[%get3A_914] {strides = array<i32>} : memref<80000xf32, #tpu.memory_space<vmem>>, vector<16xf32>,
      %sub3A_916 = arith.subf %get3A_915, %sub3A_150 : vector<16xf32>
      %max3A_917 = arith.constant 0.000000e+00 : f32
      %max3A_918 = vector.broadcast %max3A_917 : f32 to vector<16xf32>
      %max3A_919 = arith.maximumf %sub3A_916, %max3A_918 : vector<16xf32>
      %add3A_920 = arith.addf %scan3A_844, %max3A_919 : vector<16xf32>
      scf.yield %add3A_857, %add3A_866, %add3A_875, %add3A_884, %add3A_893, %add3A_902, %add3A_911, %add3A_920 : vector<16xf32>, vector<16xf32>, vector<16xf32>, vector<16xf32>, vector<16xf32>, vector<16xf32>, vector<16xf32>, vector<16xf32>
    }
    %scan3A_156 = arith.constant 156 : i32
    %get3A_157 = arith.constant 59968 : index
    %get3A_158 = tpu.vector_load %arg8[%get3A_157] {strides = array<i32>} : memref<80000xf32, #tpu.memory_space<vmem>>, vector<16xf32>,
    %sub3A_159 = arith.subf %get3A_158, %sub3A_150 : vector<16xf32>
    %max3A_160 = arith.constant 0.000000e+00 : f32
    %max3A_161 = vector.broadcast %max3A_160 : f32 to vector<16xf32>
    %max3A_162 = arith.maximumf %sub3A_159, %max3A_161 : vector<16xf32>
    %add3A_163 = arith.addf %scan3A_155#0, %max3A_162 : vector<16xf32>
    %get3A_164 = arith.constant 59984 : index
    %get3A_165 = tpu.vector_load %arg8[%get3A_164] {strides = array<i32>} : memref<80000xf32, #tpu.memory_space<vmem>>, vector<16xf32>,
    %sub3A_166 = arith.subf %get3A_165, %sub3A_150 : vector<16xf32>
    %max3A_167 = arith.constant 0.000000e+00 : f32
    %max3A_168 = vector.broadcast %max3A_167 : f32 to vector<16xf32>
    %max3A_169 = arith.maximumf %sub3A_166, %max3A_168 : vector<16xf32>
    %add3A_170 = arith.addf %scan3A_155#1, %max3A_169 : vector<16xf32>
    %add3A_171 = arith.constant 120000 : i32
    %add3A_172 = arith.addi %mul3A_2, %add3A_171 : i32
    %dma_start3A_173 = arith.constant 40000 : i32
    %dma_start3A_174 = tpu.memref_slice %arg8[%dma_start3A_173] : memref<80000xf32, #tpu.memory_space<vmem>> -> memref<20000xf32, #tpu.memory_space<vmem>>
    %dma_start3A_175 = tpu.memref_slice %arg3[%add3A_172] : memref<12800000xf32, #tpu.memory_space<hbm>> -> memref<20000xf32, #tpu.memory_space<hbm>>
    %dma_start3A_176 = arith.constant 40000 : i32
    %dma_start3A_177 = tpu.memref_slice %arg8[%dma_start3A_176] : memref<80000xf32, #tpu.memory_space<vmem>> -> memref<20000xf32, #tpu.memory_space<vmem>>
    %dma_start3A_178 = tpu.memref_slice %arg3[%add3A_172] : memref<12800000xf32, #tpu.memory_space<hbm>> -> memref<20000xf32, #tpu.memory_space<hbm>>
    tpu.enqueue_dma source(%dma_start3A_178 : memref<20000xf32, #tpu.memory_space<hbm>>) target(%dma_start3A_177 : memref<20000xf32, #tpu.memory_space<vmem>>) target_semaphore(%arg13 : memref<!tpu.dma_semaphore, #tpu.memory_space<semaphore_mem>>)
    %dma_wait3A_179 = arith.constant 60000 : i32
    %dma_wait3A_180 = tpu.memref_slice %arg8[%dma_wait3A_179] : memref<80000xf32, #tpu.memory_space<vmem>> -> memref<20000xf32, #tpu.memory_space<vmem>>
    %dma_wait3A_181 = tpu.memref_slice %arg3[%add3A_41] : memref<12800000xf32, #tpu.memory_space<hbm>> -> memref<20000xf32, #tpu.memory_space<hbm>>
    %dma_wait3A_182 = arith.constant 60000 : i32
    %dma_wait3A_183 = tpu.memref_slice %arg8[%dma_wait3A_182] : memref<80000xf32, #tpu.memory_space<vmem>> -> memref<20000xf32, #tpu.memory_space<vmem>>
    %dma_wait3A_184 = tpu.memref_slice %arg3[%add3A_41] : memref<12800000xf32, #tpu.memory_space<hbm>> -> memref<20000xf32, #tpu.memory_space<hbm>>
    tpu.wait_dma2 semaphore(%arg14 : memref<!tpu.dma_semaphore, #tpu.memory_space<semaphore_mem>>) src(%dma_wait3A_184 : memref<20000xf32, #tpu.memory_space<hbm>>) dst(%dma_wait3A_183 : memref<20000xf32, #tpu.memory_space<vmem>>)
    %broadcast_in_dim3A_185 = arith.constant 0 : i32
    %broadcast_in_dim3A_186 = vector.broadcast %broadcast_in_dim3A_185 : i32 to vector<16xi32>
    %gather3A_187 = tpu.vector_load_idx %arg7[%broadcast_in_dim3A_186] : memref<16xf32, #tpu.memory_space<vmem>>[vector<16xi32>], vector<16xf32>,
    %sub3A_188 = arith.constant 1.000000e-01 : f32
    %sub3A_189 = vector.broadcast %sub3A_188 : f32 to vector<16xf32>
    %sub3A_190 = arith.subf %gather3A_187, %sub3A_189 : vector<16xf32>
    %scan3A_191 = arith.constant 0 : i32
    %scan3A_192 = arith.constant 156 : i32
    %scan3A_193 = arith.addi %scan3A_191, %scan3A_192 : i32
    %scan3A_194 = arith.constant 1 : i32
    %scan3A_195:8 = scf.for %scan3A_836 = %scan3A_191 to %scan3A_193 step %scan3A_194 iter_args(%scan3A_837 = %add3A_163, %scan3A_838 = %add3A_170, %scan3A_839 = %scan3A_155#2, %scan3A_840 = %scan3A_155#3, %scan3A_841 = %scan3A_155#4, %scan3A_842 = %scan3A_155#5, %scan3A_843 = %scan3A_155#6, %scan3A_844 = %scan3A_155#7) -> (vector<16xf32>, vector<16xf32>, vector<16xf32>, vector<16xf32>, vector<16xf32>, vector<16xf32>, vector<16xf32>, vector<16xf32>)  : i32 {
      %mul3A_845 = arith.constant 128 : i32
      %mul3A_846 = arith.muli %scan3A_836, %mul3A_845 : i32
      %add3A_847 = arith.constant 60000 : i32
      %add3A_848 = arith.addi %add3A_847, %mul3A_846 : i32
      %add3A_849 = arith.constant 0 : i32
      %add3A_850 = arith.addi %add3A_848, %add3A_849 : i32
      %get3A_851 = arith.index_cast %add3A_850 : i32 to index
      %get3A_852 = tpu.vector_load %arg8[%get3A_851] {strides = array<i32>} : memref<80000xf32, #tpu.memory_space<vmem>>, vector<16xf32>,
      %sub3A_853 = arith.subf %get3A_852, %sub3A_190 : vector<16xf32>
      %max3A_854 = arith.constant 0.000000e+00 : f32
      %max3A_855 = vector.broadcast %max3A_854 : f32 to vector<16xf32>
      %max3A_856 = arith.maximumf %sub3A_853, %max3A_855 : vector<16xf32>
      %add3A_857 = arith.addf %scan3A_837, %max3A_856 : vector<16xf32>
      %add3A_858 = arith.constant 16 : i32
      %add3A_859 = arith.addi %add3A_848, %add3A_858 : i32
      %get3A_860 = arith.index_cast %add3A_859 : i32 to index
      %get3A_861 = tpu.vector_load %arg8[%get3A_860] {strides = array<i32>} : memref<80000xf32, #tpu.memory_space<vmem>>, vector<16xf32>,
      %sub3A_862 = arith.subf %get3A_861, %sub3A_190 : vector<16xf32>
      %max3A_863 = arith.constant 0.000000e+00 : f32
      %max3A_864 = vector.broadcast %max3A_863 : f32 to vector<16xf32>
      %max3A_865 = arith.maximumf %sub3A_862, %max3A_864 : vector<16xf32>
      %add3A_866 = arith.addf %scan3A_838, %max3A_865 : vector<16xf32>
      %add3A_867 = arith.constant 32 : i32
      %add3A_868 = arith.addi %add3A_848, %add3A_867 : i32
      %get3A_869 = arith.index_cast %add3A_868 : i32 to index
      %get3A_870 = tpu.vector_load %arg8[%get3A_869] {strides = array<i32>} : memref<80000xf32, #tpu.memory_space<vmem>>, vector<16xf32>,
      %sub3A_871 = arith.subf %get3A_870, %sub3A_190 : vector<16xf32>
      %max3A_872 = arith.constant 0.000000e+00 : f32
      %max3A_873 = vector.broadcast %max3A_872 : f32 to vector<16xf32>
      %max3A_874 = arith.maximumf %sub3A_871, %max3A_873 : vector<16xf32>
      %add3A_875 = arith.addf %scan3A_839, %max3A_874 : vector<16xf32>
      %add3A_876 = arith.constant 48 : i32
      %add3A_877 = arith.addi %add3A_848, %add3A_876 : i32
      %get3A_878 = arith.index_cast %add3A_877 : i32 to index
      %get3A_879 = tpu.vector_load %arg8[%get3A_878] {strides = array<i32>} : memref<80000xf32, #tpu.memory_space<vmem>>, vector<16xf32>,
      %sub3A_880 = arith.subf %get3A_879, %sub3A_190 : vector<16xf32>
      %max3A_881 = arith.constant 0.000000e+00 : f32
      %max3A_882 = vector.broadcast %max3A_881 : f32 to vector<16xf32>
      %max3A_883 = arith.maximumf %sub3A_880, %max3A_882 : vector<16xf32>
      %add3A_884 = arith.addf %scan3A_840, %max3A_883 : vector<16xf32>
      %add3A_885 = arith.constant 64 : i32
      %add3A_886 = arith.addi %add3A_848, %add3A_885 : i32
      %get3A_887 = arith.index_cast %add3A_886 : i32 to index
      %get3A_888 = tpu.vector_load %arg8[%get3A_887] {strides = array<i32>} : memref<80000xf32, #tpu.memory_space<vmem>>, vector<16xf32>,
      %sub3A_889 = arith.subf %get3A_888, %sub3A_190 : vector<16xf32>
      %max3A_890 = arith.constant 0.000000e+00 : f32
      %max3A_891 = vector.broadcast %max3A_890 : f32 to vector<16xf32>
      %max3A_892 = arith.maximumf %sub3A_889, %max3A_891 : vector<16xf32>
      %add3A_893 = arith.addf %scan3A_841, %max3A_892 : vector<16xf32>
      %add3A_894 = arith.constant 80 : i32
      %add3A_895 = arith.addi %add3A_848, %add3A_894 : i32
      %get3A_896 = arith.index_cast %add3A_895 : i32 to index
      %get3A_897 = tpu.vector_load %arg8[%get3A_896] {strides = array<i32>} : memref<80000xf32, #tpu.memory_space<vmem>>, vector<16xf32>,
      %sub3A_898 = arith.subf %get3A_897, %sub3A_190 : vector<16xf32>
      %max3A_899 = arith.constant 0.000000e+00 : f32
      %max3A_900 = vector.broadcast %max3A_899 : f32 to vector<16xf32>
      %max3A_901 = arith.maximumf %sub3A_898, %max3A_900 : vector<16xf32>
      %add3A_902 = arith.addf %scan3A_842, %max3A_901 : vector<16xf32>
      %add3A_903 = arith.constant 96 : i32
      %add3A_904 = arith.addi %add3A_848, %add3A_903 : i32
      %get3A_905 = arith.index_cast %add3A_904 : i32 to index
      %get3A_906 = tpu.vector_load %arg8[%get3A_905] {strides = array<i32>} : memref<80000xf32, #tpu.memory_space<vmem>>, vector<16xf32>,
      %sub3A_907 = arith.subf %get3A_906, %sub3A_190 : vector<16xf32>
      %max3A_908 = arith.constant 0.000000e+00 : f32
      %max3A_909 = vector.broadcast %max3A_908 : f32 to vector<16xf32>
      %max3A_910 = arith.maximumf %sub3A_907, %max3A_909 : vector<16xf32>
      %add3A_911 = arith.addf %scan3A_843, %max3A_910 : vector<16xf32>
      %add3A_912 = arith.constant 112 : i32
      %add3A_913 = arith.addi %add3A_848, %add3A_912 : i32
      %get3A_914 = arith.index_cast %add3A_913 : i32 to index
      %get3A_915 = tpu.vector_load %arg8[%get3A_914] {strides = array<i32>} : memref<80000xf32, #tpu.memory_space<vmem>>, vector<16xf32>,
      %sub3A_916 = arith.subf %get3A_915, %sub3A_190 : vector<16xf32>
      %max3A_917 = arith.constant 0.000000e+00 : f32
      %max3A_918 = vector.broadcast %max3A_917 : f32 to vector<16xf32>
      %max3A_919 = arith.maximumf %sub3A_916, %max3A_918 : vector<16xf32>
      %add3A_920 = arith.addf %scan3A_844, %max3A_919 : vector<16xf32>
      scf.yield %add3A_857, %add3A_866, %add3A_875, %add3A_884, %add3A_893, %add3A_902, %add3A_911, %add3A_920 : vector<16xf32>, vector<16xf32>, vector<16xf32>, vector<16xf32>, vector<16xf32>, vector<16xf32>, vector<16xf32>, vector<16xf32>
    }
    %scan3A_196 = arith.constant 156 : i32
    %get3A_197 = arith.constant 79968 : index
    %get3A_198 = tpu.vector_load %arg8[%get3A_197] {strides = array<i32>} : memref<80000xf32, #tpu.memory_space<vmem>>, vector<16xf32>,
    %sub3A_199 = arith.subf %get3A_198, %sub3A_190 : vector<16xf32>
    %max3A_200 = arith.constant 0.000000e+00 : f32
    %max3A_201 = vector.broadcast %max3A_200 : f32 to vector<16xf32>
    %max3A_202 = arith.maximumf %sub3A_199, %max3A_201 : vector<16xf32>
    %add3A_203 = arith.addf %scan3A_195#0, %max3A_202 : vector<16xf32>
    %get3A_204 = arith.constant 79984 : index
    %get3A_205 = tpu.vector_load %arg8[%get3A_204] {strides = array<i32>} : memref<80000xf32, #tpu.memory_space<vmem>>, vector<16xf32>,
    %sub3A_206 = arith.subf %get3A_205, %sub3A_190 : vector<16xf32>
    %max3A_207 = arith.constant 0.000000e+00 : f32
    %max3A_208 = vector.broadcast %max3A_207 : f32 to vector<16xf32>
    %max3A_209 = arith.maximumf %sub3A_206, %max3A_208 : vector<16xf32>
    %add3A_210 = arith.addf %scan3A_195#1, %max3A_209 : vector<16xf32>
    %add3A_211 = arith.constant 140000 : i32
    %add3A_212 = arith.addi %mul3A_2, %add3A_211 : i32
    %dma_start3A_213 = arith.constant 60000 : i32
    %dma_start3A_214 = tpu.memref_slice %arg8[%dma_start3A_213] : memref<80000xf32, #tpu.memory_space<vmem>> -> memref<20000xf32, #tpu.memory_space<vmem>>
    %dma_start3A_215 = tpu.memref_slice %arg3[%add3A_212] : memref<12800000xf32, #tpu.memory_space<hbm>> -> memref<20000xf32, #tpu.memory_space<hbm>>
    %dma_start3A_216 = arith.constant 60000 : i32
    %dma_start3A_217 = tpu.memref_slice %arg8[%dma_start3A_216] : memref<80000xf32, #tpu.memory_space<vmem>> -> memref<20000xf32, #tpu.memory_space<vmem>>
    %dma_start3A_218 = tpu.memref_slice %arg3[%add3A_212] : memref<12800000xf32, #tpu.memory_space<hbm>> -> memref<20000xf32, #tpu.memory_space<hbm>>
    tpu.enqueue_dma source(%dma_start3A_218 : memref<20000xf32, #tpu.memory_space<hbm>>) target(%dma_start3A_217 : memref<20000xf32, #tpu.memory_space<vmem>>) target_semaphore(%arg14 : memref<!tpu.dma_semaphore, #tpu.memory_space<semaphore_mem>>)
    %dma_wait3A_219 = arith.constant 0 : i32
    %dma_wait3A_220 = tpu.memref_slice %arg8[%dma_wait3A_219] : memref<80000xf32, #tpu.memory_space<vmem>> -> memref<20000xf32, #tpu.memory_space<vmem>>
    %dma_wait3A_221 = tpu.memref_slice %arg3[%add3A_92] : memref<12800000xf32, #tpu.memory_space<hbm>> -> memref<20000xf32, #tpu.memory_space<hbm>>
    %dma_wait3A_222 = arith.constant 0 : i32
    %dma_wait3A_223 = tpu.memref_slice %arg8[%dma_wait3A_222] : memref<80000xf32, #tpu.memory_space<vmem>> -> memref<20000xf32, #tpu.memory_space<vmem>>
    %dma_wait3A_224 = tpu.memref_slice %arg3[%add3A_92] : memref<12800000xf32, #tpu.memory_space<hbm>> -> memref<20000xf32, #tpu.memory_space<hbm>>
    tpu.wait_dma2 semaphore(%arg11 : memref<!tpu.dma_semaphore, #tpu.memory_space<semaphore_mem>>) src(%dma_wait3A_224 : memref<20000xf32, #tpu.memory_space<hbm>>) dst(%dma_wait3A_223 : memref<20000xf32, #tpu.memory_space<vmem>>)
    %broadcast_in_dim3A_225 = arith.constant 0 : i32
    %broadcast_in_dim3A_226 = vector.broadcast %broadcast_in_dim3A_225 : i32 to vector<16xi32>
    %gather3A_227 = tpu.vector_load_idx %arg7[%broadcast_in_dim3A_226] : memref<16xf32, #tpu.memory_space<vmem>>[vector<16xi32>], vector<16xf32>,
    %sub3A_228 = arith.constant 1.000000e-01 : f32
    %sub3A_229 = vector.broadcast %sub3A_228 : f32 to vector<16xf32>
    %sub3A_230 = arith.subf %gather3A_227, %sub3A_229 : vector<16xf32>
    %scan3A_231 = arith.constant 0 : i32
    %scan3A_232 = arith.constant 156 : i32
    %scan3A_233 = arith.addi %scan3A_231, %scan3A_232 : i32
    %scan3A_234 = arith.constant 1 : i32
    %scan3A_235:8 = scf.for %scan3A_836 = %scan3A_231 to %scan3A_233 step %scan3A_234 iter_args(%scan3A_837 = %add3A_203, %scan3A_838 = %add3A_210, %scan3A_839 = %scan3A_195#2, %scan3A_840 = %scan3A_195#3, %scan3A_841 = %scan3A_195#4, %scan3A_842 = %scan3A_195#5, %scan3A_843 = %scan3A_195#6, %scan3A_844 = %scan3A_195#7) -> (vector<16xf32>, vector<16xf32>, vector<16xf32>, vector<16xf32>, vector<16xf32>, vector<16xf32>, vector<16xf32>, vector<16xf32>)  : i32 {
      %mul3A_845 = arith.constant 128 : i32
      %mul3A_846 = arith.muli %scan3A_836, %mul3A_845 : i32
      %add3A_847 = arith.constant 0 : i32
      %add3A_848 = arith.addi %add3A_847, %mul3A_846 : i32
      %add3A_849 = arith.constant 0 : i32
      %add3A_850 = arith.addi %add3A_848, %add3A_849 : i32
      %get3A_851 = arith.index_cast %add3A_850 : i32 to index
      %get3A_852 = tpu.vector_load %arg8[%get3A_851] {strides = array<i32>} : memref<80000xf32, #tpu.memory_space<vmem>>, vector<16xf32>,
      %sub3A_853 = arith.subf %get3A_852, %sub3A_230 : vector<16xf32>
      %max3A_854 = arith.constant 0.000000e+00 : f32
      %max3A_855 = vector.broadcast %max3A_854 : f32 to vector<16xf32>
      %max3A_856 = arith.maximumf %sub3A_853, %max3A_855 : vector<16xf32>
      %add3A_857 = arith.addf %scan3A_837, %max3A_856 : vector<16xf32>
      %add3A_858 = arith.constant 16 : i32
      %add3A_859 = arith.addi %add3A_848, %add3A_858 : i32
      %get3A_860 = arith.index_cast %add3A_859 : i32 to index
      %get3A_861 = tpu.vector_load %arg8[%get3A_860] {strides = array<i32>} : memref<80000xf32, #tpu.memory_space<vmem>>, vector<16xf32>,
      %sub3A_862 = arith.subf %get3A_861, %sub3A_230 : vector<16xf32>
      %max3A_863 = arith.constant 0.000000e+00 : f32
      %max3A_864 = vector.broadcast %max3A_863 : f32 to vector<16xf32>
      %max3A_865 = arith.maximumf %sub3A_862, %max3A_864 : vector<16xf32>
      %add3A_866 = arith.addf %scan3A_838, %max3A_865 : vector<16xf32>
      %add3A_867 = arith.constant 32 : i32
      %add3A_868 = arith.addi %add3A_848, %add3A_867 : i32
      %get3A_869 = arith.index_cast %add3A_868 : i32 to index
      %get3A_870 = tpu.vector_load %arg8[%get3A_869] {strides = array<i32>} : memref<80000xf32, #tpu.memory_space<vmem>>, vector<16xf32>,
      %sub3A_871 = arith.subf %get3A_870, %sub3A_230 : vector<16xf32>
      %max3A_872 = arith.constant 0.000000e+00 : f32
      %max3A_873 = vector.broadcast %max3A_872 : f32 to vector<16xf32>
      %max3A_874 = arith.maximumf %sub3A_871, %max3A_873 : vector<16xf32>
      %add3A_875 = arith.addf %scan3A_839, %max3A_874 : vector<16xf32>
      %add3A_876 = arith.constant 48 : i32
      %add3A_877 = arith.addi %add3A_848, %add3A_876 : i32
      %get3A_878 = arith.index_cast %add3A_877 : i32 to index
      %get3A_879 = tpu.vector_load %arg8[%get3A_878] {strides = array<i32>} : memref<80000xf32, #tpu.memory_space<vmem>>, vector<16xf32>,
      %sub3A_880 = arith.subf %get3A_879, %sub3A_230 : vector<16xf32>
      %max3A_881 = arith.constant 0.000000e+00 : f32
      %max3A_882 = vector.broadcast %max3A_881 : f32 to vector<16xf32>
      %max3A_883 = arith.maximumf %sub3A_880, %max3A_882 : vector<16xf32>
      %add3A_884 = arith.addf %scan3A_840, %max3A_883 : vector<16xf32>
      %add3A_885 = arith.constant 64 : i32
      %add3A_886 = arith.addi %add3A_848, %add3A_885 : i32
      %get3A_887 = arith.index_cast %add3A_886 : i32 to index
      %get3A_888 = tpu.vector_load %arg8[%get3A_887] {strides = array<i32>} : memref<80000xf32, #tpu.memory_space<vmem>>, vector<16xf32>,
      %sub3A_889 = arith.subf %get3A_888, %sub3A_230 : vector<16xf32>
      %max3A_890 = arith.constant 0.000000e+00 : f32
      %max3A_891 = vector.broadcast %max3A_890 : f32 to vector<16xf32>
      %max3A_892 = arith.maximumf %sub3A_889, %max3A_891 : vector<16xf32>
      %add3A_893 = arith.addf %scan3A_841, %max3A_892 : vector<16xf32>
      %add3A_894 = arith.constant 80 : i32
      %add3A_895 = arith.addi %add3A_848, %add3A_894 : i32
      %get3A_896 = arith.index_cast %add3A_895 : i32 to index
      %get3A_897 = tpu.vector_load %arg8[%get3A_896] {strides = array<i32>} : memref<80000xf32, #tpu.memory_space<vmem>>, vector<16xf32>,
      %sub3A_898 = arith.subf %get3A_897, %sub3A_230 : vector<16xf32>
      %max3A_899 = arith.constant 0.000000e+00 : f32
      %max3A_900 = vector.broadcast %max3A_899 : f32 to vector<16xf32>
      %max3A_901 = arith.maximumf %sub3A_898, %max3A_900 : vector<16xf32>
      %add3A_902 = arith.addf %scan3A_842, %max3A_901 : vector<16xf32>
      %add3A_903 = arith.constant 96 : i32
      %add3A_904 = arith.addi %add3A_848, %add3A_903 : i32
      %get3A_905 = arith.index_cast %add3A_904 : i32 to index
      %get3A_906 = tpu.vector_load %arg8[%get3A_905] {strides = array<i32>} : memref<80000xf32, #tpu.memory_space<vmem>>, vector<16xf32>,
      %sub3A_907 = arith.subf %get3A_906, %sub3A_230 : vector<16xf32>
      %max3A_908 = arith.constant 0.000000e+00 : f32
      %max3A_909 = vector.broadcast %max3A_908 : f32 to vector<16xf32>
      %max3A_910 = arith.maximumf %sub3A_907, %max3A_909 : vector<16xf32>
      %add3A_911 = arith.addf %scan3A_843, %max3A_910 : vector<16xf32>
      %add3A_912 = arith.constant 112 : i32
      %add3A_913 = arith.addi %add3A_848, %add3A_912 : i32
      %get3A_914 = arith.index_cast %add3A_913 : i32 to index
      %get3A_915 = tpu.vector_load %arg8[%get3A_914] {strides = array<i32>} : memref<80000xf32, #tpu.memory_space<vmem>>, vector<16xf32>,
      %sub3A_916 = arith.subf %get3A_915, %sub3A_230 : vector<16xf32>
      %max3A_917 = arith.constant 0.000000e+00 : f32
      %max3A_918 = vector.broadcast %max3A_917 : f32 to vector<16xf32>
      %max3A_919 = arith.maximumf %sub3A_916, %max3A_918 : vector<16xf32>
      %add3A_920 = arith.addf %scan3A_844, %max3A_919 : vector<16xf32>
      scf.yield %add3A_857, %add3A_866, %add3A_875, %add3A_884, %add3A_893, %add3A_902, %add3A_911, %add3A_920 : vector<16xf32>, vector<16xf32>, vector<16xf32>, vector<16xf32>, vector<16xf32>, vector<16xf32>, vector<16xf32>, vector<16xf32>
    }
    %scan3A_236 = arith.constant 156 : i32
    %get3A_237 = arith.constant 19968 : index
    %get3A_238 = tpu.vector_load %arg8[%get3A_237] {strides = array<i32>} : memref<80000xf32, #tpu.memory_space<vmem>>, vector<16xf32>,
    %sub3A_239 = arith.subf %get3A_238, %sub3A_230 : vector<16xf32>
    %max3A_240 = arith.constant 0.000000e+00 : f32
    %max3A_241 = vector.broadcast %max3A_240 : f32 to vector<16xf32>
    %max3A_242 = arith.maximumf %sub3A_239, %max3A_241 : vector<16xf32>
    %add3A_243 = arith.addf %scan3A_235#0, %max3A_242 : vector<16xf32>
    %get3A_244 = arith.constant 19984 : index
    %get3A_245 = tpu.vector_load %arg8[%get3A_244] {strides = array<i32>} : memref<80000xf32, #tpu.memory_space<vmem>>, vector<16xf32>,
    %sub3A_246 = arith.subf %get3A_245, %sub3A_230 : vector<16xf32>
    %max3A_247 = arith.constant 0.000000e+00 : f32
    %max3A_248 = vector.broadcast %max3A_247 : f32 to vector<16xf32>
    %max3A_249 = arith.maximumf %sub3A_246, %max3A_248 : vector<16xf32>
    %add3A_250 = arith.addf %scan3A_235#1, %max3A_249 : vector<16xf32>
    %add3A_251 = arith.constant 160000 : i32
    %add3A_252 = arith.addi %mul3A_2, %add3A_251 : i32
    %dma_start3A_253 = arith.constant 0 : i32
    %dma_start3A_254 = tpu.memref_slice %arg8[%dma_start3A_253] : memref<80000xf32, #tpu.memory_space<vmem>> -> memref<20000xf32, #tpu.memory_space<vmem>>
    %dma_start3A_255 = tpu.memref_slice %arg3[%add3A_252] : memref<12800000xf32, #tpu.memory_space<hbm>> -> memref<20000xf32, #tpu.memory_space<hbm>>
    %dma_start3A_256 = arith.constant 0 : i32
    %dma_start3A_257 = tpu.memref_slice %arg8[%dma_start3A_256] : memref<80000xf32, #tpu.memory_space<vmem>> -> memref<20000xf32, #tpu.memory_space<vmem>>
    %dma_start3A_258 = tpu.memref_slice %arg3[%add3A_252] : memref<12800000xf32, #tpu.memory_space<hbm>> -> memref<20000xf32, #tpu.memory_space<hbm>>
    tpu.enqueue_dma source(%dma_start3A_258 : memref<20000xf32, #tpu.memory_space<hbm>>) target(%dma_start3A_257 : memref<20000xf32, #tpu.memory_space<vmem>>) target_semaphore(%arg11 : memref<!tpu.dma_semaphore, #tpu.memory_space<semaphore_mem>>)
    %dma_wait3A_259 = arith.constant 20000 : i32
    %dma_wait3A_260 = tpu.memref_slice %arg8[%dma_wait3A_259] : memref<80000xf32, #tpu.memory_space<vmem>> -> memref<20000xf32, #tpu.memory_space<vmem>>
    %dma_wait3A_261 = tpu.memref_slice %arg3[%add3A_132] : memref<12800000xf32, #tpu.memory_space<hbm>> -> memref<20000xf32, #tpu.memory_space<hbm>>
    %dma_wait3A_262 = arith.constant 20000 : i32
    %dma_wait3A_263 = tpu.memref_slice %arg8[%dma_wait3A_262] : memref<80000xf32, #tpu.memory_space<vmem>> -> memref<20000xf32, #tpu.memory_space<vmem>>
    %dma_wait3A_264 = tpu.memref_slice %arg3[%add3A_132] : memref<12800000xf32, #tpu.memory_space<hbm>> -> memref<20000xf32, #tpu.memory_space<hbm>>
    tpu.wait_dma2 semaphore(%arg12 : memref<!tpu.dma_semaphore, #tpu.memory_space<semaphore_mem>>) src(%dma_wait3A_264 : memref<20000xf32, #tpu.memory_space<hbm>>) dst(%dma_wait3A_263 : memref<20000xf32, #tpu.memory_space<vmem>>)
    %broadcast_in_dim3A_265 = arith.constant 1 : i32
    %broadcast_in_dim3A_266 = vector.broadcast %broadcast_in_dim3A_265 : i32 to vector<16xi32>
    %gather3A_267 = tpu.vector_load_idx %arg7[%broadcast_in_dim3A_266] : memref<16xf32, #tpu.memory_space<vmem>>[vector<16xi32>], vector<16xf32>,
    %sub3A_268 = arith.constant 1.000000e-01 : f32
    %sub3A_269 = vector.broadcast %sub3A_268 : f32 to vector<16xf32>
    %sub3A_270 = arith.subf %gather3A_267, %sub3A_269 : vector<16xf32>
    %scan3A_271 = arith.constant 0 : i32
    %scan3A_272 = arith.constant 156 : i32
    %scan3A_273 = arith.addi %scan3A_271, %scan3A_272 : i32
    %scan3A_274 = arith.constant 1 : i32
    %scan3A_275:8 = scf.for %scan3A_836 = %scan3A_271 to %scan3A_273 step %scan3A_274 iter_args(%scan3A_837 = %add3A_243, %scan3A_838 = %add3A_250, %scan3A_839 = %scan3A_235#2, %scan3A_840 = %scan3A_235#3, %scan3A_841 = %scan3A_235#4, %scan3A_842 = %scan3A_235#5, %scan3A_843 = %scan3A_235#6, %scan3A_844 = %scan3A_235#7) -> (vector<16xf32>, vector<16xf32>, vector<16xf32>, vector<16xf32>, vector<16xf32>, vector<16xf32>, vector<16xf32>, vector<16xf32>)  : i32 {
      %mul3A_845 = arith.constant 128 : i32
      %mul3A_846 = arith.muli %scan3A_836, %mul3A_845 : i32
      %add3A_847 = arith.constant 20000 : i32
      %add3A_848 = arith.addi %add3A_847, %mul3A_846 : i32
      %add3A_849 = arith.constant 0 : i32
      %add3A_850 = arith.addi %add3A_848, %add3A_849 : i32
      %get3A_851 = arith.index_cast %add3A_850 : i32 to index
      %get3A_852 = tpu.vector_load %arg8[%get3A_851] {strides = array<i32>} : memref<80000xf32, #tpu.memory_space<vmem>>, vector<16xf32>,
      %sub3A_853 = arith.subf %get3A_852, %sub3A_270 : vector<16xf32>
      %max3A_854 = arith.constant 0.000000e+00 : f32
      %max3A_855 = vector.broadcast %max3A_854 : f32 to vector<16xf32>
      %max3A_856 = arith.maximumf %sub3A_853, %max3A_855 : vector<16xf32>
      %add3A_857 = arith.addf %scan3A_837, %max3A_856 : vector<16xf32>
      %add3A_858 = arith.constant 16 : i32
      %add3A_859 = arith.addi %add3A_848, %add3A_858 : i32
      %get3A_860 = arith.index_cast %add3A_859 : i32 to index
      %get3A_861 = tpu.vector_load %arg8[%get3A_860] {strides = array<i32>} : memref<80000xf32, #tpu.memory_space<vmem>>, vector<16xf32>,
      %sub3A_862 = arith.subf %get3A_861, %sub3A_270 : vector<16xf32>
      %max3A_863 = arith.constant 0.000000e+00 : f32
      %max3A_864 = vector.broadcast %max3A_863 : f32 to vector<16xf32>
      %max3A_865 = arith.maximumf %sub3A_862, %max3A_864 : vector<16xf32>
      %add3A_866 = arith.addf %scan3A_838, %max3A_865 : vector<16xf32>
      %add3A_867 = arith.constant 32 : i32
      %add3A_868 = arith.addi %add3A_848, %add3A_867 : i32
      %get3A_869 = arith.index_cast %add3A_868 : i32 to index
      %get3A_870 = tpu.vector_load %arg8[%get3A_869] {strides = array<i32>} : memref<80000xf32, #tpu.memory_space<vmem>>, vector<16xf32>,
      %sub3A_871 = arith.subf %get3A_870, %sub3A_270 : vector<16xf32>
      %max3A_872 = arith.constant 0.000000e+00 : f32
      %max3A_873 = vector.broadcast %max3A_872 : f32 to vector<16xf32>
      %max3A_874 = arith.maximumf %sub3A_871, %max3A_873 : vector<16xf32>
      %add3A_875 = arith.addf %scan3A_839, %max3A_874 : vector<16xf32>
      %add3A_876 = arith.constant 48 : i32
      %add3A_877 = arith.addi %add3A_848, %add3A_876 : i32
      %get3A_878 = arith.index_cast %add3A_877 : i32 to index
      %get3A_879 = tpu.vector_load %arg8[%get3A_878] {strides = array<i32>} : memref<80000xf32, #tpu.memory_space<vmem>>, vector<16xf32>,
      %sub3A_880 = arith.subf %get3A_879, %sub3A_270 : vector<16xf32>
      %max3A_881 = arith.constant 0.000000e+00 : f32
      %max3A_882 = vector.broadcast %max3A_881 : f32 to vector<16xf32>
      %max3A_883 = arith.maximumf %sub3A_880, %max3A_882 : vector<16xf32>
      %add3A_884 = arith.addf %scan3A_840, %max3A_883 : vector<16xf32>
      %add3A_885 = arith.constant 64 : i32
      %add3A_886 = arith.addi %add3A_848, %add3A_885 : i32
      %get3A_887 = arith.index_cast %add3A_886 : i32 to index
      %get3A_888 = tpu.vector_load %arg8[%get3A_887] {strides = array<i32>} : memref<80000xf32, #tpu.memory_space<vmem>>, vector<16xf32>,
      %sub3A_889 = arith.subf %get3A_888, %sub3A_270 : vector<16xf32>
      %max3A_890 = arith.constant 0.000000e+00 : f32
      %max3A_891 = vector.broadcast %max3A_890 : f32 to vector<16xf32>
      %max3A_892 = arith.maximumf %sub3A_889, %max3A_891 : vector<16xf32>
      %add3A_893 = arith.addf %scan3A_841, %max3A_892 : vector<16xf32>
      %add3A_894 = arith.constant 80 : i32
      %add3A_895 = arith.addi %add3A_848, %add3A_894 : i32
      %get3A_896 = arith.index_cast %add3A_895 : i32 to index
      %get3A_897 = tpu.vector_load %arg8[%get3A_896] {strides = array<i32>} : memref<80000xf32, #tpu.memory_space<vmem>>, vector<16xf32>,
      %sub3A_898 = arith.subf %get3A_897, %sub3A_270 : vector<16xf32>
      %max3A_899 = arith.constant 0.000000e+00 : f32
      %max3A_900 = vector.broadcast %max3A_899 : f32 to vector<16xf32>
      %max3A_901 = arith.maximumf %sub3A_898, %max3A_900 : vector<16xf32>
      %add3A_902 = arith.addf %scan3A_842, %max3A_901 : vector<16xf32>
      %add3A_903 = arith.constant 96 : i32
      %add3A_904 = arith.addi %add3A_848, %add3A_903 : i32
      %get3A_905 = arith.index_cast %add3A_904 : i32 to index
      %get3A_906 = tpu.vector_load %arg8[%get3A_905] {strides = array<i32>} : memref<80000xf32, #tpu.memory_space<vmem>>, vector<16xf32>,
      %sub3A_907 = arith.subf %get3A_906, %sub3A_270 : vector<16xf32>
      %max3A_908 = arith.constant 0.000000e+00 : f32
      %max3A_909 = vector.broadcast %max3A_908 : f32 to vector<16xf32>
      %max3A_910 = arith.maximumf %sub3A_907, %max3A_909 : vector<16xf32>
      %add3A_911 = arith.addf %scan3A_843, %max3A_910 : vector<16xf32>
      %add3A_912 = arith.constant 112 : i32
      %add3A_913 = arith.addi %add3A_848, %add3A_912 : i32
      %get3A_914 = arith.index_cast %add3A_913 : i32 to index
      %get3A_915 = tpu.vector_load %arg8[%get3A_914] {strides = array<i32>} : memref<80000xf32, #tpu.memory_space<vmem>>, vector<16xf32>,
      %sub3A_916 = arith.subf %get3A_915, %sub3A_270 : vector<16xf32>
      %max3A_917 = arith.constant 0.000000e+00 : f32
      %max3A_918 = vector.broadcast %max3A_917 : f32 to vector<16xf32>
      %max3A_919 = arith.maximumf %sub3A_916, %max3A_918 : vector<16xf32>
      %add3A_920 = arith.addf %scan3A_844, %max3A_919 : vector<16xf32>
      scf.yield %add3A_857, %add3A_866, %add3A_875, %add3A_884, %add3A_893, %add3A_902, %add3A_911, %add3A_920 : vector<16xf32>, vector<16xf32>, vector<16xf32>, vector<16xf32>, vector<16xf32>, vector<16xf32>, vector<16xf32>, vector<16xf32>
    }
    %scan3A_276 = arith.constant 156 : i32
    %get3A_277 = arith.constant 39968 : index
    %get3A_278 = tpu.vector_load %arg8[%get3A_277] {strides = array<i32>} : memref<80000xf32, #tpu.memory_space<vmem>>, vector<16xf32>,
    %sub3A_279 = arith.subf %get3A_278, %sub3A_270 : vector<16xf32>
    %max3A_280 = arith.constant 0.000000e+00 : f32
    %max3A_281 = vector.broadcast %max3A_280 : f32 to vector<16xf32>
    %max3A_282 = arith.maximumf %sub3A_279, %max3A_281 : vector<16xf32>
    %add3A_283 = arith.addf %scan3A_275#0, %max3A_282 : vector<16xf32>
    %get3A_284 = arith.constant 39984 : index
    %get3A_285 = tpu.vector_load %arg8[%get3A_284] {strides = array<i32>} : memref<80000xf32, #tpu.memory_space<vmem>>, vector<16xf32>,
    %sub3A_286 = arith.subf %get3A_285, %sub3A_270 : vector<16xf32>
    %max3A_287 = arith.constant 0.000000e+00 : f32
    %max3A_288 = vector.broadcast %max3A_287 : f32 to vector<16xf32>
    %max3A_289 = arith.maximumf %sub3A_286, %max3A_288 : vector<16xf32>
    %add3A_290 = arith.addf %scan3A_275#1, %max3A_289 : vector<16xf32>
    %add3A_291 = arith.constant 180000 : i32
    %add3A_292 = arith.addi %mul3A_2, %add3A_291 : i32
    %dma_start3A_293 = arith.constant 20000 : i32
    %dma_start3A_294 = tpu.memref_slice %arg8[%dma_start3A_293] : memref<80000xf32, #tpu.memory_space<vmem>> -> memref<20000xf32, #tpu.memory_space<vmem>>
    %dma_start3A_295 = tpu.memref_slice %arg3[%add3A_292] : memref<12800000xf32, #tpu.memory_space<hbm>> -> memref<20000xf32, #tpu.memory_space<hbm>>
    %dma_start3A_296 = arith.constant 20000 : i32
    %dma_start3A_297 = tpu.memref_slice %arg8[%dma_start3A_296] : memref<80000xf32, #tpu.memory_space<vmem>> -> memref<20000xf32, #tpu.memory_space<vmem>>
    %dma_start3A_298 = tpu.memref_slice %arg3[%add3A_292] : memref<12800000xf32, #tpu.memory_space<hbm>> -> memref<20000xf32, #tpu.memory_space<hbm>>
    tpu.enqueue_dma source(%dma_start3A_298 : memref<20000xf32, #tpu.memory_space<hbm>>) target(%dma_start3A_297 : memref<20000xf32, #tpu.memory_space<vmem>>) target_semaphore(%arg12 : memref<!tpu.dma_semaphore, #tpu.memory_space<semaphore_mem>>)
    %dma_wait3A_299 = arith.constant 40000 : i32
    %dma_wait3A_300 = tpu.memref_slice %arg8[%dma_wait3A_299] : memref<80000xf32, #tpu.memory_space<vmem>> -> memref<20000xf32, #tpu.memory_space<vmem>>
    %dma_wait3A_301 = tpu.memref_slice %arg3[%add3A_172] : memref<12800000xf32, #tpu.memory_space<hbm>> -> memref<20000xf32, #tpu.memory_space<hbm>>
    %dma_wait3A_302 = arith.constant 40000 : i32
    %dma_wait3A_303 = tpu.memref_slice %arg8[%dma_wait3A_302] : memref<80000xf32, #tpu.memory_space<vmem>> -> memref<20000xf32, #tpu.memory_space<vmem>>
    %dma_wait3A_304 = tpu.memref_slice %arg3[%add3A_172] : memref<12800000xf32, #tpu.memory_space<hbm>> -> memref<20000xf32, #tpu.memory_space<hbm>>
    tpu.wait_dma2 semaphore(%arg13 : memref<!tpu.dma_semaphore, #tpu.memory_space<semaphore_mem>>) src(%dma_wait3A_304 : memref<20000xf32, #tpu.memory_space<hbm>>) dst(%dma_wait3A_303 : memref<20000xf32, #tpu.memory_space<vmem>>)
    %broadcast_in_dim3A_305 = arith.constant 1 : i32
    %broadcast_in_dim3A_306 = vector.broadcast %broadcast_in_dim3A_305 : i32 to vector<16xi32>
    %gather3A_307 = tpu.vector_load_idx %arg7[%broadcast_in_dim3A_306] : memref<16xf32, #tpu.memory_space<vmem>>[vector<16xi32>], vector<16xf32>,
    %sub3A_308 = arith.constant 1.000000e-01 : f32
    %sub3A_309 = vector.broadcast %sub3A_308 : f32 to vector<16xf32>
    %sub3A_310 = arith.subf %gather3A_307, %sub3A_309 : vector<16xf32>
    %scan3A_311 = arith.constant 0 : i32
    %scan3A_312 = arith.constant 156 : i32
    %scan3A_313 = arith.addi %scan3A_311, %scan3A_312 : i32
    %scan3A_314 = arith.constant 1 : i32
    %scan3A_315:8 = scf.for %scan3A_836 = %scan3A_311 to %scan3A_313 step %scan3A_314 iter_args(%scan3A_837 = %add3A_283, %scan3A_838 = %add3A_290, %scan3A_839 = %scan3A_275#2, %scan3A_840 = %scan3A_275#3, %scan3A_841 = %scan3A_275#4, %scan3A_842 = %scan3A_275#5, %scan3A_843 = %scan3A_275#6, %scan3A_844 = %scan3A_275#7) -> (vector<16xf32>, vector<16xf32>, vector<16xf32>, vector<16xf32>, vector<16xf32>, vector<16xf32>, vector<16xf32>, vector<16xf32>)  : i32 {
      %mul3A_845 = arith.constant 128 : i32
      %mul3A_846 = arith.muli %scan3A_836, %mul3A_845 : i32
      %add3A_847 = arith.constant 40000 : i32
      %add3A_848 = arith.addi %add3A_847, %mul3A_846 : i32
      %add3A_849 = arith.constant 0 : i32
      %add3A_850 = arith.addi %add3A_848, %add3A_849 : i32
      %get3A_851 = arith.index_cast %add3A_850 : i32 to index
      %get3A_852 = tpu.vector_load %arg8[%get3A_851] {strides = array<i32>} : memref<80000xf32, #tpu.memory_space<vmem>>, vector<16xf32>,
      %sub3A_853 = arith.subf %get3A_852, %sub3A_310 : vector<16xf32>
      %max3A_854 = arith.constant 0.000000e+00 : f32
      %max3A_855 = vector.broadcast %max3A_854 : f32 to vector<16xf32>
      %max3A_856 = arith.maximumf %sub3A_853, %max3A_855 : vector<16xf32>
      %add3A_857 = arith.addf %scan3A_837, %max3A_856 : vector<16xf32>
      %add3A_858 = arith.constant 16 : i32
      %add3A_859 = arith.addi %add3A_848, %add3A_858 : i32
      %get3A_860 = arith.index_cast %add3A_859 : i32 to index
      %get3A_861 = tpu.vector_load %arg8[%get3A_860] {strides = array<i32>} : memref<80000xf32, #tpu.memory_space<vmem>>, vector<16xf32>,
      %sub3A_862 = arith.subf %get3A_861, %sub3A_310 : vector<16xf32>
      %max3A_863 = arith.constant 0.000000e+00 : f32
      %max3A_864 = vector.broadcast %max3A_863 : f32 to vector<16xf32>
      %max3A_865 = arith.maximumf %sub3A_862, %max3A_864 : vector<16xf32>
      %add3A_866 = arith.addf %scan3A_838, %max3A_865 : vector<16xf32>
      %add3A_867 = arith.constant 32 : i32
      %add3A_868 = arith.addi %add3A_848, %add3A_867 : i32
      %get3A_869 = arith.index_cast %add3A_868 : i32 to index
      %get3A_870 = tpu.vector_load %arg8[%get3A_869] {strides = array<i32>} : memref<80000xf32, #tpu.memory_space<vmem>>, vector<16xf32>,
      %sub3A_871 = arith.subf %get3A_870, %sub3A_310 : vector<16xf32>
      %max3A_872 = arith.constant 0.000000e+00 : f32
      %max3A_873 = vector.broadcast %max3A_872 : f32 to vector<16xf32>
      %max3A_874 = arith.maximumf %sub3A_871, %max3A_873 : vector<16xf32>
      %add3A_875 = arith.addf %scan3A_839, %max3A_874 : vector<16xf32>
      %add3A_876 = arith.constant 48 : i32
      %add3A_877 = arith.addi %add3A_848, %add3A_876 : i32
      %get3A_878 = arith.index_cast %add3A_877 : i32 to index
      %get3A_879 = tpu.vector_load %arg8[%get3A_878] {strides = array<i32>} : memref<80000xf32, #tpu.memory_space<vmem>>, vector<16xf32>,
      %sub3A_880 = arith.subf %get3A_879, %sub3A_310 : vector<16xf32>
      %max3A_881 = arith.constant 0.000000e+00 : f32
      %max3A_882 = vector.broadcast %max3A_881 : f32 to vector<16xf32>
      %max3A_883 = arith.maximumf %sub3A_880, %max3A_882 : vector<16xf32>
      %add3A_884 = arith.addf %scan3A_840, %max3A_883 : vector<16xf32>
      %add3A_885 = arith.constant 64 : i32
      %add3A_886 = arith.addi %add3A_848, %add3A_885 : i32
      %get3A_887 = arith.index_cast %add3A_886 : i32 to index
      %get3A_888 = tpu.vector_load %arg8[%get3A_887] {strides = array<i32>} : memref<80000xf32, #tpu.memory_space<vmem>>, vector<16xf32>,
      %sub3A_889 = arith.subf %get3A_888, %sub3A_310 : vector<16xf32>
      %max3A_890 = arith.constant 0.000000e+00 : f32
      %max3A_891 = vector.broadcast %max3A_890 : f32 to vector<16xf32>
      %max3A_892 = arith.maximumf %sub3A_889, %max3A_891 : vector<16xf32>
      %add3A_893 = arith.addf %scan3A_841, %max3A_892 : vector<16xf32>
      %add3A_894 = arith.constant 80 : i32
      %add3A_895 = arith.addi %add3A_848, %add3A_894 : i32
      %get3A_896 = arith.index_cast %add3A_895 : i32 to index
      %get3A_897 = tpu.vector_load %arg8[%get3A_896] {strides = array<i32>} : memref<80000xf32, #tpu.memory_space<vmem>>, vector<16xf32>,
      %sub3A_898 = arith.subf %get3A_897, %sub3A_310 : vector<16xf32>
      %max3A_899 = arith.constant 0.000000e+00 : f32
      %max3A_900 = vector.broadcast %max3A_899 : f32 to vector<16xf32>
      %max3A_901 = arith.maximumf %sub3A_898, %max3A_900 : vector<16xf32>
      %add3A_902 = arith.addf %scan3A_842, %max3A_901 : vector<16xf32>
      %add3A_903 = arith.constant 96 : i32
      %add3A_904 = arith.addi %add3A_848, %add3A_903 : i32
      %get3A_905 = arith.index_cast %add3A_904 : i32 to index
      %get3A_906 = tpu.vector_load %arg8[%get3A_905] {strides = array<i32>} : memref<80000xf32, #tpu.memory_space<vmem>>, vector<16xf32>,
      %sub3A_907 = arith.subf %get3A_906, %sub3A_310 : vector<16xf32>
      %max3A_908 = arith.constant 0.000000e+00 : f32
      %max3A_909 = vector.broadcast %max3A_908 : f32 to vector<16xf32>
      %max3A_910 = arith.maximumf %sub3A_907, %max3A_909 : vector<16xf32>
      %add3A_911 = arith.addf %scan3A_843, %max3A_910 : vector<16xf32>
      %add3A_912 = arith.constant 112 : i32
      %add3A_913 = arith.addi %add3A_848, %add3A_912 : i32
      %get3A_914 = arith.index_cast %add3A_913 : i32 to index
      %get3A_915 = tpu.vector_load %arg8[%get3A_914] {strides = array<i32>} : memref<80000xf32, #tpu.memory_space<vmem>>, vector<16xf32>,
      %sub3A_916 = arith.subf %get3A_915, %sub3A_310 : vector<16xf32>
      %max3A_917 = arith.constant 0.000000e+00 : f32
      %max3A_918 = vector.broadcast %max3A_917 : f32 to vector<16xf32>
      %max3A_919 = arith.maximumf %sub3A_916, %max3A_918 : vector<16xf32>
      %add3A_920 = arith.addf %scan3A_844, %max3A_919 : vector<16xf32>
      scf.yield %add3A_857, %add3A_866, %add3A_875, %add3A_884, %add3A_893, %add3A_902, %add3A_911, %add3A_920 : vector<16xf32>, vector<16xf32>, vector<16xf32>, vector<16xf32>, vector<16xf32>, vector<16xf32>, vector<16xf32>, vector<16xf32>
    }
    %scan3A_316 = arith.constant 156 : i32
    %get3A_317 = arith.constant 59968 : index
    %get3A_318 = tpu.vector_load %arg8[%get3A_317] {strides = array<i32>} : memref<80000xf32, #tpu.memory_space<vmem>>, vector<16xf32>,
    %sub3A_319 = arith.subf %get3A_318, %sub3A_310 : vector<16xf32>
    %max3A_320 = arith.constant 0.000000e+00 : f32
    %max3A_321 = vector.broadcast %max3A_320 : f32 to vector<16xf32>
    %max3A_322 = arith.maximumf %sub3A_319, %max3A_321 : vector<16xf32>
    %add3A_323 = arith.addf %scan3A_315#0, %max3A_322 : vector<16xf32>
    %get3A_324 = arith.constant 59984 : index
    %get3A_325 = tpu.vector_load %arg8[%get3A_324] {strides = array<i32>} : memref<80000xf32, #tpu.memory_space<vmem>>, vector<16xf32>,
    %sub3A_326 = arith.subf %get3A_325, %sub3A_310 : vector<16xf32>
    %max3A_327 = arith.constant 0.000000e+00 : f32
    %max3A_328 = vector.broadcast %max3A_327 : f32 to vector<16xf32>
    %max3A_329 = arith.maximumf %sub3A_326, %max3A_328 : vector<16xf32>
    %add3A_330 = arith.addf %scan3A_315#1, %max3A_329 : vector<16xf32>
    %add3A_331 = arith.constant 200000 : i32
    %add3A_332 = arith.addi %mul3A_2, %add3A_331 : i32
    %dma_start3A_333 = arith.constant 40000 : i32
    %dma_start3A_334 = tpu.memref_slice %arg8[%dma_start3A_333] : memref<80000xf32, #tpu.memory_space<vmem>> -> memref<20000xf32, #tpu.memory_space<vmem>>
    %dma_start3A_335 = tpu.memref_slice %arg3[%add3A_332] : memref<12800000xf32, #tpu.memory_space<hbm>> -> memref<20000xf32, #tpu.memory_space<hbm>>
    %dma_start3A_336 = arith.constant 40000 : i32
    %dma_start3A_337 = tpu.memref_slice %arg8[%dma_start3A_336] : memref<80000xf32, #tpu.memory_space<vmem>> -> memref<20000xf32, #tpu.memory_space<vmem>>
    %dma_start3A_338 = tpu.memref_slice %arg3[%add3A_332] : memref<12800000xf32, #tpu.memory_space<hbm>> -> memref<20000xf32, #tpu.memory_space<hbm>>
    tpu.enqueue_dma source(%dma_start3A_338 : memref<20000xf32, #tpu.memory_space<hbm>>) target(%dma_start3A_337 : memref<20000xf32, #tpu.memory_space<vmem>>) target_semaphore(%arg13 : memref<!tpu.dma_semaphore, #tpu.memory_space<semaphore_mem>>)
    %dma_wait3A_339 = arith.constant 60000 : i32
    %dma_wait3A_340 = tpu.memref_slice %arg8[%dma_wait3A_339] : memref<80000xf32, #tpu.memory_space<vmem>> -> memref<20000xf32, #tpu.memory_space<vmem>>
    %dma_wait3A_341 = tpu.memref_slice %arg3[%add3A_212] : memref<12800000xf32, #tpu.memory_space<hbm>> -> memref<20000xf32, #tpu.memory_space<hbm>>
    %dma_wait3A_342 = arith.constant 60000 : i32
    %dma_wait3A_343 = tpu.memref_slice %arg8[%dma_wait3A_342] : memref<80000xf32, #tpu.memory_space<vmem>> -> memref<20000xf32, #tpu.memory_space<vmem>>
    %dma_wait3A_344 = tpu.memref_slice %arg3[%add3A_212] : memref<12800000xf32, #tpu.memory_space<hbm>> -> memref<20000xf32, #tpu.memory_space<hbm>>
    tpu.wait_dma2 semaphore(%arg14 : memref<!tpu.dma_semaphore, #tpu.memory_space<semaphore_mem>>) src(%dma_wait3A_344 : memref<20000xf32, #tpu.memory_space<hbm>>) dst(%dma_wait3A_343 : memref<20000xf32, #tpu.memory_space<vmem>>)
    %broadcast_in_dim3A_345 = arith.constant 1 : i32
    %broadcast_in_dim3A_346 = vector.broadcast %broadcast_in_dim3A_345 : i32 to vector<16xi32>
    %gather3A_347 = tpu.vector_load_idx %arg7[%broadcast_in_dim3A_346] : memref<16xf32, #tpu.memory_space<vmem>>[vector<16xi32>], vector<16xf32>,
    %sub3A_348 = arith.constant 1.000000e-01 : f32
    %sub3A_349 = vector.broadcast %sub3A_348 : f32 to vector<16xf32>
    %sub3A_350 = arith.subf %gather3A_347, %sub3A_349 : vector<16xf32>
    %scan3A_351 = arith.constant 0 : i32
    %scan3A_352 = arith.constant 156 : i32
    %scan3A_353 = arith.addi %scan3A_351, %scan3A_352 : i32
    %scan3A_354 = arith.constant 1 : i32
    %scan3A_355:8 = scf.for %scan3A_836 = %scan3A_351 to %scan3A_353 step %scan3A_354 iter_args(%scan3A_837 = %add3A_323, %scan3A_838 = %add3A_330, %scan3A_839 = %scan3A_315#2, %scan3A_840 = %scan3A_315#3, %scan3A_841 = %scan3A_315#4, %scan3A_842 = %scan3A_315#5, %scan3A_843 = %scan3A_315#6, %scan3A_844 = %scan3A_315#7) -> (vector<16xf32>, vector<16xf32>, vector<16xf32>, vector<16xf32>, vector<16xf32>, vector<16xf32>, vector<16xf32>, vector<16xf32>)  : i32 {
      %mul3A_845 = arith.constant 128 : i32
      %mul3A_846 = arith.muli %scan3A_836, %mul3A_845 : i32
      %add3A_847 = arith.constant 60000 : i32
      %add3A_848 = arith.addi %add3A_847, %mul3A_846 : i32
      %add3A_849 = arith.constant 0 : i32
      %add3A_850 = arith.addi %add3A_848, %add3A_849 : i32
      %get3A_851 = arith.index_cast %add3A_850 : i32 to index
      %get3A_852 = tpu.vector_load %arg8[%get3A_851] {strides = array<i32>} : memref<80000xf32, #tpu.memory_space<vmem>>, vector<16xf32>,
      %sub3A_853 = arith.subf %get3A_852, %sub3A_350 : vector<16xf32>
      %max3A_854 = arith.constant 0.000000e+00 : f32
      %max3A_855 = vector.broadcast %max3A_854 : f32 to vector<16xf32>
      %max3A_856 = arith.maximumf %sub3A_853, %max3A_855 : vector<16xf32>
      %add3A_857 = arith.addf %scan3A_837, %max3A_856 : vector<16xf32>
      %add3A_858 = arith.constant 16 : i32
      %add3A_859 = arith.addi %add3A_848, %add3A_858 : i32
      %get3A_860 = arith.index_cast %add3A_859 : i32 to index
      %get3A_861 = tpu.vector_load %arg8[%get3A_860] {strides = array<i32>} : memref<80000xf32, #tpu.memory_space<vmem>>, vector<16xf32>,
      %sub3A_862 = arith.subf %get3A_861, %sub3A_350 : vector<16xf32>
      %max3A_863 = arith.constant 0.000000e+00 : f32
      %max3A_864 = vector.broadcast %max3A_863 : f32 to vector<16xf32>
      %max3A_865 = arith.maximumf %sub3A_862, %max3A_864 : vector<16xf32>
      %add3A_866 = arith.addf %scan3A_838, %max3A_865 : vector<16xf32>
      %add3A_867 = arith.constant 32 : i32
      %add3A_868 = arith.addi %add3A_848, %add3A_867 : i32
      %get3A_869 = arith.index_cast %add3A_868 : i32 to index
      %get3A_870 = tpu.vector_load %arg8[%get3A_869] {strides = array<i32>} : memref<80000xf32, #tpu.memory_space<vmem>>, vector<16xf32>,
      %sub3A_871 = arith.subf %get3A_870, %sub3A_350 : vector<16xf32>
      %max3A_872 = arith.constant 0.000000e+00 : f32
      %max3A_873 = vector.broadcast %max3A_872 : f32 to vector<16xf32>
      %max3A_874 = arith.maximumf %sub3A_871, %max3A_873 : vector<16xf32>
      %add3A_875 = arith.addf %scan3A_839, %max3A_874 : vector<16xf32>
      %add3A_876 = arith.constant 48 : i32
      %add3A_877 = arith.addi %add3A_848, %add3A_876 : i32
      %get3A_878 = arith.index_cast %add3A_877 : i32 to index
      %get3A_879 = tpu.vector_load %arg8[%get3A_878] {strides = array<i32>} : memref<80000xf32, #tpu.memory_space<vmem>>, vector<16xf32>,
      %sub3A_880 = arith.subf %get3A_879, %sub3A_350 : vector<16xf32>
      %max3A_881 = arith.constant 0.000000e+00 : f32
      %max3A_882 = vector.broadcast %max3A_881 : f32 to vector<16xf32>
      %max3A_883 = arith.maximumf %sub3A_880, %max3A_882 : vector<16xf32>
      %add3A_884 = arith.addf %scan3A_840, %max3A_883 : vector<16xf32>
      %add3A_885 = arith.constant 64 : i32
      %add3A_886 = arith.addi %add3A_848, %add3A_885 : i32
      %get3A_887 = arith.index_cast %add3A_886 : i32 to index
      %get3A_888 = tpu.vector_load %arg8[%get3A_887] {strides = array<i32>} : memref<80000xf32, #tpu.memory_space<vmem>>, vector<16xf32>,
      %sub3A_889 = arith.subf %get3A_888, %sub3A_350 : vector<16xf32>
      %max3A_890 = arith.constant 0.000000e+00 : f32
      %max3A_891 = vector.broadcast %max3A_890 : f32 to vector<16xf32>
      %max3A_892 = arith.maximumf %sub3A_889, %max3A_891 : vector<16xf32>
      %add3A_893 = arith.addf %scan3A_841, %max3A_892 : vector<16xf32>
      %add3A_894 = arith.constant 80 : i32
      %add3A_895 = arith.addi %add3A_848, %add3A_894 : i32
      %get3A_896 = arith.index_cast %add3A_895 : i32 to index
      %get3A_897 = tpu.vector_load %arg8[%get3A_896] {strides = array<i32>} : memref<80000xf32, #tpu.memory_space<vmem>>, vector<16xf32>,
      %sub3A_898 = arith.subf %get3A_897, %sub3A_350 : vector<16xf32>
      %max3A_899 = arith.constant 0.000000e+00 : f32
      %max3A_900 = vector.broadcast %max3A_899 : f32 to vector<16xf32>
      %max3A_901 = arith.maximumf %sub3A_898, %max3A_900 : vector<16xf32>
      %add3A_902 = arith.addf %scan3A_842, %max3A_901 : vector<16xf32>
      %add3A_903 = arith.constant 96 : i32
      %add3A_904 = arith.addi %add3A_848, %add3A_903 : i32
      %get3A_905 = arith.index_cast %add3A_904 : i32 to index
      %get3A_906 = tpu.vector_load %arg8[%get3A_905] {strides = array<i32>} : memref<80000xf32, #tpu.memory_space<vmem>>, vector<16xf32>,
      %sub3A_907 = arith.subf %get3A_906, %sub3A_350 : vector<16xf32>
      %max3A_908 = arith.constant 0.000000e+00 : f32
      %max3A_909 = vector.broadcast %max3A_908 : f32 to vector<16xf32>
      %max3A_910 = arith.maximumf %sub3A_907, %max3A_909 : vector<16xf32>
      %add3A_911 = arith.addf %scan3A_843, %max3A_910 : vector<16xf32>
      %add3A_912 = arith.constant 112 : i32
      %add3A_913 = arith.addi %add3A_848, %add3A_912 : i32
      %get3A_914 = arith.index_cast %add3A_913 : i32 to index
      %get3A_915 = tpu.vector_load %arg8[%get3A_914] {strides = array<i32>} : memref<80000xf32, #tpu.memory_space<vmem>>, vector<16xf32>,
      %sub3A_916 = arith.subf %get3A_915, %sub3A_350 : vector<16xf32>
      %max3A_917 = arith.constant 0.000000e+00 : f32
      %max3A_918 = vector.broadcast %max3A_917 : f32 to vector<16xf32>
      %max3A_919 = arith.maximumf %sub3A_916, %max3A_918 : vector<16xf32>
      %add3A_920 = arith.addf %scan3A_844, %max3A_919 : vector<16xf32>
      scf.yield %add3A_857, %add3A_866, %add3A_875, %add3A_884, %add3A_893, %add3A_902, %add3A_911, %add3A_920 : vector<16xf32>, vector<16xf32>, vector<16xf32>, vector<16xf32>, vector<16xf32>, vector<16xf32>, vector<16xf32>, vector<16xf32>
    }
    %scan3A_356 = arith.constant 156 : i32
    %get3A_357 = arith.constant 79968 : index
    %get3A_358 = tpu.vector_load %arg8[%get3A_357] {strides = array<i32>} : memref<80000xf32, #tpu.memory_space<vmem>>, vector<16xf32>,
    %sub3A_359 = arith.subf %get3A_358, %sub3A_350 : vector<16xf32>
    %max3A_360 = arith.constant 0.000000e+00 : f32
    %max3A_361 = vector.broadcast %max3A_360 : f32 to vector<16xf32>
    %max3A_362 = arith.maximumf %sub3A_359, %max3A_361 : vector<16xf32>
    %add3A_363 = arith.addf %scan3A_355#0, %max3A_362 : vector<16xf32>
    %get3A_364 = arith.constant 79984 : index
    %get3A_365 = tpu.vector_load %arg8[%get3A_364] {strides = array<i32>} : memref<80000xf32, #tpu.memory_space<vmem>>, vector<16xf32>,
    %sub3A_366 = arith.subf %get3A_365, %sub3A_350 : vector<16xf32>
    %max3A_367 = arith.constant 0.000000e+00 : f32
    %max3A_368 = vector.broadcast %max3A_367 : f32 to vector<16xf32>
    %max3A_369 = arith.maximumf %sub3A_366, %max3A_368 : vector<16xf32>
    %add3A_370 = arith.addf %scan3A_355#1, %max3A_369 : vector<16xf32>
    %add3A_371 = arith.constant 220000 : i32
    %add3A_372 = arith.addi %mul3A_2, %add3A_371 : i32
    %dma_start3A_373 = arith.constant 60000 : i32
    %dma_start3A_374 = tpu.memref_slice %arg8[%dma_start3A_373] : memref<80000xf32, #tpu.memory_space<vmem>> -> memref<20000xf32, #tpu.memory_space<vmem>>
    %dma_start3A_375 = tpu.memref_slice %arg3[%add3A_372] : memref<12800000xf32, #tpu.memory_space<hbm>> -> memref<20000xf32, #tpu.memory_space<hbm>>
    %dma_start3A_376 = arith.constant 60000 : i32
    %dma_start3A_377 = tpu.memref_slice %arg8[%dma_start3A_376] : memref<80000xf32, #tpu.memory_space<vmem>> -> memref<20000xf32, #tpu.memory_space<vmem>>
    %dma_start3A_378 = tpu.memref_slice %arg3[%add3A_372] : memref<12800000xf32, #tpu.memory_space<hbm>> -> memref<20000xf32, #tpu.memory_space<hbm>>
    tpu.enqueue_dma source(%dma_start3A_378 : memref<20000xf32, #tpu.memory_space<hbm>>) target(%dma_start3A_377 : memref<20000xf32, #tpu.memory_space<vmem>>) target_semaphore(%arg14 : memref<!tpu.dma_semaphore, #tpu.memory_space<semaphore_mem>>)
    %dma_wait3A_379 = arith.constant 0 : i32
    %dma_wait3A_380 = tpu.memref_slice %arg8[%dma_wait3A_379] : memref<80000xf32, #tpu.memory_space<vmem>> -> memref<20000xf32, #tpu.memory_space<vmem>>
    %dma_wait3A_381 = tpu.memref_slice %arg3[%add3A_252] : memref<12800000xf32, #tpu.memory_space<hbm>> -> memref<20000xf32, #tpu.memory_space<hbm>>
    %dma_wait3A_382 = arith.constant 0 : i32
    %dma_wait3A_383 = tpu.memref_slice %arg8[%dma_wait3A_382] : memref<80000xf32, #tpu.memory_space<vmem>> -> memref<20000xf32, #tpu.memory_space<vmem>>
    %dma_wait3A_384 = tpu.memref_slice %arg3[%add3A_252] : memref<12800000xf32, #tpu.memory_space<hbm>> -> memref<20000xf32, #tpu.memory_space<hbm>>
    tpu.wait_dma2 semaphore(%arg11 : memref<!tpu.dma_semaphore, #tpu.memory_space<semaphore_mem>>) src(%dma_wait3A_384 : memref<20000xf32, #tpu.memory_space<hbm>>) dst(%dma_wait3A_383 : memref<20000xf32, #tpu.memory_space<vmem>>)
    %broadcast_in_dim3A_385 = arith.constant 1 : i32
    %broadcast_in_dim3A_386 = vector.broadcast %broadcast_in_dim3A_385 : i32 to vector<16xi32>
    %gather3A_387 = tpu.vector_load_idx %arg7[%broadcast_in_dim3A_386] : memref<16xf32, #tpu.memory_space<vmem>>[vector<16xi32>], vector<16xf32>,
    %sub3A_388 = arith.constant 1.000000e-01 : f32
    %sub3A_389 = vector.broadcast %sub3A_388 : f32 to vector<16xf32>
    %sub3A_390 = arith.subf %gather3A_387, %sub3A_389 : vector<16xf32>
    %scan3A_391 = arith.constant 0 : i32
    %scan3A_392 = arith.constant 156 : i32
    %scan3A_393 = arith.addi %scan3A_391, %scan3A_392 : i32
    %scan3A_394 = arith.constant 1 : i32
    %scan3A_395:8 = scf.for %scan3A_836 = %scan3A_391 to %scan3A_393 step %scan3A_394 iter_args(%scan3A_837 = %add3A_363, %scan3A_838 = %add3A_370, %scan3A_839 = %scan3A_355#2, %scan3A_840 = %scan3A_355#3, %scan3A_841 = %scan3A_355#4, %scan3A_842 = %scan3A_355#5, %scan3A_843 = %scan3A_355#6, %scan3A_844 = %scan3A_355#7) -> (vector<16xf32>, vector<16xf32>, vector<16xf32>, vector<16xf32>, vector<16xf32>, vector<16xf32>, vector<16xf32>, vector<16xf32>)  : i32 {
      %mul3A_845 = arith.constant 128 : i32
      %mul3A_846 = arith.muli %scan3A_836, %mul3A_845 : i32
      %add3A_847 = arith.constant 0 : i32
      %add3A_848 = arith.addi %add3A_847, %mul3A_846 : i32
      %add3A_849 = arith.constant 0 : i32
      %add3A_850 = arith.addi %add3A_848, %add3A_849 : i32
      %get3A_851 = arith.index_cast %add3A_850 : i32 to index
      %get3A_852 = tpu.vector_load %arg8[%get3A_851] {strides = array<i32>} : memref<80000xf32, #tpu.memory_space<vmem>>, vector<16xf32>,
      %sub3A_853 = arith.subf %get3A_852, %sub3A_390 : vector<16xf32>
      %max3A_854 = arith.constant 0.000000e+00 : f32
      %max3A_855 = vector.broadcast %max3A_854 : f32 to vector<16xf32>
      %max3A_856 = arith.maximumf %sub3A_853, %max3A_855 : vector<16xf32>
      %add3A_857 = arith.addf %scan3A_837, %max3A_856 : vector<16xf32>
      %add3A_858 = arith.constant 16 : i32
      %add3A_859 = arith.addi %add3A_848, %add3A_858 : i32
      %get3A_860 = arith.index_cast %add3A_859 : i32 to index
      %get3A_861 = tpu.vector_load %arg8[%get3A_860] {strides = array<i32>} : memref<80000xf32, #tpu.memory_space<vmem>>, vector<16xf32>,
      %sub3A_862 = arith.subf %get3A_861, %sub3A_390 : vector<16xf32>
      %max3A_863 = arith.constant 0.000000e+00 : f32
      %max3A_864 = vector.broadcast %max3A_863 : f32 to vector<16xf32>
      %max3A_865 = arith.maximumf %sub3A_862, %max3A_864 : vector<16xf32>
      %add3A_866 = arith.addf %scan3A_838, %max3A_865 : vector<16xf32>
      %add3A_867 = arith.constant 32 : i32
      %add3A_868 = arith.addi %add3A_848, %add3A_867 : i32
      %get3A_869 = arith.index_cast %add3A_868 : i32 to index
      %get3A_870 = tpu.vector_load %arg8[%get3A_869] {strides = array<i32>} : memref<80000xf32, #tpu.memory_space<vmem>>, vector<16xf32>,
      %sub3A_871 = arith.subf %get3A_870, %sub3A_390 : vector<16xf32>
      %max3A_872 = arith.constant 0.000000e+00 : f32
      %max3A_873 = vector.broadcast %max3A_872 : f32 to vector<16xf32>
      %max3A_874 = arith.maximumf %sub3A_871, %max3A_873 : vector<16xf32>
      %add3A_875 = arith.addf %scan3A_839, %max3A_874 : vector<16xf32>
      %add3A_876 = arith.constant 48 : i32
      %add3A_877 = arith.addi %add3A_848, %add3A_876 : i32
      %get3A_878 = arith.index_cast %add3A_877 : i32 to index
      %get3A_879 = tpu.vector_load %arg8[%get3A_878] {strides = array<i32>} : memref<80000xf32, #tpu.memory_space<vmem>>, vector<16xf32>,
      %sub3A_880 = arith.subf %get3A_879, %sub3A_390 : vector<16xf32>
      %max3A_881 = arith.constant 0.000000e+00 : f32
      %max3A_882 = vector.broadcast %max3A_881 : f32 to vector<16xf32>
      %max3A_883 = arith.maximumf %sub3A_880, %max3A_882 : vector<16xf32>
      %add3A_884 = arith.addf %scan3A_840, %max3A_883 : vector<16xf32>
      %add3A_885 = arith.constant 64 : i32
      %add3A_886 = arith.addi %add3A_848, %add3A_885 : i32
      %get3A_887 = arith.index_cast %add3A_886 : i32 to index
      %get3A_888 = tpu.vector_load %arg8[%get3A_887] {strides = array<i32>} : memref<80000xf32, #tpu.memory_space<vmem>>, vector<16xf32>,
      %sub3A_889 = arith.subf %get3A_888, %sub3A_390 : vector<16xf32>
      %max3A_890 = arith.constant 0.000000e+00 : f32
      %max3A_891 = vector.broadcast %max3A_890 : f32 to vector<16xf32>
      %max3A_892 = arith.maximumf %sub3A_889, %max3A_891 : vector<16xf32>
      %add3A_893 = arith.addf %scan3A_841, %max3A_892 : vector<16xf32>
      %add3A_894 = arith.constant 80 : i32
      %add3A_895 = arith.addi %add3A_848, %add3A_894 : i32
      %get3A_896 = arith.index_cast %add3A_895 : i32 to index
      %get3A_897 = tpu.vector_load %arg8[%get3A_896] {strides = array<i32>} : memref<80000xf32, #tpu.memory_space<vmem>>, vector<16xf32>,
      %sub3A_898 = arith.subf %get3A_897, %sub3A_390 : vector<16xf32>
      %max3A_899 = arith.constant 0.000000e+00 : f32
      %max3A_900 = vector.broadcast %max3A_899 : f32 to vector<16xf32>
      %max3A_901 = arith.maximumf %sub3A_898, %max3A_900 : vector<16xf32>
      %add3A_902 = arith.addf %scan3A_842, %max3A_901 : vector<16xf32>
      %add3A_903 = arith.constant 96 : i32
      %add3A_904 = arith.addi %add3A_848, %add3A_903 : i32
      %get3A_905 = arith.index_cast %add3A_904 : i32 to index
      %get3A_906 = tpu.vector_load %arg8[%get3A_905] {strides = array<i32>} : memref<80000xf32, #tpu.memory_space<vmem>>, vector<16xf32>,
      %sub3A_907 = arith.subf %get3A_906, %sub3A_390 : vector<16xf32>
      %max3A_908 = arith.constant 0.000000e+00 : f32
      %max3A_909 = vector.broadcast %max3A_908 : f32 to vector<16xf32>
      %max3A_910 = arith.maximumf %sub3A_907, %max3A_909 : vector<16xf32>
      %add3A_911 = arith.addf %scan3A_843, %max3A_910 : vector<16xf32>
      %add3A_912 = arith.constant 112 : i32
      %add3A_913 = arith.addi %add3A_848, %add3A_912 : i32
      %get3A_914 = arith.index_cast %add3A_913 : i32 to index
      %get3A_915 = tpu.vector_load %arg8[%get3A_914] {strides = array<i32>} : memref<80000xf32, #tpu.memory_space<vmem>>, vector<16xf32>,
      %sub3A_916 = arith.subf %get3A_915, %sub3A_390 : vector<16xf32>
      %max3A_917 = arith.constant 0.000000e+00 : f32
      %max3A_918 = vector.broadcast %max3A_917 : f32 to vector<16xf32>
      %max3A_919 = arith.maximumf %sub3A_916, %max3A_918 : vector<16xf32>
      %add3A_920 = arith.addf %scan3A_844, %max3A_919 : vector<16xf32>
      scf.yield %add3A_857, %add3A_866, %add3A_875, %add3A_884, %add3A_893, %add3A_902, %add3A_911, %add3A_920 : vector<16xf32>, vector<16xf32>, vector<16xf32>, vector<16xf32>, vector<16xf32>, vector<16xf32>, vector<16xf32>, vector<16xf32>
    }
    %scan3A_396 = arith.constant 156 : i32
    %get3A_397 = arith.constant 19968 : index
    %get3A_398 = tpu.vector_load %arg8[%get3A_397] {strides = array<i32>} : memref<80000xf32, #tpu.memory_space<vmem>>, vector<16xf32>,
    %sub3A_399 = arith.subf %get3A_398, %sub3A_390 : vector<16xf32>
    %max3A_400 = arith.constant 0.000000e+00 : f32
    %max3A_401 = vector.broadcast %max3A_400 : f32 to vector<16xf32>
    %max3A_402 = arith.maximumf %sub3A_399, %max3A_401 : vector<16xf32>
    %add3A_403 = arith.addf %scan3A_395#0, %max3A_402 : vector<16xf32>
    %get3A_404 = arith.constant 19984 : index
    %get3A_405 = tpu.vector_load %arg8[%get3A_404] {strides = array<i32>} : memref<80000xf32, #tpu.memory_space<vmem>>, vector<16xf32>,
    %sub3A_406 = arith.subf %get3A_405, %sub3A_390 : vector<16xf32>
    %max3A_407 = arith.constant 0.000000e+00 : f32
    %max3A_408 = vector.broadcast %max3A_407 : f32 to vector<16xf32>
    %max3A_409 = arith.maximumf %sub3A_406, %max3A_408 : vector<16xf32>
    %add3A_410 = arith.addf %scan3A_395#1, %max3A_409 : vector<16xf32>
    %add3A_411 = arith.constant 240000 : i32
    %add3A_412 = arith.addi %mul3A_2, %add3A_411 : i32
    %dma_start3A_413 = arith.constant 0 : i32
    %dma_start3A_414 = tpu.memref_slice %arg8[%dma_start3A_413] : memref<80000xf32, #tpu.memory_space<vmem>> -> memref<20000xf32, #tpu.memory_space<vmem>>
    %dma_start3A_415 = tpu.memref_slice %arg3[%add3A_412] : memref<12800000xf32, #tpu.memory_space<hbm>> -> memref<20000xf32, #tpu.memory_space<hbm>>
    %dma_start3A_416 = arith.constant 0 : i32
    %dma_start3A_417 = tpu.memref_slice %arg8[%dma_start3A_416] : memref<80000xf32, #tpu.memory_space<vmem>> -> memref<20000xf32, #tpu.memory_space<vmem>>
    %dma_start3A_418 = tpu.memref_slice %arg3[%add3A_412] : memref<12800000xf32, #tpu.memory_space<hbm>> -> memref<20000xf32, #tpu.memory_space<hbm>>
    tpu.enqueue_dma source(%dma_start3A_418 : memref<20000xf32, #tpu.memory_space<hbm>>) target(%dma_start3A_417 : memref<20000xf32, #tpu.memory_space<vmem>>) target_semaphore(%arg11 : memref<!tpu.dma_semaphore, #tpu.memory_space<semaphore_mem>>)
    %dma_wait3A_419 = arith.constant 20000 : i32
    %dma_wait3A_420 = tpu.memref_slice %arg8[%dma_wait3A_419] : memref<80000xf32, #tpu.memory_space<vmem>> -> memref<20000xf32, #tpu.memory_space<vmem>>
    %dma_wait3A_421 = tpu.memref_slice %arg3[%add3A_292] : memref<12800000xf32, #tpu.memory_space<hbm>> -> memref<20000xf32, #tpu.memory_space<hbm>>
    %dma_wait3A_422 = arith.constant 20000 : i32
    %dma_wait3A_423 = tpu.memref_slice %arg8[%dma_wait3A_422] : memref<80000xf32, #tpu.memory_space<vmem>> -> memref<20000xf32, #tpu.memory_space<vmem>>
    %dma_wait3A_424 = tpu.memref_slice %arg3[%add3A_292] : memref<12800000xf32, #tpu.memory_space<hbm>> -> memref<20000xf32, #tpu.memory_space<hbm>>
    tpu.wait_dma2 semaphore(%arg12 : memref<!tpu.dma_semaphore, #tpu.memory_space<semaphore_mem>>) src(%dma_wait3A_424 : memref<20000xf32, #tpu.memory_space<hbm>>) dst(%dma_wait3A_423 : memref<20000xf32, #tpu.memory_space<vmem>>)
    %broadcast_in_dim3A_425 = arith.constant 1 : i32
    %broadcast_in_dim3A_426 = vector.broadcast %broadcast_in_dim3A_425 : i32 to vector<16xi32>
    %gather3A_427 = tpu.vector_load_idx %arg7[%broadcast_in_dim3A_426] : memref<16xf32, #tpu.memory_space<vmem>>[vector<16xi32>], vector<16xf32>,
    %sub3A_428 = arith.constant 1.000000e-01 : f32
    %sub3A_429 = vector.broadcast %sub3A_428 : f32 to vector<16xf32>
    %sub3A_430 = arith.subf %gather3A_427, %sub3A_429 : vector<16xf32>
    %scan3A_431 = arith.constant 0 : i32
    %scan3A_432 = arith.constant 156 : i32
    %scan3A_433 = arith.addi %scan3A_431, %scan3A_432 : i32
    %scan3A_434 = arith.constant 1 : i32
    %scan3A_435:8 = scf.for %scan3A_836 = %scan3A_431 to %scan3A_433 step %scan3A_434 iter_args(%scan3A_837 = %add3A_403, %scan3A_838 = %add3A_410, %scan3A_839 = %scan3A_395#2, %scan3A_840 = %scan3A_395#3, %scan3A_841 = %scan3A_395#4, %scan3A_842 = %scan3A_395#5, %scan3A_843 = %scan3A_395#6, %scan3A_844 = %scan3A_395#7) -> (vector<16xf32>, vector<16xf32>, vector<16xf32>, vector<16xf32>, vector<16xf32>, vector<16xf32>, vector<16xf32>, vector<16xf32>)  : i32 {
      %mul3A_845 = arith.constant 128 : i32
      %mul3A_846 = arith.muli %scan3A_836, %mul3A_845 : i32
      %add3A_847 = arith.constant 20000 : i32
      %add3A_848 = arith.addi %add3A_847, %mul3A_846 : i32
      %add3A_849 = arith.constant 0 : i32
      %add3A_850 = arith.addi %add3A_848, %add3A_849 : i32
      %get3A_851 = arith.index_cast %add3A_850 : i32 to index
      %get3A_852 = tpu.vector_load %arg8[%get3A_851] {strides = array<i32>} : memref<80000xf32, #tpu.memory_space<vmem>>, vector<16xf32>,
      %sub3A_853 = arith.subf %get3A_852, %sub3A_430 : vector<16xf32>
      %max3A_854 = arith.constant 0.000000e+00 : f32
      %max3A_855 = vector.broadcast %max3A_854 : f32 to vector<16xf32>
      %max3A_856 = arith.maximumf %sub3A_853, %max3A_855 : vector<16xf32>
      %add3A_857 = arith.addf %scan3A_837, %max3A_856 : vector<16xf32>
      %add3A_858 = arith.constant 16 : i32
      %add3A_859 = arith.addi %add3A_848, %add3A_858 : i32
      %get3A_860 = arith.index_cast %add3A_859 : i32 to index
      %get3A_861 = tpu.vector_load %arg8[%get3A_860] {strides = array<i32>} : memref<80000xf32, #tpu.memory_space<vmem>>, vector<16xf32>,
      %sub3A_862 = arith.subf %get3A_861, %sub3A_430 : vector<16xf32>
      %max3A_863 = arith.constant 0.000000e+00 : f32
      %max3A_864 = vector.broadcast %max3A_863 : f32 to vector<16xf32>
      %max3A_865 = arith.maximumf %sub3A_862, %max3A_864 : vector<16xf32>
      %add3A_866 = arith.addf %scan3A_838, %max3A_865 : vector<16xf32>
      %add3A_867 = arith.constant 32 : i32
      %add3A_868 = arith.addi %add3A_848, %add3A_867 : i32
      %get3A_869 = arith.index_cast %add3A_868 : i32 to index
      %get3A_870 = tpu.vector_load %arg8[%get3A_869] {strides = array<i32>} : memref<80000xf32, #tpu.memory_space<vmem>>, vector<16xf32>,
      %sub3A_871 = arith.subf %get3A_870, %sub3A_430 : vector<16xf32>
      %max3A_872 = arith.constant 0.000000e+00 : f32
      %max3A_873 = vector.broadcast %max3A_872 : f32 to vector<16xf32>
      %max3A_874 = arith.maximumf %sub3A_871, %max3A_873 : vector<16xf32>
      %add3A_875 = arith.addf %scan3A_839, %max3A_874 : vector<16xf32>
      %add3A_876 = arith.constant 48 : i32
      %add3A_877 = arith.addi %add3A_848, %add3A_876 : i32
      %get3A_878 = arith.index_cast %add3A_877 : i32 to index
      %get3A_879 = tpu.vector_load %arg8[%get3A_878] {strides = array<i32>} : memref<80000xf32, #tpu.memory_space<vmem>>, vector<16xf32>,
      %sub3A_880 = arith.subf %get3A_879, %sub3A_430 : vector<16xf32>
      %max3A_881 = arith.constant 0.000000e+00 : f32
      %max3A_882 = vector.broadcast %max3A_881 : f32 to vector<16xf32>
      %max3A_883 = arith.maximumf %sub3A_880, %max3A_882 : vector<16xf32>
      %add3A_884 = arith.addf %scan3A_840, %max3A_883 : vector<16xf32>
      %add3A_885 = arith.constant 64 : i32
      %add3A_886 = arith.addi %add3A_848, %add3A_885 : i32
      %get3A_887 = arith.index_cast %add3A_886 : i32 to index
      %get3A_888 = tpu.vector_load %arg8[%get3A_887] {strides = array<i32>} : memref<80000xf32, #tpu.memory_space<vmem>>, vector<16xf32>,
      %sub3A_889 = arith.subf %get3A_888, %sub3A_430 : vector<16xf32>
      %max3A_890 = arith.constant 0.000000e+00 : f32
      %max3A_891 = vector.broadcast %max3A_890 : f32 to vector<16xf32>
      %max3A_892 = arith.maximumf %sub3A_889, %max3A_891 : vector<16xf32>
      %add3A_893 = arith.addf %scan3A_841, %max3A_892 : vector<16xf32>
      %add3A_894 = arith.constant 80 : i32
      %add3A_895 = arith.addi %add3A_848, %add3A_894 : i32
      %get3A_896 = arith.index_cast %add3A_895 : i32 to index
      %get3A_897 = tpu.vector_load %arg8[%get3A_896] {strides = array<i32>} : memref<80000xf32, #tpu.memory_space<vmem>>, vector<16xf32>,
      %sub3A_898 = arith.subf %get3A_897, %sub3A_430 : vector<16xf32>
      %max3A_899 = arith.constant 0.000000e+00 : f32
      %max3A_900 = vector.broadcast %max3A_899 : f32 to vector<16xf32>
      %max3A_901 = arith.maximumf %sub3A_898, %max3A_900 : vector<16xf32>
      %add3A_902 = arith.addf %scan3A_842, %max3A_901 : vector<16xf32>
      %add3A_903 = arith.constant 96 : i32
      %add3A_904 = arith.addi %add3A_848, %add3A_903 : i32
      %get3A_905 = arith.index_cast %add3A_904 : i32 to index
      %get3A_906 = tpu.vector_load %arg8[%get3A_905] {strides = array<i32>} : memref<80000xf32, #tpu.memory_space<vmem>>, vector<16xf32>,
      %sub3A_907 = arith.subf %get3A_906, %sub3A_430 : vector<16xf32>
      %max3A_908 = arith.constant 0.000000e+00 : f32
      %max3A_909 = vector.broadcast %max3A_908 : f32 to vector<16xf32>
      %max3A_910 = arith.maximumf %sub3A_907, %max3A_909 : vector<16xf32>
      %add3A_911 = arith.addf %scan3A_843, %max3A_910 : vector<16xf32>
      %add3A_912 = arith.constant 112 : i32
      %add3A_913 = arith.addi %add3A_848, %add3A_912 : i32
      %get3A_914 = arith.index_cast %add3A_913 : i32 to index
      %get3A_915 = tpu.vector_load %arg8[%get3A_914] {strides = array<i32>} : memref<80000xf32, #tpu.memory_space<vmem>>, vector<16xf32>,
      %sub3A_916 = arith.subf %get3A_915, %sub3A_430 : vector<16xf32>
      %max3A_917 = arith.constant 0.000000e+00 : f32
      %max3A_918 = vector.broadcast %max3A_917 : f32 to vector<16xf32>
      %max3A_919 = arith.maximumf %sub3A_916, %max3A_918 : vector<16xf32>
      %add3A_920 = arith.addf %scan3A_844, %max3A_919 : vector<16xf32>
      scf.yield %add3A_857, %add3A_866, %add3A_875, %add3A_884, %add3A_893, %add3A_902, %add3A_911, %add3A_920 : vector<16xf32>, vector<16xf32>, vector<16xf32>, vector<16xf32>, vector<16xf32>, vector<16xf32>, vector<16xf32>, vector<16xf32>
    }
    %scan3A_436 = arith.constant 156 : i32
    %get3A_437 = arith.constant 39968 : index
    %get3A_438 = tpu.vector_load %arg8[%get3A_437] {strides = array<i32>} : memref<80000xf32, #tpu.memory_space<vmem>>, vector<16xf32>,
    %sub3A_439 = arith.subf %get3A_438, %sub3A_430 : vector<16xf32>
    %max3A_440 = arith.constant 0.000000e+00 : f32
    %max3A_441 = vector.broadcast %max3A_440 : f32 to vector<16xf32>
    %max3A_442 = arith.maximumf %sub3A_439, %max3A_441 : vector<16xf32>
    %add3A_443 = arith.addf %scan3A_435#0, %max3A_442 : vector<16xf32>
    %get3A_444 = arith.constant 39984 : index
    %get3A_445 = tpu.vector_load %arg8[%get3A_444] {strides = array<i32>} : memref<80000xf32, #tpu.memory_space<vmem>>, vector<16xf32>,
    %sub3A_446 = arith.subf %get3A_445, %sub3A_430 : vector<16xf32>
    %max3A_447 = arith.constant 0.000000e+00 : f32
    %max3A_448 = vector.broadcast %max3A_447 : f32 to vector<16xf32>
    %max3A_449 = arith.maximumf %sub3A_446, %max3A_448 : vector<16xf32>
    %add3A_450 = arith.addf %scan3A_435#1, %max3A_449 : vector<16xf32>
    %add3A_451 = arith.constant 260000 : i32
    %add3A_452 = arith.addi %mul3A_2, %add3A_451 : i32
    %dma_start3A_453 = arith.constant 20000 : i32
    %dma_start3A_454 = tpu.memref_slice %arg8[%dma_start3A_453] : memref<80000xf32, #tpu.memory_space<vmem>> -> memref<20000xf32, #tpu.memory_space<vmem>>
    %dma_start3A_455 = tpu.memref_slice %arg3[%add3A_452] : memref<12800000xf32, #tpu.memory_space<hbm>> -> memref<20000xf32, #tpu.memory_space<hbm>>
    %dma_start3A_456 = arith.constant 20000 : i32
    %dma_start3A_457 = tpu.memref_slice %arg8[%dma_start3A_456] : memref<80000xf32, #tpu.memory_space<vmem>> -> memref<20000xf32, #tpu.memory_space<vmem>>
    %dma_start3A_458 = tpu.memref_slice %arg3[%add3A_452] : memref<12800000xf32, #tpu.memory_space<hbm>> -> memref<20000xf32, #tpu.memory_space<hbm>>
    tpu.enqueue_dma source(%dma_start3A_458 : memref<20000xf32, #tpu.memory_space<hbm>>) target(%dma_start3A_457 : memref<20000xf32, #tpu.memory_space<vmem>>) target_semaphore(%arg12 : memref<!tpu.dma_semaphore, #tpu.memory_space<semaphore_mem>>)
    %dma_wait3A_459 = arith.constant 40000 : i32
    %dma_wait3A_460 = tpu.memref_slice %arg8[%dma_wait3A_459] : memref<80000xf32, #tpu.memory_space<vmem>> -> memref<20000xf32, #tpu.memory_space<vmem>>
    %dma_wait3A_461 = tpu.memref_slice %arg3[%add3A_332] : memref<12800000xf32, #tpu.memory_space<hbm>> -> memref<20000xf32, #tpu.memory_space<hbm>>
    %dma_wait3A_462 = arith.constant 40000 : i32
    %dma_wait3A_463 = tpu.memref_slice %arg8[%dma_wait3A_462] : memref<80000xf32, #tpu.memory_space<vmem>> -> memref<20000xf32, #tpu.memory_space<vmem>>
    %dma_wait3A_464 = tpu.memref_slice %arg3[%add3A_332] : memref<12800000xf32, #tpu.memory_space<hbm>> -> memref<20000xf32, #tpu.memory_space<hbm>>
    tpu.wait_dma2 semaphore(%arg13 : memref<!tpu.dma_semaphore, #tpu.memory_space<semaphore_mem>>) src(%dma_wait3A_464 : memref<20000xf32, #tpu.memory_space<hbm>>) dst(%dma_wait3A_463 : memref<20000xf32, #tpu.memory_space<vmem>>)
    %broadcast_in_dim3A_465 = arith.constant 2 : i32
    %broadcast_in_dim3A_466 = vector.broadcast %broadcast_in_dim3A_465 : i32 to vector<16xi32>
    %gather3A_467 = tpu.vector_load_idx %arg7[%broadcast_in_dim3A_466] : memref<16xf32, #tpu.memory_space<vmem>>[vector<16xi32>], vector<16xf32>,
    %sub3A_468 = arith.constant 1.000000e-01 : f32
    %sub3A_469 = vector.broadcast %sub3A_468 : f32 to vector<16xf32>
    %sub3A_470 = arith.subf %gather3A_467, %sub3A_469 : vector<16xf32>
    %scan3A_471 = arith.constant 0 : i32
    %scan3A_472 = arith.constant 156 : i32
    %scan3A_473 = arith.addi %scan3A_471, %scan3A_472 : i32
    %scan3A_474 = arith.constant 1 : i32
    %scan3A_475:8 = scf.for %scan3A_836 = %scan3A_471 to %scan3A_473 step %scan3A_474 iter_args(%scan3A_837 = %add3A_443, %scan3A_838 = %add3A_450, %scan3A_839 = %scan3A_435#2, %scan3A_840 = %scan3A_435#3, %scan3A_841 = %scan3A_435#4, %scan3A_842 = %scan3A_435#5, %scan3A_843 = %scan3A_435#6, %scan3A_844 = %scan3A_435#7) -> (vector<16xf32>, vector<16xf32>, vector<16xf32>, vector<16xf32>, vector<16xf32>, vector<16xf32>, vector<16xf32>, vector<16xf32>)  : i32 {
      %mul3A_845 = arith.constant 128 : i32
      %mul3A_846 = arith.muli %scan3A_836, %mul3A_845 : i32
      %add3A_847 = arith.constant 40000 : i32
      %add3A_848 = arith.addi %add3A_847, %mul3A_846 : i32
      %add3A_849 = arith.constant 0 : i32
      %add3A_850 = arith.addi %add3A_848, %add3A_849 : i32
      %get3A_851 = arith.index_cast %add3A_850 : i32 to index
      %get3A_852 = tpu.vector_load %arg8[%get3A_851] {strides = array<i32>} : memref<80000xf32, #tpu.memory_space<vmem>>, vector<16xf32>,
      %sub3A_853 = arith.subf %get3A_852, %sub3A_470 : vector<16xf32>
      %max3A_854 = arith.constant 0.000000e+00 : f32
      %max3A_855 = vector.broadcast %max3A_854 : f32 to vector<16xf32>
      %max3A_856 = arith.maximumf %sub3A_853, %max3A_855 : vector<16xf32>
      %add3A_857 = arith.addf %scan3A_837, %max3A_856 : vector<16xf32>
      %add3A_858 = arith.constant 16 : i32
      %add3A_859 = arith.addi %add3A_848, %add3A_858 : i32
      %get3A_860 = arith.index_cast %add3A_859 : i32 to index
      %get3A_861 = tpu.vector_load %arg8[%get3A_860] {strides = array<i32>} : memref<80000xf32, #tpu.memory_space<vmem>>, vector<16xf32>,
      %sub3A_862 = arith.subf %get3A_861, %sub3A_470 : vector<16xf32>
      %max3A_863 = arith.constant 0.000000e+00 : f32
      %max3A_864 = vector.broadcast %max3A_863 : f32 to vector<16xf32>
      %max3A_865 = arith.maximumf %sub3A_862, %max3A_864 : vector<16xf32>
      %add3A_866 = arith.addf %scan3A_838, %max3A_865 : vector<16xf32>
      %add3A_867 = arith.constant 32 : i32
      %add3A_868 = arith.addi %add3A_848, %add3A_867 : i32
      %get3A_869 = arith.index_cast %add3A_868 : i32 to index
      %get3A_870 = tpu.vector_load %arg8[%get3A_869] {strides = array<i32>} : memref<80000xf32, #tpu.memory_space<vmem>>, vector<16xf32>,
      %sub3A_871 = arith.subf %get3A_870, %sub3A_470 : vector<16xf32>
      %max3A_872 = arith.constant 0.000000e+00 : f32
      %max3A_873 = vector.broadcast %max3A_872 : f32 to vector<16xf32>
      %max3A_874 = arith.maximumf %sub3A_871, %max3A_873 : vector<16xf32>
      %add3A_875 = arith.addf %scan3A_839, %max3A_874 : vector<16xf32>
      %add3A_876 = arith.constant 48 : i32
      %add3A_877 = arith.addi %add3A_848, %add3A_876 : i32
      %get3A_878 = arith.index_cast %add3A_877 : i32 to index
      %get3A_879 = tpu.vector_load %arg8[%get3A_878] {strides = array<i32>} : memref<80000xf32, #tpu.memory_space<vmem>>, vector<16xf32>,
      %sub3A_880 = arith.subf %get3A_879, %sub3A_470 : vector<16xf32>
      %max3A_881 = arith.constant 0.000000e+00 : f32
      %max3A_882 = vector.broadcast %max3A_881 : f32 to vector<16xf32>
      %max3A_883 = arith.maximumf %sub3A_880, %max3A_882 : vector<16xf32>
      %add3A_884 = arith.addf %scan3A_840, %max3A_883 : vector<16xf32>
      %add3A_885 = arith.constant 64 : i32
      %add3A_886 = arith.addi %add3A_848, %add3A_885 : i32
      %get3A_887 = arith.index_cast %add3A_886 : i32 to index
      %get3A_888 = tpu.vector_load %arg8[%get3A_887] {strides = array<i32>} : memref<80000xf32, #tpu.memory_space<vmem>>, vector<16xf32>,
      %sub3A_889 = arith.subf %get3A_888, %sub3A_470 : vector<16xf32>
      %max3A_890 = arith.constant 0.000000e+00 : f32
      %max3A_891 = vector.broadcast %max3A_890 : f32 to vector<16xf32>
      %max3A_892 = arith.maximumf %sub3A_889, %max3A_891 : vector<16xf32>
      %add3A_893 = arith.addf %scan3A_841, %max3A_892 : vector<16xf32>
      %add3A_894 = arith.constant 80 : i32
      %add3A_895 = arith.addi %add3A_848, %add3A_894 : i32
      %get3A_896 = arith.index_cast %add3A_895 : i32 to index
      %get3A_897 = tpu.vector_load %arg8[%get3A_896] {strides = array<i32>} : memref<80000xf32, #tpu.memory_space<vmem>>, vector<16xf32>,
      %sub3A_898 = arith.subf %get3A_897, %sub3A_470 : vector<16xf32>
      %max3A_899 = arith.constant 0.000000e+00 : f32
      %max3A_900 = vector.broadcast %max3A_899 : f32 to vector<16xf32>
      %max3A_901 = arith.maximumf %sub3A_898, %max3A_900 : vector<16xf32>
      %add3A_902 = arith.addf %scan3A_842, %max3A_901 : vector<16xf32>
      %add3A_903 = arith.constant 96 : i32
      %add3A_904 = arith.addi %add3A_848, %add3A_903 : i32
      %get3A_905 = arith.index_cast %add3A_904 : i32 to index
      %get3A_906 = tpu.vector_load %arg8[%get3A_905] {strides = array<i32>} : memref<80000xf32, #tpu.memory_space<vmem>>, vector<16xf32>,
      %sub3A_907 = arith.subf %get3A_906, %sub3A_470 : vector<16xf32>
      %max3A_908 = arith.constant 0.000000e+00 : f32
      %max3A_909 = vector.broadcast %max3A_908 : f32 to vector<16xf32>
      %max3A_910 = arith.maximumf %sub3A_907, %max3A_909 : vector<16xf32>
      %add3A_911 = arith.addf %scan3A_843, %max3A_910 : vector<16xf32>
      %add3A_912 = arith.constant 112 : i32
      %add3A_913 = arith.addi %add3A_848, %add3A_912 : i32
      %get3A_914 = arith.index_cast %add3A_913 : i32 to index
      %get3A_915 = tpu.vector_load %arg8[%get3A_914] {strides = array<i32>} : memref<80000xf32, #tpu.memory_space<vmem>>, vector<16xf32>,
      %sub3A_916 = arith.subf %get3A_915, %sub3A_470 : vector<16xf32>
      %max3A_917 = arith.constant 0.000000e+00 : f32
      %max3A_918 = vector.broadcast %max3A_917 : f32 to vector<16xf32>
      %max3A_919 = arith.maximumf %sub3A_916, %max3A_918 : vector<16xf32>
      %add3A_920 = arith.addf %scan3A_844, %max3A_919 : vector<16xf32>
      scf.yield %add3A_857, %add3A_866, %add3A_875, %add3A_884, %add3A_893, %add3A_902, %add3A_911, %add3A_920 : vector<16xf32>, vector<16xf32>, vector<16xf32>, vector<16xf32>, vector<16xf32>, vector<16xf32>, vector<16xf32>, vector<16xf32>
    }
    %scan3A_476 = arith.constant 156 : i32
    %get3A_477 = arith.constant 59968 : index
    %get3A_478 = tpu.vector_load %arg8[%get3A_477] {strides = array<i32>} : memref<80000xf32, #tpu.memory_space<vmem>>, vector<16xf32>,
    %sub3A_479 = arith.subf %get3A_478, %sub3A_470 : vector<16xf32>
    %max3A_480 = arith.constant 0.000000e+00 : f32
    %max3A_481 = vector.broadcast %max3A_480 : f32 to vector<16xf32>
    %max3A_482 = arith.maximumf %sub3A_479, %max3A_481 : vector<16xf32>
    %add3A_483 = arith.addf %scan3A_475#0, %max3A_482 : vector<16xf32>
    %get3A_484 = arith.constant 59984 : index
    %get3A_485 = tpu.vector_load %arg8[%get3A_484] {strides = array<i32>} : memref<80000xf32, #tpu.memory_space<vmem>>, vector<16xf32>,
    %sub3A_486 = arith.subf %get3A_485, %sub3A_470 : vector<16xf32>
    %max3A_487 = arith.constant 0.000000e+00 : f32
    %max3A_488 = vector.broadcast %max3A_487 : f32 to vector<16xf32>
    %max3A_489 = arith.maximumf %sub3A_486, %max3A_488 : vector<16xf32>
    %add3A_490 = arith.addf %scan3A_475#1, %max3A_489 : vector<16xf32>
    %add3A_491 = arith.constant 280000 : i32
    %add3A_492 = arith.addi %mul3A_2, %add3A_491 : i32
    %dma_start3A_493 = arith.constant 40000 : i32
    %dma_start3A_494 = tpu.memref_slice %arg8[%dma_start3A_493] : memref<80000xf32, #tpu.memory_space<vmem>> -> memref<20000xf32, #tpu.memory_space<vmem>>
    %dma_start3A_495 = tpu.memref_slice %arg3[%add3A_492] : memref<12800000xf32, #tpu.memory_space<hbm>> -> memref<20000xf32, #tpu.memory_space<hbm>>
    %dma_start3A_496 = arith.constant 40000 : i32
    %dma_start3A_497 = tpu.memref_slice %arg8[%dma_start3A_496] : memref<80000xf32, #tpu.memory_space<vmem>> -> memref<20000xf32, #tpu.memory_space<vmem>>
    %dma_start3A_498 = tpu.memref_slice %arg3[%add3A_492] : memref<12800000xf32, #tpu.memory_space<hbm>> -> memref<20000xf32, #tpu.memory_space<hbm>>
    tpu.enqueue_dma source(%dma_start3A_498 : memref<20000xf32, #tpu.memory_space<hbm>>) target(%dma_start3A_497 : memref<20000xf32, #tpu.memory_space<vmem>>) target_semaphore(%arg13 : memref<!tpu.dma_semaphore, #tpu.memory_space<semaphore_mem>>)
    %dma_wait3A_499 = arith.constant 60000 : i32
    %dma_wait3A_500 = tpu.memref_slice %arg8[%dma_wait3A_499] : memref<80000xf32, #tpu.memory_space<vmem>> -> memref<20000xf32, #tpu.memory_space<vmem>>
    %dma_wait3A_501 = tpu.memref_slice %arg3[%add3A_372] : memref<12800000xf32, #tpu.memory_space<hbm>> -> memref<20000xf32, #tpu.memory_space<hbm>>
    %dma_wait3A_502 = arith.constant 60000 : i32
    %dma_wait3A_503 = tpu.memref_slice %arg8[%dma_wait3A_502] : memref<80000xf32, #tpu.memory_space<vmem>> -> memref<20000xf32, #tpu.memory_space<vmem>>
    %dma_wait3A_504 = tpu.memref_slice %arg3[%add3A_372] : memref<12800000xf32, #tpu.memory_space<hbm>> -> memref<20000xf32, #tpu.memory_space<hbm>>
    tpu.wait_dma2 semaphore(%arg14 : memref<!tpu.dma_semaphore, #tpu.memory_space<semaphore_mem>>) src(%dma_wait3A_504 : memref<20000xf32, #tpu.memory_space<hbm>>) dst(%dma_wait3A_503 : memref<20000xf32, #tpu.memory_space<vmem>>)
    %broadcast_in_dim3A_505 = arith.constant 2 : i32
    %broadcast_in_dim3A_506 = vector.broadcast %broadcast_in_dim3A_505 : i32 to vector<16xi32>
    %gather3A_507 = tpu.vector_load_idx %arg7[%broadcast_in_dim3A_506] : memref<16xf32, #tpu.memory_space<vmem>>[vector<16xi32>], vector<16xf32>,
    %sub3A_508 = arith.constant 1.000000e-01 : f32
    %sub3A_509 = vector.broadcast %sub3A_508 : f32 to vector<16xf32>
    %sub3A_510 = arith.subf %gather3A_507, %sub3A_509 : vector<16xf32>
    %scan3A_511 = arith.constant 0 : i32
    %scan3A_512 = arith.constant 156 : i32
    %scan3A_513 = arith.addi %scan3A_511, %scan3A_512 : i32
    %scan3A_514 = arith.constant 1 : i32
    %scan3A_515:8 = scf.for %scan3A_836 = %scan3A_511 to %scan3A_513 step %scan3A_514 iter_args(%scan3A_837 = %add3A_483, %scan3A_838 = %add3A_490, %scan3A_839 = %scan3A_475#2, %scan3A_840 = %scan3A_475#3, %scan3A_841 = %scan3A_475#4, %scan3A_842 = %scan3A_475#5, %scan3A_843 = %scan3A_475#6, %scan3A_844 = %scan3A_475#7) -> (vector<16xf32>, vector<16xf32>, vector<16xf32>, vector<16xf32>, vector<16xf32>, vector<16xf32>, vector<16xf32>, vector<16xf32>)  : i32 {
      %mul3A_845 = arith.constant 128 : i32
      %mul3A_846 = arith.muli %scan3A_836, %mul3A_845 : i32
      %add3A_847 = arith.constant 60000 : i32
      %add3A_848 = arith.addi %add3A_847, %mul3A_846 : i32
      %add3A_849 = arith.constant 0 : i32
      %add3A_850 = arith.addi %add3A_848, %add3A_849 : i32
      %get3A_851 = arith.index_cast %add3A_850 : i32 to index
      %get3A_852 = tpu.vector_load %arg8[%get3A_851] {strides = array<i32>} : memref<80000xf32, #tpu.memory_space<vmem>>, vector<16xf32>,
      %sub3A_853 = arith.subf %get3A_852, %sub3A_510 : vector<16xf32>
      %max3A_854 = arith.constant 0.000000e+00 : f32
      %max3A_855 = vector.broadcast %max3A_854 : f32 to vector<16xf32>
      %max3A_856 = arith.maximumf %sub3A_853, %max3A_855 : vector<16xf32>
      %add3A_857 = arith.addf %scan3A_837, %max3A_856 : vector<16xf32>
      %add3A_858 = arith.constant 16 : i32
      %add3A_859 = arith.addi %add3A_848, %add3A_858 : i32
      %get3A_860 = arith.index_cast %add3A_859 : i32 to index
      %get3A_861 = tpu.vector_load %arg8[%get3A_860] {strides = array<i32>} : memref<80000xf32, #tpu.memory_space<vmem>>, vector<16xf32>,
      %sub3A_862 = arith.subf %get3A_861, %sub3A_510 : vector<16xf32>
      %max3A_863 = arith.constant 0.000000e+00 : f32
      %max3A_864 = vector.broadcast %max3A_863 : f32 to vector<16xf32>
      %max3A_865 = arith.maximumf %sub3A_862, %max3A_864 : vector<16xf32>
      %add3A_866 = arith.addf %scan3A_838, %max3A_865 : vector<16xf32>
      %add3A_867 = arith.constant 32 : i32
      %add3A_868 = arith.addi %add3A_848, %add3A_867 : i32
      %get3A_869 = arith.index_cast %add3A_868 : i32 to index
      %get3A_870 = tpu.vector_load %arg8[%get3A_869] {strides = array<i32>} : memref<80000xf32, #tpu.memory_space<vmem>>, vector<16xf32>,
      %sub3A_871 = arith.subf %get3A_870, %sub3A_510 : vector<16xf32>
      %max3A_872 = arith.constant 0.000000e+00 : f32
      %max3A_873 = vector.broadcast %max3A_872 : f32 to vector<16xf32>
      %max3A_874 = arith.maximumf %sub3A_871, %max3A_873 : vector<16xf32>
      %add3A_875 = arith.addf %scan3A_839, %max3A_874 : vector<16xf32>
      %add3A_876 = arith.constant 48 : i32
      %add3A_877 = arith.addi %add3A_848, %add3A_876 : i32
      %get3A_878 = arith.index_cast %add3A_877 : i32 to index
      %get3A_879 = tpu.vector_load %arg8[%get3A_878] {strides = array<i32>} : memref<80000xf32, #tpu.memory_space<vmem>>, vector<16xf32>,
      %sub3A_880 = arith.subf %get3A_879, %sub3A_510 : vector<16xf32>
      %max3A_881 = arith.constant 0.000000e+00 : f32
      %max3A_882 = vector.broadcast %max3A_881 : f32 to vector<16xf32>
      %max3A_883 = arith.maximumf %sub3A_880, %max3A_882 : vector<16xf32>
      %add3A_884 = arith.addf %scan3A_840, %max3A_883 : vector<16xf32>
      %add3A_885 = arith.constant 64 : i32
      %add3A_886 = arith.addi %add3A_848, %add3A_885 : i32
      %get3A_887 = arith.index_cast %add3A_886 : i32 to index
      %get3A_888 = tpu.vector_load %arg8[%get3A_887] {strides = array<i32>} : memref<80000xf32, #tpu.memory_space<vmem>>, vector<16xf32>,
      %sub3A_889 = arith.subf %get3A_888, %sub3A_510 : vector<16xf32>
      %max3A_890 = arith.constant 0.000000e+00 : f32
      %max3A_891 = vector.broadcast %max3A_890 : f32 to vector<16xf32>
      %max3A_892 = arith.maximumf %sub3A_889, %max3A_891 : vector<16xf32>
      %add3A_893 = arith.addf %scan3A_841, %max3A_892 : vector<16xf32>
      %add3A_894 = arith.constant 80 : i32
      %add3A_895 = arith.addi %add3A_848, %add3A_894 : i32
      %get3A_896 = arith.index_cast %add3A_895 : i32 to index
      %get3A_897 = tpu.vector_load %arg8[%get3A_896] {strides = array<i32>} : memref<80000xf32, #tpu.memory_space<vmem>>, vector<16xf32>,
      %sub3A_898 = arith.subf %get3A_897, %sub3A_510 : vector<16xf32>
      %max3A_899 = arith.constant 0.000000e+00 : f32
      %max3A_900 = vector.broadcast %max3A_899 : f32 to vector<16xf32>
      %max3A_901 = arith.maximumf %sub3A_898, %max3A_900 : vector<16xf32>
      %add3A_902 = arith.addf %scan3A_842, %max3A_901 : vector<16xf32>
      %add3A_903 = arith.constant 96 : i32
      %add3A_904 = arith.addi %add3A_848, %add3A_903 : i32
      %get3A_905 = arith.index_cast %add3A_904 : i32 to index
      %get3A_906 = tpu.vector_load %arg8[%get3A_905] {strides = array<i32>} : memref<80000xf32, #tpu.memory_space<vmem>>, vector<16xf32>,
      %sub3A_907 = arith.subf %get3A_906, %sub3A_510 : vector<16xf32>
      %max3A_908 = arith.constant 0.000000e+00 : f32
      %max3A_909 = vector.broadcast %max3A_908 : f32 to vector<16xf32>
      %max3A_910 = arith.maximumf %sub3A_907, %max3A_909 : vector<16xf32>
      %add3A_911 = arith.addf %scan3A_843, %max3A_910 : vector<16xf32>
      %add3A_912 = arith.constant 112 : i32
      %add3A_913 = arith.addi %add3A_848, %add3A_912 : i32
      %get3A_914 = arith.index_cast %add3A_913 : i32 to index
      %get3A_915 = tpu.vector_load %arg8[%get3A_914] {strides = array<i32>} : memref<80000xf32, #tpu.memory_space<vmem>>, vector<16xf32>,
      %sub3A_916 = arith.subf %get3A_915, %sub3A_510 : vector<16xf32>
      %max3A_917 = arith.constant 0.000000e+00 : f32
      %max3A_918 = vector.broadcast %max3A_917 : f32 to vector<16xf32>
      %max3A_919 = arith.maximumf %sub3A_916, %max3A_918 : vector<16xf32>
      %add3A_920 = arith.addf %scan3A_844, %max3A_919 : vector<16xf32>
      scf.yield %add3A_857, %add3A_866, %add3A_875, %add3A_884, %add3A_893, %add3A_902, %add3A_911, %add3A_920 : vector<16xf32>, vector<16xf32>, vector<16xf32>, vector<16xf32>, vector<16xf32>, vector<16xf32>, vector<16xf32>, vector<16xf32>
    }
    %scan3A_516 = arith.constant 156 : i32
    %get3A_517 = arith.constant 79968 : index
    %get3A_518 = tpu.vector_load %arg8[%get3A_517] {strides = array<i32>} : memref<80000xf32, #tpu.memory_space<vmem>>, vector<16xf32>,
    %sub3A_519 = arith.subf %get3A_518, %sub3A_510 : vector<16xf32>
    %max3A_520 = arith.constant 0.000000e+00 : f32
    %max3A_521 = vector.broadcast %max3A_520 : f32 to vector<16xf32>
    %max3A_522 = arith.maximumf %sub3A_519, %max3A_521 : vector<16xf32>
    %add3A_523 = arith.addf %scan3A_515#0, %max3A_522 : vector<16xf32>
    %get3A_524 = arith.constant 79984 : index
    %get3A_525 = tpu.vector_load %arg8[%get3A_524] {strides = array<i32>} : memref<80000xf32, #tpu.memory_space<vmem>>, vector<16xf32>,
    %sub3A_526 = arith.subf %get3A_525, %sub3A_510 : vector<16xf32>
    %max3A_527 = arith.constant 0.000000e+00 : f32
    %max3A_528 = vector.broadcast %max3A_527 : f32 to vector<16xf32>
    %max3A_529 = arith.maximumf %sub3A_526, %max3A_528 : vector<16xf32>
    %add3A_530 = arith.addf %scan3A_515#1, %max3A_529 : vector<16xf32>
    %add3A_531 = arith.constant 300000 : i32
    %add3A_532 = arith.addi %mul3A_2, %add3A_531 : i32
    %dma_start3A_533 = arith.constant 60000 : i32
    %dma_start3A_534 = tpu.memref_slice %arg8[%dma_start3A_533] : memref<80000xf32, #tpu.memory_space<vmem>> -> memref<20000xf32, #tpu.memory_space<vmem>>
    %dma_start3A_535 = tpu.memref_slice %arg3[%add3A_532] : memref<12800000xf32, #tpu.memory_space<hbm>> -> memref<20000xf32, #tpu.memory_space<hbm>>
    %dma_start3A_536 = arith.constant 60000 : i32
    %dma_start3A_537 = tpu.memref_slice %arg8[%dma_start3A_536] : memref<80000xf32, #tpu.memory_space<vmem>> -> memref<20000xf32, #tpu.memory_space<vmem>>
    %dma_start3A_538 = tpu.memref_slice %arg3[%add3A_532] : memref<12800000xf32, #tpu.memory_space<hbm>> -> memref<20000xf32, #tpu.memory_space<hbm>>
    tpu.enqueue_dma source(%dma_start3A_538 : memref<20000xf32, #tpu.memory_space<hbm>>) target(%dma_start3A_537 : memref<20000xf32, #tpu.memory_space<vmem>>) target_semaphore(%arg14 : memref<!tpu.dma_semaphore, #tpu.memory_space<semaphore_mem>>)
    %dma_wait3A_539 = arith.constant 0 : i32
    %dma_wait3A_540 = tpu.memref_slice %arg8[%dma_wait3A_539] : memref<80000xf32, #tpu.memory_space<vmem>> -> memref<20000xf32, #tpu.memory_space<vmem>>
    %dma_wait3A_541 = tpu.memref_slice %arg3[%add3A_412] : memref<12800000xf32, #tpu.memory_space<hbm>> -> memref<20000xf32, #tpu.memory_space<hbm>>
    %dma_wait3A_542 = arith.constant 0 : i32
    %dma_wait3A_543 = tpu.memref_slice %arg8[%dma_wait3A_542] : memref<80000xf32, #tpu.memory_space<vmem>> -> memref<20000xf32, #tpu.memory_space<vmem>>
    %dma_wait3A_544 = tpu.memref_slice %arg3[%add3A_412] : memref<12800000xf32, #tpu.memory_space<hbm>> -> memref<20000xf32, #tpu.memory_space<hbm>>
    tpu.wait_dma2 semaphore(%arg11 : memref<!tpu.dma_semaphore, #tpu.memory_space<semaphore_mem>>) src(%dma_wait3A_544 : memref<20000xf32, #tpu.memory_space<hbm>>) dst(%dma_wait3A_543 : memref<20000xf32, #tpu.memory_space<vmem>>)
    %broadcast_in_dim3A_545 = arith.constant 2 : i32
    %broadcast_in_dim3A_546 = vector.broadcast %broadcast_in_dim3A_545 : i32 to vector<16xi32>
    %gather3A_547 = tpu.vector_load_idx %arg7[%broadcast_in_dim3A_546] : memref<16xf32, #tpu.memory_space<vmem>>[vector<16xi32>], vector<16xf32>,
    %sub3A_548 = arith.constant 1.000000e-01 : f32
    %sub3A_549 = vector.broadcast %sub3A_548 : f32 to vector<16xf32>
    %sub3A_550 = arith.subf %gather3A_547, %sub3A_549 : vector<16xf32>
    %scan3A_551 = arith.constant 0 : i32
    %scan3A_552 = arith.constant 156 : i32
    %scan3A_553 = arith.addi %scan3A_551, %scan3A_552 : i32
    %scan3A_554 = arith.constant 1 : i32
    %scan3A_555:8 = scf.for %scan3A_836 = %scan3A_551 to %scan3A_553 step %scan3A_554 iter_args(%scan3A_837 = %add3A_523, %scan3A_838 = %add3A_530, %scan3A_839 = %scan3A_515#2, %scan3A_840 = %scan3A_515#3, %scan3A_841 = %scan3A_515#4, %scan3A_842 = %scan3A_515#5, %scan3A_843 = %scan3A_515#6, %scan3A_844 = %scan3A_515#7) -> (vector<16xf32>, vector<16xf32>, vector<16xf32>, vector<16xf32>, vector<16xf32>, vector<16xf32>, vector<16xf32>, vector<16xf32>)  : i32 {
      %mul3A_845 = arith.constant 128 : i32
      %mul3A_846 = arith.muli %scan3A_836, %mul3A_845 : i32
      %add3A_847 = arith.constant 0 : i32
      %add3A_848 = arith.addi %add3A_847, %mul3A_846 : i32
      %add3A_849 = arith.constant 0 : i32
      %add3A_850 = arith.addi %add3A_848, %add3A_849 : i32
      %get3A_851 = arith.index_cast %add3A_850 : i32 to index
      %get3A_852 = tpu.vector_load %arg8[%get3A_851] {strides = array<i32>} : memref<80000xf32, #tpu.memory_space<vmem>>, vector<16xf32>,
      %sub3A_853 = arith.subf %get3A_852, %sub3A_550 : vector<16xf32>
      %max3A_854 = arith.constant 0.000000e+00 : f32
      %max3A_855 = vector.broadcast %max3A_854 : f32 to vector<16xf32>
      %max3A_856 = arith.maximumf %sub3A_853, %max3A_855 : vector<16xf32>
      %add3A_857 = arith.addf %scan3A_837, %max3A_856 : vector<16xf32>
      %add3A_858 = arith.constant 16 : i32
      %add3A_859 = arith.addi %add3A_848, %add3A_858 : i32
      %get3A_860 = arith.index_cast %add3A_859 : i32 to index
      %get3A_861 = tpu.vector_load %arg8[%get3A_860] {strides = array<i32>} : memref<80000xf32, #tpu.memory_space<vmem>>, vector<16xf32>,
      %sub3A_862 = arith.subf %get3A_861, %sub3A_550 : vector<16xf32>
      %max3A_863 = arith.constant 0.000000e+00 : f32
      %max3A_864 = vector.broadcast %max3A_863 : f32 to vector<16xf32>
      %max3A_865 = arith.maximumf %sub3A_862, %max3A_864 : vector<16xf32>
      %add3A_866 = arith.addf %scan3A_838, %max3A_865 : vector<16xf32>
      %add3A_867 = arith.constant 32 : i32
      %add3A_868 = arith.addi %add3A_848, %add3A_867 : i32
      %get3A_869 = arith.index_cast %add3A_868 : i32 to index
      %get3A_870 = tpu.vector_load %arg8[%get3A_869] {strides = array<i32>} : memref<80000xf32, #tpu.memory_space<vmem>>, vector<16xf32>,
      %sub3A_871 = arith.subf %get3A_870, %sub3A_550 : vector<16xf32>
      %max3A_872 = arith.constant 0.000000e+00 : f32
      %max3A_873 = vector.broadcast %max3A_872 : f32 to vector<16xf32>
      %max3A_874 = arith.maximumf %sub3A_871, %max3A_873 : vector<16xf32>
      %add3A_875 = arith.addf %scan3A_839, %max3A_874 : vector<16xf32>
      %add3A_876 = arith.constant 48 : i32
      %add3A_877 = arith.addi %add3A_848, %add3A_876 : i32
      %get3A_878 = arith.index_cast %add3A_877 : i32 to index
      %get3A_879 = tpu.vector_load %arg8[%get3A_878] {strides = array<i32>} : memref<80000xf32, #tpu.memory_space<vmem>>, vector<16xf32>,
      %sub3A_880 = arith.subf %get3A_879, %sub3A_550 : vector<16xf32>
      %max3A_881 = arith.constant 0.000000e+00 : f32
      %max3A_882 = vector.broadcast %max3A_881 : f32 to vector<16xf32>
      %max3A_883 = arith.maximumf %sub3A_880, %max3A_882 : vector<16xf32>
      %add3A_884 = arith.addf %scan3A_840, %max3A_883 : vector<16xf32>
      %add3A_885 = arith.constant 64 : i32
      %add3A_886 = arith.addi %add3A_848, %add3A_885 : i32
      %get3A_887 = arith.index_cast %add3A_886 : i32 to index
      %get3A_888 = tpu.vector_load %arg8[%get3A_887] {strides = array<i32>} : memref<80000xf32, #tpu.memory_space<vmem>>, vector<16xf32>,
      %sub3A_889 = arith.subf %get3A_888, %sub3A_550 : vector<16xf32>
      %max3A_890 = arith.constant 0.000000e+00 : f32
      %max3A_891 = vector.broadcast %max3A_890 : f32 to vector<16xf32>
      %max3A_892 = arith.maximumf %sub3A_889, %max3A_891 : vector<16xf32>
      %add3A_893 = arith.addf %scan3A_841, %max3A_892 : vector<16xf32>
      %add3A_894 = arith.constant 80 : i32
      %add3A_895 = arith.addi %add3A_848, %add3A_894 : i32
      %get3A_896 = arith.index_cast %add3A_895 : i32 to index
      %get3A_897 = tpu.vector_load %arg8[%get3A_896] {strides = array<i32>} : memref<80000xf32, #tpu.memory_space<vmem>>, vector<16xf32>,
      %sub3A_898 = arith.subf %get3A_897, %sub3A_550 : vector<16xf32>
      %max3A_899 = arith.constant 0.000000e+00 : f32
      %max3A_900 = vector.broadcast %max3A_899 : f32 to vector<16xf32>
      %max3A_901 = arith.maximumf %sub3A_898, %max3A_900 : vector<16xf32>
      %add3A_902 = arith.addf %scan3A_842, %max3A_901 : vector<16xf32>
      %add3A_903 = arith.constant 96 : i32
      %add3A_904 = arith.addi %add3A_848, %add3A_903 : i32
      %get3A_905 = arith.index_cast %add3A_904 : i32 to index
      %get3A_906 = tpu.vector_load %arg8[%get3A_905] {strides = array<i32>} : memref<80000xf32, #tpu.memory_space<vmem>>, vector<16xf32>,
      %sub3A_907 = arith.subf %get3A_906, %sub3A_550 : vector<16xf32>
      %max3A_908 = arith.constant 0.000000e+00 : f32
      %max3A_909 = vector.broadcast %max3A_908 : f32 to vector<16xf32>
      %max3A_910 = arith.maximumf %sub3A_907, %max3A_909 : vector<16xf32>
      %add3A_911 = arith.addf %scan3A_843, %max3A_910 : vector<16xf32>
      %add3A_912 = arith.constant 112 : i32
      %add3A_913 = arith.addi %add3A_848, %add3A_912 : i32
      %get3A_914 = arith.index_cast %add3A_913 : i32 to index
      %get3A_915 = tpu.vector_load %arg8[%get3A_914] {strides = array<i32>} : memref<80000xf32, #tpu.memory_space<vmem>>, vector<16xf32>,
      %sub3A_916 = arith.subf %get3A_915, %sub3A_550 : vector<16xf32>
      %max3A_917 = arith.constant 0.000000e+00 : f32
      %max3A_918 = vector.broadcast %max3A_917 : f32 to vector<16xf32>
      %max3A_919 = arith.maximumf %sub3A_916, %max3A_918 : vector<16xf32>
      %add3A_920 = arith.addf %scan3A_844, %max3A_919 : vector<16xf32>
      scf.yield %add3A_857, %add3A_866, %add3A_875, %add3A_884, %add3A_893, %add3A_902, %add3A_911, %add3A_920 : vector<16xf32>, vector<16xf32>, vector<16xf32>, vector<16xf32>, vector<16xf32>, vector<16xf32>, vector<16xf32>, vector<16xf32>
    }
    %scan3A_556 = arith.constant 156 : i32
    %get3A_557 = arith.constant 19968 : index
    %get3A_558 = tpu.vector_load %arg8[%get3A_557] {strides = array<i32>} : memref<80000xf32, #tpu.memory_space<vmem>>, vector<16xf32>,
    %sub3A_559 = arith.subf %get3A_558, %sub3A_550 : vector<16xf32>
    %max3A_560 = arith.constant 0.000000e+00 : f32
    %max3A_561 = vector.broadcast %max3A_560 : f32 to vector<16xf32>
    %max3A_562 = arith.maximumf %sub3A_559, %max3A_561 : vector<16xf32>
    %add3A_563 = arith.addf %scan3A_555#0, %max3A_562 : vector<16xf32>
    %get3A_564 = arith.constant 19984 : index
    %get3A_565 = tpu.vector_load %arg8[%get3A_564] {strides = array<i32>} : memref<80000xf32, #tpu.memory_space<vmem>>, vector<16xf32>,
    %sub3A_566 = arith.subf %get3A_565, %sub3A_550 : vector<16xf32>
    %max3A_567 = arith.constant 0.000000e+00 : f32
    %max3A_568 = vector.broadcast %max3A_567 : f32 to vector<16xf32>
    %max3A_569 = arith.maximumf %sub3A_566, %max3A_568 : vector<16xf32>
    %add3A_570 = arith.addf %scan3A_555#1, %max3A_569 : vector<16xf32>
    %add3A_571 = arith.constant 320000 : i32
    %add3A_572 = arith.addi %mul3A_2, %add3A_571 : i32
    %dma_start3A_573 = arith.constant 0 : i32
    %dma_start3A_574 = tpu.memref_slice %arg8[%dma_start3A_573] : memref<80000xf32, #tpu.memory_space<vmem>> -> memref<20000xf32, #tpu.memory_space<vmem>>
    %dma_start3A_575 = tpu.memref_slice %arg3[%add3A_572] : memref<12800000xf32, #tpu.memory_space<hbm>> -> memref<20000xf32, #tpu.memory_space<hbm>>
    %dma_start3A_576 = arith.constant 0 : i32
    %dma_start3A_577 = tpu.memref_slice %arg8[%dma_start3A_576] : memref<80000xf32, #tpu.memory_space<vmem>> -> memref<20000xf32, #tpu.memory_space<vmem>>
    %dma_start3A_578 = tpu.memref_slice %arg3[%add3A_572] : memref<12800000xf32, #tpu.memory_space<hbm>> -> memref<20000xf32, #tpu.memory_space<hbm>>
    tpu.enqueue_dma source(%dma_start3A_578 : memref<20000xf32, #tpu.memory_space<hbm>>) target(%dma_start3A_577 : memref<20000xf32, #tpu.memory_space<vmem>>) target_semaphore(%arg11 : memref<!tpu.dma_semaphore, #tpu.memory_space<semaphore_mem>>)
    %dma_wait3A_579 = arith.constant 20000 : i32
    %dma_wait3A_580 = tpu.memref_slice %arg8[%dma_wait3A_579] : memref<80000xf32, #tpu.memory_space<vmem>> -> memref<20000xf32, #tpu.memory_space<vmem>>
    %dma_wait3A_581 = tpu.memref_slice %arg3[%add3A_452] : memref<12800000xf32, #tpu.memory_space<hbm>> -> memref<20000xf32, #tpu.memory_space<hbm>>
    %dma_wait3A_582 = arith.constant 20000 : i32
    %dma_wait3A_583 = tpu.memref_slice %arg8[%dma_wait3A_582] : memref<80000xf32, #tpu.memory_space<vmem>> -> memref<20000xf32, #tpu.memory_space<vmem>>
    %dma_wait3A_584 = tpu.memref_slice %arg3[%add3A_452] : memref<12800000xf32, #tpu.memory_space<hbm>> -> memref<20000xf32, #tpu.memory_space<hbm>>
    tpu.wait_dma2 semaphore(%arg12 : memref<!tpu.dma_semaphore, #tpu.memory_space<semaphore_mem>>) src(%dma_wait3A_584 : memref<20000xf32, #tpu.memory_space<hbm>>) dst(%dma_wait3A_583 : memref<20000xf32, #tpu.memory_space<vmem>>)
    %broadcast_in_dim3A_585 = arith.constant 2 : i32
    %broadcast_in_dim3A_586 = vector.broadcast %broadcast_in_dim3A_585 : i32 to vector<16xi32>
    %gather3A_587 = tpu.vector_load_idx %arg7[%broadcast_in_dim3A_586] : memref<16xf32, #tpu.memory_space<vmem>>[vector<16xi32>], vector<16xf32>,
    %sub3A_588 = arith.constant 1.000000e-01 : f32
    %sub3A_589 = vector.broadcast %sub3A_588 : f32 to vector<16xf32>
    %sub3A_590 = arith.subf %gather3A_587, %sub3A_589 : vector<16xf32>
    %scan3A_591 = arith.constant 0 : i32
    %scan3A_592 = arith.constant 156 : i32
    %scan3A_593 = arith.addi %scan3A_591, %scan3A_592 : i32
    %scan3A_594 = arith.constant 1 : i32
    %scan3A_595:8 = scf.for %scan3A_836 = %scan3A_591 to %scan3A_593 step %scan3A_594 iter_args(%scan3A_837 = %add3A_563, %scan3A_838 = %add3A_570, %scan3A_839 = %scan3A_555#2, %scan3A_840 = %scan3A_555#3, %scan3A_841 = %scan3A_555#4, %scan3A_842 = %scan3A_555#5, %scan3A_843 = %scan3A_555#6, %scan3A_844 = %scan3A_555#7) -> (vector<16xf32>, vector<16xf32>, vector<16xf32>, vector<16xf32>, vector<16xf32>, vector<16xf32>, vector<16xf32>, vector<16xf32>)  : i32 {
      %mul3A_845 = arith.constant 128 : i32
      %mul3A_846 = arith.muli %scan3A_836, %mul3A_845 : i32
      %add3A_847 = arith.constant 20000 : i32
      %add3A_848 = arith.addi %add3A_847, %mul3A_846 : i32
      %add3A_849 = arith.constant 0 : i32
      %add3A_850 = arith.addi %add3A_848, %add3A_849 : i32
      %get3A_851 = arith.index_cast %add3A_850 : i32 to index
      %get3A_852 = tpu.vector_load %arg8[%get3A_851] {strides = array<i32>} : memref<80000xf32, #tpu.memory_space<vmem>>, vector<16xf32>,
      %sub3A_853 = arith.subf %get3A_852, %sub3A_590 : vector<16xf32>
      %max3A_854 = arith.constant 0.000000e+00 : f32
      %max3A_855 = vector.broadcast %max3A_854 : f32 to vector<16xf32>
      %max3A_856 = arith.maximumf %sub3A_853, %max3A_855 : vector<16xf32>
      %add3A_857 = arith.addf %scan3A_837, %max3A_856 : vector<16xf32>
      %add3A_858 = arith.constant 16 : i32
      %add3A_859 = arith.addi %add3A_848, %add3A_858 : i32
      %get3A_860 = arith.index_cast %add3A_859 : i32 to index
      %get3A_861 = tpu.vector_load %arg8[%get3A_860] {strides = array<i32>} : memref<80000xf32, #tpu.memory_space<vmem>>, vector<16xf32>,
      %sub3A_862 = arith.subf %get3A_861, %sub3A_590 : vector<16xf32>
      %max3A_863 = arith.constant 0.000000e+00 : f32
      %max3A_864 = vector.broadcast %max3A_863 : f32 to vector<16xf32>
      %max3A_865 = arith.maximumf %sub3A_862, %max3A_864 : vector<16xf32>
      %add3A_866 = arith.addf %scan3A_838, %max3A_865 : vector<16xf32>
      %add3A_867 = arith.constant 32 : i32
      %add3A_868 = arith.addi %add3A_848, %add3A_867 : i32
      %get3A_869 = arith.index_cast %add3A_868 : i32 to index
      %get3A_870 = tpu.vector_load %arg8[%get3A_869] {strides = array<i32>} : memref<80000xf32, #tpu.memory_space<vmem>>, vector<16xf32>,
      %sub3A_871 = arith.subf %get3A_870, %sub3A_590 : vector<16xf32>
      %max3A_872 = arith.constant 0.000000e+00 : f32
      %max3A_873 = vector.broadcast %max3A_872 : f32 to vector<16xf32>
      %max3A_874 = arith.maximumf %sub3A_871, %max3A_873 : vector<16xf32>
      %add3A_875 = arith.addf %scan3A_839, %max3A_874 : vector<16xf32>
      %add3A_876 = arith.constant 48 : i32
      %add3A_877 = arith.addi %add3A_848, %add3A_876 : i32
      %get3A_878 = arith.index_cast %add3A_877 : i32 to index
      %get3A_879 = tpu.vector_load %arg8[%get3A_878] {strides = array<i32>} : memref<80000xf32, #tpu.memory_space<vmem>>, vector<16xf32>,
      %sub3A_880 = arith.subf %get3A_879, %sub3A_590 : vector<16xf32>
      %max3A_881 = arith.constant 0.000000e+00 : f32
      %max3A_882 = vector.broadcast %max3A_881 : f32 to vector<16xf32>
      %max3A_883 = arith.maximumf %sub3A_880, %max3A_882 : vector<16xf32>
      %add3A_884 = arith.addf %scan3A_840, %max3A_883 : vector<16xf32>
      %add3A_885 = arith.constant 64 : i32
      %add3A_886 = arith.addi %add3A_848, %add3A_885 : i32
      %get3A_887 = arith.index_cast %add3A_886 : i32 to index
      %get3A_888 = tpu.vector_load %arg8[%get3A_887] {strides = array<i32>} : memref<80000xf32, #tpu.memory_space<vmem>>, vector<16xf32>,
      %sub3A_889 = arith.subf %get3A_888, %sub3A_590 : vector<16xf32>
      %max3A_890 = arith.constant 0.000000e+00 : f32
      %max3A_891 = vector.broadcast %max3A_890 : f32 to vector<16xf32>
      %max3A_892 = arith.maximumf %sub3A_889, %max3A_891 : vector<16xf32>
      %add3A_893 = arith.addf %scan3A_841, %max3A_892 : vector<16xf32>
      %add3A_894 = arith.constant 80 : i32
      %add3A_895 = arith.addi %add3A_848, %add3A_894 : i32
      %get3A_896 = arith.index_cast %add3A_895 : i32 to index
      %get3A_897 = tpu.vector_load %arg8[%get3A_896] {strides = array<i32>} : memref<80000xf32, #tpu.memory_space<vmem>>, vector<16xf32>,
      %sub3A_898 = arith.subf %get3A_897, %sub3A_590 : vector<16xf32>
      %max3A_899 = arith.constant 0.000000e+00 : f32
      %max3A_900 = vector.broadcast %max3A_899 : f32 to vector<16xf32>
      %max3A_901 = arith.maximumf %sub3A_898, %max3A_900 : vector<16xf32>
      %add3A_902 = arith.addf %scan3A_842, %max3A_901 : vector<16xf32>
      %add3A_903 = arith.constant 96 : i32
      %add3A_904 = arith.addi %add3A_848, %add3A_903 : i32
      %get3A_905 = arith.index_cast %add3A_904 : i32 to index
      %get3A_906 = tpu.vector_load %arg8[%get3A_905] {strides = array<i32>} : memref<80000xf32, #tpu.memory_space<vmem>>, vector<16xf32>,
      %sub3A_907 = arith.subf %get3A_906, %sub3A_590 : vector<16xf32>
      %max3A_908 = arith.constant 0.000000e+00 : f32
      %max3A_909 = vector.broadcast %max3A_908 : f32 to vector<16xf32>
      %max3A_910 = arith.maximumf %sub3A_907, %max3A_909 : vector<16xf32>
      %add3A_911 = arith.addf %scan3A_843, %max3A_910 : vector<16xf32>
      %add3A_912 = arith.constant 112 : i32
      %add3A_913 = arith.addi %add3A_848, %add3A_912 : i32
      %get3A_914 = arith.index_cast %add3A_913 : i32 to index
      %get3A_915 = tpu.vector_load %arg8[%get3A_914] {strides = array<i32>} : memref<80000xf32, #tpu.memory_space<vmem>>, vector<16xf32>,
      %sub3A_916 = arith.subf %get3A_915, %sub3A_590 : vector<16xf32>
      %max3A_917 = arith.constant 0.000000e+00 : f32
      %max3A_918 = vector.broadcast %max3A_917 : f32 to vector<16xf32>
      %max3A_919 = arith.maximumf %sub3A_916, %max3A_918 : vector<16xf32>
      %add3A_920 = arith.addf %scan3A_844, %max3A_919 : vector<16xf32>
      scf.yield %add3A_857, %add3A_866, %add3A_875, %add3A_884, %add3A_893, %add3A_902, %add3A_911, %add3A_920 : vector<16xf32>, vector<16xf32>, vector<16xf32>, vector<16xf32>, vector<16xf32>, vector<16xf32>, vector<16xf32>, vector<16xf32>
    }
    %scan3A_596 = arith.constant 156 : i32
    %get3A_597 = arith.constant 39968 : index
    %get3A_598 = tpu.vector_load %arg8[%get3A_597] {strides = array<i32>} : memref<80000xf32, #tpu.memory_space<vmem>>, vector<16xf32>,
    %sub3A_599 = arith.subf %get3A_598, %sub3A_590 : vector<16xf32>
    %max3A_600 = arith.constant 0.000000e+00 : f32
    %max3A_601 = vector.broadcast %max3A_600 : f32 to vector<16xf32>
    %max3A_602 = arith.maximumf %sub3A_599, %max3A_601 : vector<16xf32>
    %add3A_603 = arith.addf %scan3A_595#0, %max3A_602 : vector<16xf32>
    %get3A_604 = arith.constant 39984 : index
    %get3A_605 = tpu.vector_load %arg8[%get3A_604] {strides = array<i32>} : memref<80000xf32, #tpu.memory_space<vmem>>, vector<16xf32>,
    %sub3A_606 = arith.subf %get3A_605, %sub3A_590 : vector<16xf32>
    %max3A_607 = arith.constant 0.000000e+00 : f32
    %max3A_608 = vector.broadcast %max3A_607 : f32 to vector<16xf32>
    %max3A_609 = arith.maximumf %sub3A_606, %max3A_608 : vector<16xf32>
    %add3A_610 = arith.addf %scan3A_595#1, %max3A_609 : vector<16xf32>
    %add3A_611 = arith.constant 340000 : i32
    %add3A_612 = arith.addi %mul3A_2, %add3A_611 : i32
    %dma_start3A_613 = arith.constant 20000 : i32
    %dma_start3A_614 = tpu.memref_slice %arg8[%dma_start3A_613] : memref<80000xf32, #tpu.memory_space<vmem>> -> memref<20000xf32, #tpu.memory_space<vmem>>
    %dma_start3A_615 = tpu.memref_slice %arg3[%add3A_612] : memref<12800000xf32, #tpu.memory_space<hbm>> -> memref<20000xf32, #tpu.memory_space<hbm>>
    %dma_start3A_616 = arith.constant 20000 : i32
    %dma_start3A_617 = tpu.memref_slice %arg8[%dma_start3A_616] : memref<80000xf32, #tpu.memory_space<vmem>> -> memref<20000xf32, #tpu.memory_space<vmem>>
    %dma_start3A_618 = tpu.memref_slice %arg3[%add3A_612] : memref<12800000xf32, #tpu.memory_space<hbm>> -> memref<20000xf32, #tpu.memory_space<hbm>>
    tpu.enqueue_dma source(%dma_start3A_618 : memref<20000xf32, #tpu.memory_space<hbm>>) target(%dma_start3A_617 : memref<20000xf32, #tpu.memory_space<vmem>>) target_semaphore(%arg12 : memref<!tpu.dma_semaphore, #tpu.memory_space<semaphore_mem>>)
    %dma_wait3A_619 = arith.constant 40000 : i32
    %dma_wait3A_620 = tpu.memref_slice %arg8[%dma_wait3A_619] : memref<80000xf32, #tpu.memory_space<vmem>> -> memref<20000xf32, #tpu.memory_space<vmem>>
    %dma_wait3A_621 = tpu.memref_slice %arg3[%add3A_492] : memref<12800000xf32, #tpu.memory_space<hbm>> -> memref<20000xf32, #tpu.memory_space<hbm>>
    %dma_wait3A_622 = arith.constant 40000 : i32
    %dma_wait3A_623 = tpu.memref_slice %arg8[%dma_wait3A_622] : memref<80000xf32, #tpu.memory_space<vmem>> -> memref<20000xf32, #tpu.memory_space<vmem>>
    %dma_wait3A_624 = tpu.memref_slice %arg3[%add3A_492] : memref<12800000xf32, #tpu.memory_space<hbm>> -> memref<20000xf32, #tpu.memory_space<hbm>>
    tpu.wait_dma2 semaphore(%arg13 : memref<!tpu.dma_semaphore, #tpu.memory_space<semaphore_mem>>) src(%dma_wait3A_624 : memref<20000xf32, #tpu.memory_space<hbm>>) dst(%dma_wait3A_623 : memref<20000xf32, #tpu.memory_space<vmem>>)
    %broadcast_in_dim3A_625 = arith.constant 2 : i32
    %broadcast_in_dim3A_626 = vector.broadcast %broadcast_in_dim3A_625 : i32 to vector<16xi32>
    %gather3A_627 = tpu.vector_load_idx %arg7[%broadcast_in_dim3A_626] : memref<16xf32, #tpu.memory_space<vmem>>[vector<16xi32>], vector<16xf32>,
    %sub3A_628 = arith.constant 1.000000e-01 : f32
    %sub3A_629 = vector.broadcast %sub3A_628 : f32 to vector<16xf32>
    %sub3A_630 = arith.subf %gather3A_627, %sub3A_629 : vector<16xf32>
    %scan3A_631 = arith.constant 0 : i32
    %scan3A_632 = arith.constant 156 : i32
    %scan3A_633 = arith.addi %scan3A_631, %scan3A_632 : i32
    %scan3A_634 = arith.constant 1 : i32
    %scan3A_635:8 = scf.for %scan3A_836 = %scan3A_631 to %scan3A_633 step %scan3A_634 iter_args(%scan3A_837 = %add3A_603, %scan3A_838 = %add3A_610, %scan3A_839 = %scan3A_595#2, %scan3A_840 = %scan3A_595#3, %scan3A_841 = %scan3A_595#4, %scan3A_842 = %scan3A_595#5, %scan3A_843 = %scan3A_595#6, %scan3A_844 = %scan3A_595#7) -> (vector<16xf32>, vector<16xf32>, vector<16xf32>, vector<16xf32>, vector<16xf32>, vector<16xf32>, vector<16xf32>, vector<16xf32>)  : i32 {
      %mul3A_845 = arith.constant 128 : i32
      %mul3A_846 = arith.muli %scan3A_836, %mul3A_845 : i32
      %add3A_847 = arith.constant 40000 : i32
      %add3A_848 = arith.addi %add3A_847, %mul3A_846 : i32
      %add3A_849 = arith.constant 0 : i32
      %add3A_850 = arith.addi %add3A_848, %add3A_849 : i32
      %get3A_851 = arith.index_cast %add3A_850 : i32 to index
      %get3A_852 = tpu.vector_load %arg8[%get3A_851] {strides = array<i32>} : memref<80000xf32, #tpu.memory_space<vmem>>, vector<16xf32>,
      %sub3A_853 = arith.subf %get3A_852, %sub3A_630 : vector<16xf32>
      %max3A_854 = arith.constant 0.000000e+00 : f32
      %max3A_855 = vector.broadcast %max3A_854 : f32 to vector<16xf32>
      %max3A_856 = arith.maximumf %sub3A_853, %max3A_855 : vector<16xf32>
      %add3A_857 = arith.addf %scan3A_837, %max3A_856 : vector<16xf32>
      %add3A_858 = arith.constant 16 : i32
      %add3A_859 = arith.addi %add3A_848, %add3A_858 : i32
      %get3A_860 = arith.index_cast %add3A_859 : i32 to index
      %get3A_861 = tpu.vector_load %arg8[%get3A_860] {strides = array<i32>} : memref<80000xf32, #tpu.memory_space<vmem>>, vector<16xf32>,
      %sub3A_862 = arith.subf %get3A_861, %sub3A_630 : vector<16xf32>
      %max3A_863 = arith.constant 0.000000e+00 : f32
      %max3A_864 = vector.broadcast %max3A_863 : f32 to vector<16xf32>
      %max3A_865 = arith.maximumf %sub3A_862, %max3A_864 : vector<16xf32>
      %add3A_866 = arith.addf %scan3A_838, %max3A_865 : vector<16xf32>
      %add3A_867 = arith.constant 32 : i32
      %add3A_868 = arith.addi %add3A_848, %add3A_867 : i32
      %get3A_869 = arith.index_cast %add3A_868 : i32 to index
      %get3A_870 = tpu.vector_load %arg8[%get3A_869] {strides = array<i32>} : memref<80000xf32, #tpu.memory_space<vmem>>, vector<16xf32>,
      %sub3A_871 = arith.subf %get3A_870, %sub3A_630 : vector<16xf32>
      %max3A_872 = arith.constant 0.000000e+00 : f32
      %max3A_873 = vector.broadcast %max3A_872 : f32 to vector<16xf32>
      %max3A_874 = arith.maximumf %sub3A_871, %max3A_873 : vector<16xf32>
      %add3A_875 = arith.addf %scan3A_839, %max3A_874 : vector<16xf32>
      %add3A_876 = arith.constant 48 : i32
      %add3A_877 = arith.addi %add3A_848, %add3A_876 : i32
      %get3A_878 = arith.index_cast %add3A_877 : i32 to index
      %get3A_879 = tpu.vector_load %arg8[%get3A_878] {strides = array<i32>} : memref<80000xf32, #tpu.memory_space<vmem>>, vector<16xf32>,
      %sub3A_880 = arith.subf %get3A_879, %sub3A_630 : vector<16xf32>
      %max3A_881 = arith.constant 0.000000e+00 : f32
      %max3A_882 = vector.broadcast %max3A_881 : f32 to vector<16xf32>
      %max3A_883 = arith.maximumf %sub3A_880, %max3A_882 : vector<16xf32>
      %add3A_884 = arith.addf %scan3A_840, %max3A_883 : vector<16xf32>
      %add3A_885 = arith.constant 64 : i32
      %add3A_886 = arith.addi %add3A_848, %add3A_885 : i32
      %get3A_887 = arith.index_cast %add3A_886 : i32 to index
      %get3A_888 = tpu.vector_load %arg8[%get3A_887] {strides = array<i32>} : memref<80000xf32, #tpu.memory_space<vmem>>, vector<16xf32>,
      %sub3A_889 = arith.subf %get3A_888, %sub3A_630 : vector<16xf32>
      %max3A_890 = arith.constant 0.000000e+00 : f32
      %max3A_891 = vector.broadcast %max3A_890 : f32 to vector<16xf32>
      %max3A_892 = arith.maximumf %sub3A_889, %max3A_891 : vector<16xf32>
      %add3A_893 = arith.addf %scan3A_841, %max3A_892 : vector<16xf32>
      %add3A_894 = arith.constant 80 : i32
      %add3A_895 = arith.addi %add3A_848, %add3A_894 : i32
      %get3A_896 = arith.index_cast %add3A_895 : i32 to index
      %get3A_897 = tpu.vector_load %arg8[%get3A_896] {strides = array<i32>} : memref<80000xf32, #tpu.memory_space<vmem>>, vector<16xf32>,
      %sub3A_898 = arith.subf %get3A_897, %sub3A_630 : vector<16xf32>
      %max3A_899 = arith.constant 0.000000e+00 : f32
      %max3A_900 = vector.broadcast %max3A_899 : f32 to vector<16xf32>
      %max3A_901 = arith.maximumf %sub3A_898, %max3A_900 : vector<16xf32>
      %add3A_902 = arith.addf %scan3A_842, %max3A_901 : vector<16xf32>
      %add3A_903 = arith.constant 96 : i32
      %add3A_904 = arith.addi %add3A_848, %add3A_903 : i32
      %get3A_905 = arith.index_cast %add3A_904 : i32 to index
      %get3A_906 = tpu.vector_load %arg8[%get3A_905] {strides = array<i32>} : memref<80000xf32, #tpu.memory_space<vmem>>, vector<16xf32>,
      %sub3A_907 = arith.subf %get3A_906, %sub3A_630 : vector<16xf32>
      %max3A_908 = arith.constant 0.000000e+00 : f32
      %max3A_909 = vector.broadcast %max3A_908 : f32 to vector<16xf32>
      %max3A_910 = arith.maximumf %sub3A_907, %max3A_909 : vector<16xf32>
      %add3A_911 = arith.addf %scan3A_843, %max3A_910 : vector<16xf32>
      %add3A_912 = arith.constant 112 : i32
      %add3A_913 = arith.addi %add3A_848, %add3A_912 : i32
      %get3A_914 = arith.index_cast %add3A_913 : i32 to index
      %get3A_915 = tpu.vector_load %arg8[%get3A_914] {strides = array<i32>} : memref<80000xf32, #tpu.memory_space<vmem>>, vector<16xf32>,
      %sub3A_916 = arith.subf %get3A_915, %sub3A_630 : vector<16xf32>
      %max3A_917 = arith.constant 0.000000e+00 : f32
      %max3A_918 = vector.broadcast %max3A_917 : f32 to vector<16xf32>
      %max3A_919 = arith.maximumf %sub3A_916, %max3A_918 : vector<16xf32>
      %add3A_920 = arith.addf %scan3A_844, %max3A_919 : vector<16xf32>
      scf.yield %add3A_857, %add3A_866, %add3A_875, %add3A_884, %add3A_893, %add3A_902, %add3A_911, %add3A_920 : vector<16xf32>, vector<16xf32>, vector<16xf32>, vector<16xf32>, vector<16xf32>, vector<16xf32>, vector<16xf32>, vector<16xf32>
    }
    %scan3A_636 = arith.constant 156 : i32
    %get3A_637 = arith.constant 59968 : index
    %get3A_638 = tpu.vector_load %arg8[%get3A_637] {strides = array<i32>} : memref<80000xf32, #tpu.memory_space<vmem>>, vector<16xf32>,
    %sub3A_639 = arith.subf %get3A_638, %sub3A_630 : vector<16xf32>
    %max3A_640 = arith.constant 0.000000e+00 : f32
    %max3A_641 = vector.broadcast %max3A_640 : f32 to vector<16xf32>
    %max3A_642 = arith.maximumf %sub3A_639, %max3A_641 : vector<16xf32>
    %add3A_643 = arith.addf %scan3A_635#0, %max3A_642 : vector<16xf32>
    %get3A_644 = arith.constant 59984 : index
    %get3A_645 = tpu.vector_load %arg8[%get3A_644] {strides = array<i32>} : memref<80000xf32, #tpu.memory_space<vmem>>, vector<16xf32>,
    %sub3A_646 = arith.subf %get3A_645, %sub3A_630 : vector<16xf32>
    %max3A_647 = arith.constant 0.000000e+00 : f32
    %max3A_648 = vector.broadcast %max3A_647 : f32 to vector<16xf32>
    %max3A_649 = arith.maximumf %sub3A_646, %max3A_648 : vector<16xf32>
    %add3A_650 = arith.addf %scan3A_635#1, %max3A_649 : vector<16xf32>
    %add3A_651 = arith.constant 360000 : i32
    %add3A_652 = arith.addi %mul3A_2, %add3A_651 : i32
    %dma_start3A_653 = arith.constant 40000 : i32
    %dma_start3A_654 = tpu.memref_slice %arg8[%dma_start3A_653] : memref<80000xf32, #tpu.memory_space<vmem>> -> memref<20000xf32, #tpu.memory_space<vmem>>
    %dma_start3A_655 = tpu.memref_slice %arg3[%add3A_652] : memref<12800000xf32, #tpu.memory_space<hbm>> -> memref<20000xf32, #tpu.memory_space<hbm>>
    %dma_start3A_656 = arith.constant 40000 : i32
    %dma_start3A_657 = tpu.memref_slice %arg8[%dma_start3A_656] : memref<80000xf32, #tpu.memory_space<vmem>> -> memref<20000xf32, #tpu.memory_space<vmem>>
    %dma_start3A_658 = tpu.memref_slice %arg3[%add3A_652] : memref<12800000xf32, #tpu.memory_space<hbm>> -> memref<20000xf32, #tpu.memory_space<hbm>>
    tpu.enqueue_dma source(%dma_start3A_658 : memref<20000xf32, #tpu.memory_space<hbm>>) target(%dma_start3A_657 : memref<20000xf32, #tpu.memory_space<vmem>>) target_semaphore(%arg13 : memref<!tpu.dma_semaphore, #tpu.memory_space<semaphore_mem>>)
    %dma_wait3A_659 = arith.constant 60000 : i32
    %dma_wait3A_660 = tpu.memref_slice %arg8[%dma_wait3A_659] : memref<80000xf32, #tpu.memory_space<vmem>> -> memref<20000xf32, #tpu.memory_space<vmem>>
    %dma_wait3A_661 = tpu.memref_slice %arg3[%add3A_532] : memref<12800000xf32, #tpu.memory_space<hbm>> -> memref<20000xf32, #tpu.memory_space<hbm>>
    %dma_wait3A_662 = arith.constant 60000 : i32
    %dma_wait3A_663 = tpu.memref_slice %arg8[%dma_wait3A_662] : memref<80000xf32, #tpu.memory_space<vmem>> -> memref<20000xf32, #tpu.memory_space<vmem>>
    %dma_wait3A_664 = tpu.memref_slice %arg3[%add3A_532] : memref<12800000xf32, #tpu.memory_space<hbm>> -> memref<20000xf32, #tpu.memory_space<hbm>>
    tpu.wait_dma2 semaphore(%arg14 : memref<!tpu.dma_semaphore, #tpu.memory_space<semaphore_mem>>) src(%dma_wait3A_664 : memref<20000xf32, #tpu.memory_space<hbm>>) dst(%dma_wait3A_663 : memref<20000xf32, #tpu.memory_space<vmem>>)
    %broadcast_in_dim3A_665 = arith.constant 3 : i32
    %broadcast_in_dim3A_666 = vector.broadcast %broadcast_in_dim3A_665 : i32 to vector<16xi32>
    %gather3A_667 = tpu.vector_load_idx %arg7[%broadcast_in_dim3A_666] : memref<16xf32, #tpu.memory_space<vmem>>[vector<16xi32>], vector<16xf32>,
    %sub3A_668 = arith.constant 1.000000e-01 : f32
    %sub3A_669 = vector.broadcast %sub3A_668 : f32 to vector<16xf32>
    %sub3A_670 = arith.subf %gather3A_667, %sub3A_669 : vector<16xf32>
    %scan3A_671 = arith.constant 0 : i32
    %scan3A_672 = arith.constant 156 : i32
    %scan3A_673 = arith.addi %scan3A_671, %scan3A_672 : i32
    %scan3A_674 = arith.constant 1 : i32
    %scan3A_675:8 = scf.for %scan3A_836 = %scan3A_671 to %scan3A_673 step %scan3A_674 iter_args(%scan3A_837 = %add3A_643, %scan3A_838 = %add3A_650, %scan3A_839 = %scan3A_635#2, %scan3A_840 = %scan3A_635#3, %scan3A_841 = %scan3A_635#4, %scan3A_842 = %scan3A_635#5, %scan3A_843 = %scan3A_635#6, %scan3A_844 = %scan3A_635#7) -> (vector<16xf32>, vector<16xf32>, vector<16xf32>, vector<16xf32>, vector<16xf32>, vector<16xf32>, vector<16xf32>, vector<16xf32>)  : i32 {
      %mul3A_845 = arith.constant 128 : i32
      %mul3A_846 = arith.muli %scan3A_836, %mul3A_845 : i32
      %add3A_847 = arith.constant 60000 : i32
      %add3A_848 = arith.addi %add3A_847, %mul3A_846 : i32
      %add3A_849 = arith.constant 0 : i32
      %add3A_850 = arith.addi %add3A_848, %add3A_849 : i32
      %get3A_851 = arith.index_cast %add3A_850 : i32 to index
      %get3A_852 = tpu.vector_load %arg8[%get3A_851] {strides = array<i32>} : memref<80000xf32, #tpu.memory_space<vmem>>, vector<16xf32>,
      %sub3A_853 = arith.subf %get3A_852, %sub3A_670 : vector<16xf32>
      %max3A_854 = arith.constant 0.000000e+00 : f32
      %max3A_855 = vector.broadcast %max3A_854 : f32 to vector<16xf32>
      %max3A_856 = arith.maximumf %sub3A_853, %max3A_855 : vector<16xf32>
      %add3A_857 = arith.addf %scan3A_837, %max3A_856 : vector<16xf32>
      %add3A_858 = arith.constant 16 : i32
      %add3A_859 = arith.addi %add3A_848, %add3A_858 : i32
      %get3A_860 = arith.index_cast %add3A_859 : i32 to index
      %get3A_861 = tpu.vector_load %arg8[%get3A_860] {strides = array<i32>} : memref<80000xf32, #tpu.memory_space<vmem>>, vector<16xf32>,
      %sub3A_862 = arith.subf %get3A_861, %sub3A_670 : vector<16xf32>
      %max3A_863 = arith.constant 0.000000e+00 : f32
      %max3A_864 = vector.broadcast %max3A_863 : f32 to vector<16xf32>
      %max3A_865 = arith.maximumf %sub3A_862, %max3A_864 : vector<16xf32>
      %add3A_866 = arith.addf %scan3A_838, %max3A_865 : vector<16xf32>
      %add3A_867 = arith.constant 32 : i32
      %add3A_868 = arith.addi %add3A_848, %add3A_867 : i32
      %get3A_869 = arith.index_cast %add3A_868 : i32 to index
      %get3A_870 = tpu.vector_load %arg8[%get3A_869] {strides = array<i32>} : memref<80000xf32, #tpu.memory_space<vmem>>, vector<16xf32>,
      %sub3A_871 = arith.subf %get3A_870, %sub3A_670 : vector<16xf32>
      %max3A_872 = arith.constant 0.000000e+00 : f32
      %max3A_873 = vector.broadcast %max3A_872 : f32 to vector<16xf32>
      %max3A_874 = arith.maximumf %sub3A_871, %max3A_873 : vector<16xf32>
      %add3A_875 = arith.addf %scan3A_839, %max3A_874 : vector<16xf32>
      %add3A_876 = arith.constant 48 : i32
      %add3A_877 = arith.addi %add3A_848, %add3A_876 : i32
      %get3A_878 = arith.index_cast %add3A_877 : i32 to index
      %get3A_879 = tpu.vector_load %arg8[%get3A_878] {strides = array<i32>} : memref<80000xf32, #tpu.memory_space<vmem>>, vector<16xf32>,
      %sub3A_880 = arith.subf %get3A_879, %sub3A_670 : vector<16xf32>
      %max3A_881 = arith.constant 0.000000e+00 : f32
      %max3A_882 = vector.broadcast %max3A_881 : f32 to vector<16xf32>
      %max3A_883 = arith.maximumf %sub3A_880, %max3A_882 : vector<16xf32>
      %add3A_884 = arith.addf %scan3A_840, %max3A_883 : vector<16xf32>
      %add3A_885 = arith.constant 64 : i32
      %add3A_886 = arith.addi %add3A_848, %add3A_885 : i32
      %get3A_887 = arith.index_cast %add3A_886 : i32 to index
      %get3A_888 = tpu.vector_load %arg8[%get3A_887] {strides = array<i32>} : memref<80000xf32, #tpu.memory_space<vmem>>, vector<16xf32>,
      %sub3A_889 = arith.subf %get3A_888, %sub3A_670 : vector<16xf32>
      %max3A_890 = arith.constant 0.000000e+00 : f32
      %max3A_891 = vector.broadcast %max3A_890 : f32 to vector<16xf32>
      %max3A_892 = arith.maximumf %sub3A_889, %max3A_891 : vector<16xf32>
      %add3A_893 = arith.addf %scan3A_841, %max3A_892 : vector<16xf32>
      %add3A_894 = arith.constant 80 : i32
      %add3A_895 = arith.addi %add3A_848, %add3A_894 : i32
      %get3A_896 = arith.index_cast %add3A_895 : i32 to index
      %get3A_897 = tpu.vector_load %arg8[%get3A_896] {strides = array<i32>} : memref<80000xf32, #tpu.memory_space<vmem>>, vector<16xf32>,
      %sub3A_898 = arith.subf %get3A_897, %sub3A_670 : vector<16xf32>
      %max3A_899 = arith.constant 0.000000e+00 : f32
      %max3A_900 = vector.broadcast %max3A_899 : f32 to vector<16xf32>
      %max3A_901 = arith.maximumf %sub3A_898, %max3A_900 : vector<16xf32>
      %add3A_902 = arith.addf %scan3A_842, %max3A_901 : vector<16xf32>
      %add3A_903 = arith.constant 96 : i32
      %add3A_904 = arith.addi %add3A_848, %add3A_903 : i32
      %get3A_905 = arith.index_cast %add3A_904 : i32 to index
      %get3A_906 = tpu.vector_load %arg8[%get3A_905] {strides = array<i32>} : memref<80000xf32, #tpu.memory_space<vmem>>, vector<16xf32>,
      %sub3A_907 = arith.subf %get3A_906, %sub3A_670 : vector<16xf32>
      %max3A_908 = arith.constant 0.000000e+00 : f32
      %max3A_909 = vector.broadcast %max3A_908 : f32 to vector<16xf32>
      %max3A_910 = arith.maximumf %sub3A_907, %max3A_909 : vector<16xf32>
      %add3A_911 = arith.addf %scan3A_843, %max3A_910 : vector<16xf32>
      %add3A_912 = arith.constant 112 : i32
      %add3A_913 = arith.addi %add3A_848, %add3A_912 : i32
      %get3A_914 = arith.index_cast %add3A_913 : i32 to index
      %get3A_915 = tpu.vector_load %arg8[%get3A_914] {strides = array<i32>} : memref<80000xf32, #tpu.memory_space<vmem>>, vector<16xf32>,
      %sub3A_916 = arith.subf %get3A_915, %sub3A_670 : vector<16xf32>
      %max3A_917 = arith.constant 0.000000e+00 : f32
      %max3A_918 = vector.broadcast %max3A_917 : f32 to vector<16xf32>
      %max3A_919 = arith.maximumf %sub3A_916, %max3A_918 : vector<16xf32>
      %add3A_920 = arith.addf %scan3A_844, %max3A_919 : vector<16xf32>
      scf.yield %add3A_857, %add3A_866, %add3A_875, %add3A_884, %add3A_893, %add3A_902, %add3A_911, %add3A_920 : vector<16xf32>, vector<16xf32>, vector<16xf32>, vector<16xf32>, vector<16xf32>, vector<16xf32>, vector<16xf32>, vector<16xf32>
    }
    %scan3A_676 = arith.constant 156 : i32
    %get3A_677 = arith.constant 79968 : index
    %get3A_678 = tpu.vector_load %arg8[%get3A_677] {strides = array<i32>} : memref<80000xf32, #tpu.memory_space<vmem>>, vector<16xf32>,
    %sub3A_679 = arith.subf %get3A_678, %sub3A_670 : vector<16xf32>
    %max3A_680 = arith.constant 0.000000e+00 : f32
    %max3A_681 = vector.broadcast %max3A_680 : f32 to vector<16xf32>
    %max3A_682 = arith.maximumf %sub3A_679, %max3A_681 : vector<16xf32>
    %add3A_683 = arith.addf %scan3A_675#0, %max3A_682 : vector<16xf32>
    %get3A_684 = arith.constant 79984 : index
    %get3A_685 = tpu.vector_load %arg8[%get3A_684] {strides = array<i32>} : memref<80000xf32, #tpu.memory_space<vmem>>, vector<16xf32>,
    %sub3A_686 = arith.subf %get3A_685, %sub3A_670 : vector<16xf32>
    %max3A_687 = arith.constant 0.000000e+00 : f32
    %max3A_688 = vector.broadcast %max3A_687 : f32 to vector<16xf32>
    %max3A_689 = arith.maximumf %sub3A_686, %max3A_688 : vector<16xf32>
    %add3A_690 = arith.addf %scan3A_675#1, %max3A_689 : vector<16xf32>
    %add3A_691 = arith.constant 380000 : i32
    %add3A_692 = arith.addi %mul3A_2, %add3A_691 : i32
    %dma_start3A_693 = arith.constant 60000 : i32
    %dma_start3A_694 = tpu.memref_slice %arg8[%dma_start3A_693] : memref<80000xf32, #tpu.memory_space<vmem>> -> memref<20000xf32, #tpu.memory_space<vmem>>
    %dma_start3A_695 = tpu.memref_slice %arg3[%add3A_692] : memref<12800000xf32, #tpu.memory_space<hbm>> -> memref<20000xf32, #tpu.memory_space<hbm>>
    %dma_start3A_696 = arith.constant 60000 : i32
    %dma_start3A_697 = tpu.memref_slice %arg8[%dma_start3A_696] : memref<80000xf32, #tpu.memory_space<vmem>> -> memref<20000xf32, #tpu.memory_space<vmem>>
    %dma_start3A_698 = tpu.memref_slice %arg3[%add3A_692] : memref<12800000xf32, #tpu.memory_space<hbm>> -> memref<20000xf32, #tpu.memory_space<hbm>>
    tpu.enqueue_dma source(%dma_start3A_698 : memref<20000xf32, #tpu.memory_space<hbm>>) target(%dma_start3A_697 : memref<20000xf32, #tpu.memory_space<vmem>>) target_semaphore(%arg14 : memref<!tpu.dma_semaphore, #tpu.memory_space<semaphore_mem>>)
    %dma_wait3A_699 = arith.constant 0 : i32
    %dma_wait3A_700 = tpu.memref_slice %arg8[%dma_wait3A_699] : memref<80000xf32, #tpu.memory_space<vmem>> -> memref<20000xf32, #tpu.memory_space<vmem>>
    %dma_wait3A_701 = tpu.memref_slice %arg3[%add3A_572] : memref<12800000xf32, #tpu.memory_space<hbm>> -> memref<20000xf32, #tpu.memory_space<hbm>>
    %dma_wait3A_702 = arith.constant 0 : i32
    %dma_wait3A_703 = tpu.memref_slice %arg8[%dma_wait3A_702] : memref<80000xf32, #tpu.memory_space<vmem>> -> memref<20000xf32, #tpu.memory_space<vmem>>
    %dma_wait3A_704 = tpu.memref_slice %arg3[%add3A_572] : memref<12800000xf32, #tpu.memory_space<hbm>> -> memref<20000xf32, #tpu.memory_space<hbm>>
    tpu.wait_dma2 semaphore(%arg11 : memref<!tpu.dma_semaphore, #tpu.memory_space<semaphore_mem>>) src(%dma_wait3A_704 : memref<20000xf32, #tpu.memory_space<hbm>>) dst(%dma_wait3A_703 : memref<20000xf32, #tpu.memory_space<vmem>>)
    %broadcast_in_dim3A_705 = arith.constant 3 : i32
    %broadcast_in_dim3A_706 = vector.broadcast %broadcast_in_dim3A_705 : i32 to vector<16xi32>
    %gather3A_707 = tpu.vector_load_idx %arg7[%broadcast_in_dim3A_706] : memref<16xf32, #tpu.memory_space<vmem>>[vector<16xi32>], vector<16xf32>,
    %sub3A_708 = arith.constant 1.000000e-01 : f32
    %sub3A_709 = vector.broadcast %sub3A_708 : f32 to vector<16xf32>
    %sub3A_710 = arith.subf %gather3A_707, %sub3A_709 : vector<16xf32>
    %scan3A_711 = arith.constant 0 : i32
    %scan3A_712 = arith.constant 156 : i32
    %scan3A_713 = arith.addi %scan3A_711, %scan3A_712 : i32
    %scan3A_714 = arith.constant 1 : i32
    %scan3A_715:8 = scf.for %scan3A_836 = %scan3A_711 to %scan3A_713 step %scan3A_714 iter_args(%scan3A_837 = %add3A_683, %scan3A_838 = %add3A_690, %scan3A_839 = %scan3A_675#2, %scan3A_840 = %scan3A_675#3, %scan3A_841 = %scan3A_675#4, %scan3A_842 = %scan3A_675#5, %scan3A_843 = %scan3A_675#6, %scan3A_844 = %scan3A_675#7) -> (vector<16xf32>, vector<16xf32>, vector<16xf32>, vector<16xf32>, vector<16xf32>, vector<16xf32>, vector<16xf32>, vector<16xf32>)  : i32 {
      %mul3A_845 = arith.constant 128 : i32
      %mul3A_846 = arith.muli %scan3A_836, %mul3A_845 : i32
      %add3A_847 = arith.constant 0 : i32
      %add3A_848 = arith.addi %add3A_847, %mul3A_846 : i32
      %add3A_849 = arith.constant 0 : i32
      %add3A_850 = arith.addi %add3A_848, %add3A_849 : i32
      %get3A_851 = arith.index_cast %add3A_850 : i32 to index
      %get3A_852 = tpu.vector_load %arg8[%get3A_851] {strides = array<i32>} : memref<80000xf32, #tpu.memory_space<vmem>>, vector<16xf32>,
      %sub3A_853 = arith.subf %get3A_852, %sub3A_710 : vector<16xf32>
      %max3A_854 = arith.constant 0.000000e+00 : f32
      %max3A_855 = vector.broadcast %max3A_854 : f32 to vector<16xf32>
      %max3A_856 = arith.maximumf %sub3A_853, %max3A_855 : vector<16xf32>
      %add3A_857 = arith.addf %scan3A_837, %max3A_856 : vector<16xf32>
      %add3A_858 = arith.constant 16 : i32
      %add3A_859 = arith.addi %add3A_848, %add3A_858 : i32
      %get3A_860 = arith.index_cast %add3A_859 : i32 to index
      %get3A_861 = tpu.vector_load %arg8[%get3A_860] {strides = array<i32>} : memref<80000xf32, #tpu.memory_space<vmem>>, vector<16xf32>,
      %sub3A_862 = arith.subf %get3A_861, %sub3A_710 : vector<16xf32>
      %max3A_863 = arith.constant 0.000000e+00 : f32
      %max3A_864 = vector.broadcast %max3A_863 : f32 to vector<16xf32>
      %max3A_865 = arith.maximumf %sub3A_862, %max3A_864 : vector<16xf32>
      %add3A_866 = arith.addf %scan3A_838, %max3A_865 : vector<16xf32>
      %add3A_867 = arith.constant 32 : i32
      %add3A_868 = arith.addi %add3A_848, %add3A_867 : i32
      %get3A_869 = arith.index_cast %add3A_868 : i32 to index
      %get3A_870 = tpu.vector_load %arg8[%get3A_869] {strides = array<i32>} : memref<80000xf32, #tpu.memory_space<vmem>>, vector<16xf32>,
      %sub3A_871 = arith.subf %get3A_870, %sub3A_710 : vector<16xf32>
      %max3A_872 = arith.constant 0.000000e+00 : f32
      %max3A_873 = vector.broadcast %max3A_872 : f32 to vector<16xf32>
      %max3A_874 = arith.maximumf %sub3A_871, %max3A_873 : vector<16xf32>
      %add3A_875 = arith.addf %scan3A_839, %max3A_874 : vector<16xf32>
      %add3A_876 = arith.constant 48 : i32
      %add3A_877 = arith.addi %add3A_848, %add3A_876 : i32
      %get3A_878 = arith.index_cast %add3A_877 : i32 to index
      %get3A_879 = tpu.vector_load %arg8[%get3A_878] {strides = array<i32>} : memref<80000xf32, #tpu.memory_space<vmem>>, vector<16xf32>,
      %sub3A_880 = arith.subf %get3A_879, %sub3A_710 : vector<16xf32>
      %max3A_881 = arith.constant 0.000000e+00 : f32
      %max3A_882 = vector.broadcast %max3A_881 : f32 to vector<16xf32>
      %max3A_883 = arith.maximumf %sub3A_880, %max3A_882 : vector<16xf32>
      %add3A_884 = arith.addf %scan3A_840, %max3A_883 : vector<16xf32>
      %add3A_885 = arith.constant 64 : i32
      %add3A_886 = arith.addi %add3A_848, %add3A_885 : i32
      %get3A_887 = arith.index_cast %add3A_886 : i32 to index
      %get3A_888 = tpu.vector_load %arg8[%get3A_887] {strides = array<i32>} : memref<80000xf32, #tpu.memory_space<vmem>>, vector<16xf32>,
      %sub3A_889 = arith.subf %get3A_888, %sub3A_710 : vector<16xf32>
      %max3A_890 = arith.constant 0.000000e+00 : f32
      %max3A_891 = vector.broadcast %max3A_890 : f32 to vector<16xf32>
      %max3A_892 = arith.maximumf %sub3A_889, %max3A_891 : vector<16xf32>
      %add3A_893 = arith.addf %scan3A_841, %max3A_892 : vector<16xf32>
      %add3A_894 = arith.constant 80 : i32
      %add3A_895 = arith.addi %add3A_848, %add3A_894 : i32
      %get3A_896 = arith.index_cast %add3A_895 : i32 to index
      %get3A_897 = tpu.vector_load %arg8[%get3A_896] {strides = array<i32>} : memref<80000xf32, #tpu.memory_space<vmem>>, vector<16xf32>,
      %sub3A_898 = arith.subf %get3A_897, %sub3A_710 : vector<16xf32>
      %max3A_899 = arith.constant 0.000000e+00 : f32
      %max3A_900 = vector.broadcast %max3A_899 : f32 to vector<16xf32>
      %max3A_901 = arith.maximumf %sub3A_898, %max3A_900 : vector<16xf32>
      %add3A_902 = arith.addf %scan3A_842, %max3A_901 : vector<16xf32>
      %add3A_903 = arith.constant 96 : i32
      %add3A_904 = arith.addi %add3A_848, %add3A_903 : i32
      %get3A_905 = arith.index_cast %add3A_904 : i32 to index
      %get3A_906 = tpu.vector_load %arg8[%get3A_905] {strides = array<i32>} : memref<80000xf32, #tpu.memory_space<vmem>>, vector<16xf32>,
      %sub3A_907 = arith.subf %get3A_906, %sub3A_710 : vector<16xf32>
      %max3A_908 = arith.constant 0.000000e+00 : f32
      %max3A_909 = vector.broadcast %max3A_908 : f32 to vector<16xf32>
      %max3A_910 = arith.maximumf %sub3A_907, %max3A_909 : vector<16xf32>
      %add3A_911 = arith.addf %scan3A_843, %max3A_910 : vector<16xf32>
      %add3A_912 = arith.constant 112 : i32
      %add3A_913 = arith.addi %add3A_848, %add3A_912 : i32
      %get3A_914 = arith.index_cast %add3A_913 : i32 to index
      %get3A_915 = tpu.vector_load %arg8[%get3A_914] {strides = array<i32>} : memref<80000xf32, #tpu.memory_space<vmem>>, vector<16xf32>,
      %sub3A_916 = arith.subf %get3A_915, %sub3A_710 : vector<16xf32>
      %max3A_917 = arith.constant 0.000000e+00 : f32
      %max3A_918 = vector.broadcast %max3A_917 : f32 to vector<16xf32>
      %max3A_919 = arith.maximumf %sub3A_916, %max3A_918 : vector<16xf32>
      %add3A_920 = arith.addf %scan3A_844, %max3A_919 : vector<16xf32>
      scf.yield %add3A_857, %add3A_866, %add3A_875, %add3A_884, %add3A_893, %add3A_902, %add3A_911, %add3A_920 : vector<16xf32>, vector<16xf32>, vector<16xf32>, vector<16xf32>, vector<16xf32>, vector<16xf32>, vector<16xf32>, vector<16xf32>
    }
    %scan3A_716 = arith.constant 156 : i32
    %get3A_717 = arith.constant 19968 : index
    %get3A_718 = tpu.vector_load %arg8[%get3A_717] {strides = array<i32>} : memref<80000xf32, #tpu.memory_space<vmem>>, vector<16xf32>,
    %sub3A_719 = arith.subf %get3A_718, %sub3A_710 : vector<16xf32>
    %max3A_720 = arith.constant 0.000000e+00 : f32
    %max3A_721 = vector.broadcast %max3A_720 : f32 to vector<16xf32>
    %max3A_722 = arith.maximumf %sub3A_719, %max3A_721 : vector<16xf32>
    %add3A_723 = arith.addf %scan3A_715#0, %max3A_722 : vector<16xf32>
    %get3A_724 = arith.constant 19984 : index
    %get3A_725 = tpu.vector_load %arg8[%get3A_724] {strides = array<i32>} : memref<80000xf32, #tpu.memory_space<vmem>>, vector<16xf32>,
    %sub3A_726 = arith.subf %get3A_725, %sub3A_710 : vector<16xf32>
    %max3A_727 = arith.constant 0.000000e+00 : f32
    %max3A_728 = vector.broadcast %max3A_727 : f32 to vector<16xf32>
    %max3A_729 = arith.maximumf %sub3A_726, %max3A_728 : vector<16xf32>
    %add3A_730 = arith.addf %scan3A_715#1, %max3A_729 : vector<16xf32>
    %dma_wait3A_731 = arith.constant 20000 : i32
    %dma_wait3A_732 = tpu.memref_slice %arg8[%dma_wait3A_731] : memref<80000xf32, #tpu.memory_space<vmem>> -> memref<20000xf32, #tpu.memory_space<vmem>>
    %dma_wait3A_733 = tpu.memref_slice %arg3[%add3A_612] : memref<12800000xf32, #tpu.memory_space<hbm>> -> memref<20000xf32, #tpu.memory_space<hbm>>
    %dma_wait3A_734 = arith.constant 20000 : i32
    %dma_wait3A_735 = tpu.memref_slice %arg8[%dma_wait3A_734] : memref<80000xf32, #tpu.memory_space<vmem>> -> memref<20000xf32, #tpu.memory_space<vmem>>
    %dma_wait3A_736 = tpu.memref_slice %arg3[%add3A_612] : memref<12800000xf32, #tpu.memory_space<hbm>> -> memref<20000xf32, #tpu.memory_space<hbm>>
    tpu.wait_dma2 semaphore(%arg12 : memref<!tpu.dma_semaphore, #tpu.memory_space<semaphore_mem>>) src(%dma_wait3A_736 : memref<20000xf32, #tpu.memory_space<hbm>>) dst(%dma_wait3A_735 : memref<20000xf32, #tpu.memory_space<vmem>>)
    %broadcast_in_dim3A_737 = arith.constant 3 : i32
    %broadcast_in_dim3A_738 = vector.broadcast %broadcast_in_dim3A_737 : i32 to vector<16xi32>
    %gather3A_739 = tpu.vector_load_idx %arg7[%broadcast_in_dim3A_738] : memref<16xf32, #tpu.memory_space<vmem>>[vector<16xi32>], vector<16xf32>,
    %sub3A_740 = arith.constant 1.000000e-01 : f32
    %sub3A_741 = vector.broadcast %sub3A_740 : f32 to vector<16xf32>
    %sub3A_742 = arith.subf %gather3A_739, %sub3A_741 : vector<16xf32>
    %scan3A_743 = arith.constant 0 : i32
    %scan3A_744 = arith.constant 156 : i32
    %scan3A_745 = arith.addi %scan3A_743, %scan3A_744 : i32
    %scan3A_746 = arith.constant 1 : i32
    %scan3A_747:8 = scf.for %scan3A_836 = %scan3A_743 to %scan3A_745 step %scan3A_746 iter_args(%scan3A_837 = %add3A_723, %scan3A_838 = %add3A_730, %scan3A_839 = %scan3A_715#2, %scan3A_840 = %scan3A_715#3, %scan3A_841 = %scan3A_715#4, %scan3A_842 = %scan3A_715#5, %scan3A_843 = %scan3A_715#6, %scan3A_844 = %scan3A_715#7) -> (vector<16xf32>, vector<16xf32>, vector<16xf32>, vector<16xf32>, vector<16xf32>, vector<16xf32>, vector<16xf32>, vector<16xf32>)  : i32 {
      %mul3A_845 = arith.constant 128 : i32
      %mul3A_846 = arith.muli %scan3A_836, %mul3A_845 : i32
      %add3A_847 = arith.constant 20000 : i32
      %add3A_848 = arith.addi %add3A_847, %mul3A_846 : i32
      %add3A_849 = arith.constant 0 : i32
      %add3A_850 = arith.addi %add3A_848, %add3A_849 : i32
      %get3A_851 = arith.index_cast %add3A_850 : i32 to index
      %get3A_852 = tpu.vector_load %arg8[%get3A_851] {strides = array<i32>} : memref<80000xf32, #tpu.memory_space<vmem>>, vector<16xf32>,
      %sub3A_853 = arith.subf %get3A_852, %sub3A_742 : vector<16xf32>
      %max3A_854 = arith.constant 0.000000e+00 : f32
      %max3A_855 = vector.broadcast %max3A_854 : f32 to vector<16xf32>
      %max3A_856 = arith.maximumf %sub3A_853, %max3A_855 : vector<16xf32>
      %add3A_857 = arith.addf %scan3A_837, %max3A_856 : vector<16xf32>
      %add3A_858 = arith.constant 16 : i32
      %add3A_859 = arith.addi %add3A_848, %add3A_858 : i32
      %get3A_860 = arith.index_cast %add3A_859 : i32 to index
      %get3A_861 = tpu.vector_load %arg8[%get3A_860] {strides = array<i32>} : memref<80000xf32, #tpu.memory_space<vmem>>, vector<16xf32>,
      %sub3A_862 = arith.subf %get3A_861, %sub3A_742 : vector<16xf32>
      %max3A_863 = arith.constant 0.000000e+00 : f32
      %max3A_864 = vector.broadcast %max3A_863 : f32 to vector<16xf32>
      %max3A_865 = arith.maximumf %sub3A_862, %max3A_864 : vector<16xf32>
      %add3A_866 = arith.addf %scan3A_838, %max3A_865 : vector<16xf32>
      %add3A_867 = arith.constant 32 : i32
      %add3A_868 = arith.addi %add3A_848, %add3A_867 : i32
      %get3A_869 = arith.index_cast %add3A_868 : i32 to index
      %get3A_870 = tpu.vector_load %arg8[%get3A_869] {strides = array<i32>} : memref<80000xf32, #tpu.memory_space<vmem>>, vector<16xf32>,
      %sub3A_871 = arith.subf %get3A_870, %sub3A_742 : vector<16xf32>
      %max3A_872 = arith.constant 0.000000e+00 : f32
      %max3A_873 = vector.broadcast %max3A_872 : f32 to vector<16xf32>
      %max3A_874 = arith.maximumf %sub3A_871, %max3A_873 : vector<16xf32>
      %add3A_875 = arith.addf %scan3A_839, %max3A_874 : vector<16xf32>
      %add3A_876 = arith.constant 48 : i32
      %add3A_877 = arith.addi %add3A_848, %add3A_876 : i32
      %get3A_878 = arith.index_cast %add3A_877 : i32 to index
      %get3A_879 = tpu.vector_load %arg8[%get3A_878] {strides = array<i32>} : memref<80000xf32, #tpu.memory_space<vmem>>, vector<16xf32>,
      %sub3A_880 = arith.subf %get3A_879, %sub3A_742 : vector<16xf32>
      %max3A_881 = arith.constant 0.000000e+00 : f32
      %max3A_882 = vector.broadcast %max3A_881 : f32 to vector<16xf32>
      %max3A_883 = arith.maximumf %sub3A_880, %max3A_882 : vector<16xf32>
      %add3A_884 = arith.addf %scan3A_840, %max3A_883 : vector<16xf32>
      %add3A_885 = arith.constant 64 : i32
      %add3A_886 = arith.addi %add3A_848, %add3A_885 : i32
      %get3A_887 = arith.index_cast %add3A_886 : i32 to index
      %get3A_888 = tpu.vector_load %arg8[%get3A_887] {strides = array<i32>} : memref<80000xf32, #tpu.memory_space<vmem>>, vector<16xf32>,
      %sub3A_889 = arith.subf %get3A_888, %sub3A_742 : vector<16xf32>
      %max3A_890 = arith.constant 0.000000e+00 : f32
      %max3A_891 = vector.broadcast %max3A_890 : f32 to vector<16xf32>
      %max3A_892 = arith.maximumf %sub3A_889, %max3A_891 : vector<16xf32>
      %add3A_893 = arith.addf %scan3A_841, %max3A_892 : vector<16xf32>
      %add3A_894 = arith.constant 80 : i32
      %add3A_895 = arith.addi %add3A_848, %add3A_894 : i32
      %get3A_896 = arith.index_cast %add3A_895 : i32 to index
      %get3A_897 = tpu.vector_load %arg8[%get3A_896] {strides = array<i32>} : memref<80000xf32, #tpu.memory_space<vmem>>, vector<16xf32>,
      %sub3A_898 = arith.subf %get3A_897, %sub3A_742 : vector<16xf32>
      %max3A_899 = arith.constant 0.000000e+00 : f32
      %max3A_900 = vector.broadcast %max3A_899 : f32 to vector<16xf32>
      %max3A_901 = arith.maximumf %sub3A_898, %max3A_900 : vector<16xf32>
      %add3A_902 = arith.addf %scan3A_842, %max3A_901 : vector<16xf32>
      %add3A_903 = arith.constant 96 : i32
      %add3A_904 = arith.addi %add3A_848, %add3A_903 : i32
      %get3A_905 = arith.index_cast %add3A_904 : i32 to index
      %get3A_906 = tpu.vector_load %arg8[%get3A_905] {strides = array<i32>} : memref<80000xf32, #tpu.memory_space<vmem>>, vector<16xf32>,
      %sub3A_907 = arith.subf %get3A_906, %sub3A_742 : vector<16xf32>
      %max3A_908 = arith.constant 0.000000e+00 : f32
      %max3A_909 = vector.broadcast %max3A_908 : f32 to vector<16xf32>
      %max3A_910 = arith.maximumf %sub3A_907, %max3A_909 : vector<16xf32>
      %add3A_911 = arith.addf %scan3A_843, %max3A_910 : vector<16xf32>
      %add3A_912 = arith.constant 112 : i32
      %add3A_913 = arith.addi %add3A_848, %add3A_912 : i32
      %get3A_914 = arith.index_cast %add3A_913 : i32 to index
      %get3A_915 = tpu.vector_load %arg8[%get3A_914] {strides = array<i32>} : memref<80000xf32, #tpu.memory_space<vmem>>, vector<16xf32>,
      %sub3A_916 = arith.subf %get3A_915, %sub3A_742 : vector<16xf32>
      %max3A_917 = arith.constant 0.000000e+00 : f32
      %max3A_918 = vector.broadcast %max3A_917 : f32 to vector<16xf32>
      %max3A_919 = arith.maximumf %sub3A_916, %max3A_918 : vector<16xf32>
      %add3A_920 = arith.addf %scan3A_844, %max3A_919 : vector<16xf32>
      scf.yield %add3A_857, %add3A_866, %add3A_875, %add3A_884, %add3A_893, %add3A_902, %add3A_911, %add3A_920 : vector<16xf32>, vector<16xf32>, vector<16xf32>, vector<16xf32>, vector<16xf32>, vector<16xf32>, vector<16xf32>, vector<16xf32>
    }
    %scan3A_748 = arith.constant 156 : i32
    %get3A_749 = arith.constant 39968 : index
    %get3A_750 = tpu.vector_load %arg8[%get3A_749] {strides = array<i32>} : memref<80000xf32, #tpu.memory_space<vmem>>, vector<16xf32>,
    %sub3A_751 = arith.subf %get3A_750, %sub3A_742 : vector<16xf32>
    %max3A_752 = arith.constant 0.000000e+00 : f32
    %max3A_753 = vector.broadcast %max3A_752 : f32 to vector<16xf32>
    %max3A_754 = arith.maximumf %sub3A_751, %max3A_753 : vector<16xf32>
    %add3A_755 = arith.addf %scan3A_747#0, %max3A_754 : vector<16xf32>
    %get3A_756 = arith.constant 39984 : index
    %get3A_757 = tpu.vector_load %arg8[%get3A_756] {strides = array<i32>} : memref<80000xf32, #tpu.memory_space<vmem>>, vector<16xf32>,
    %sub3A_758 = arith.subf %get3A_757, %sub3A_742 : vector<16xf32>
    %max3A_759 = arith.constant 0.000000e+00 : f32
    %max3A_760 = vector.broadcast %max3A_759 : f32 to vector<16xf32>
    %max3A_761 = arith.maximumf %sub3A_758, %max3A_760 : vector<16xf32>
    %add3A_762 = arith.addf %scan3A_747#1, %max3A_761 : vector<16xf32>
    %dma_wait3A_763 = arith.constant 40000 : i32
    %dma_wait3A_764 = tpu.memref_slice %arg8[%dma_wait3A_763] : memref<80000xf32, #tpu.memory_space<vmem>> -> memref<20000xf32, #tpu.memory_space<vmem>>
    %dma_wait3A_765 = tpu.memref_slice %arg3[%add3A_652] : memref<12800000xf32, #tpu.memory_space<hbm>> -> memref<20000xf32, #tpu.memory_space<hbm>>
    %dma_wait3A_766 = arith.constant 40000 : i32
    %dma_wait3A_767 = tpu.memref_slice %arg8[%dma_wait3A_766] : memref<80000xf32, #tpu.memory_space<vmem>> -> memref<20000xf32, #tpu.memory_space<vmem>>
    %dma_wait3A_768 = tpu.memref_slice %arg3[%add3A_652] : memref<12800000xf32, #tpu.memory_space<hbm>> -> memref<20000xf32, #tpu.memory_space<hbm>>
    tpu.wait_dma2 semaphore(%arg13 : memref<!tpu.dma_semaphore, #tpu.memory_space<semaphore_mem>>) src(%dma_wait3A_768 : memref<20000xf32, #tpu.memory_space<hbm>>) dst(%dma_wait3A_767 : memref<20000xf32, #tpu.memory_space<vmem>>)
    %broadcast_in_dim3A_769 = arith.constant 3 : i32
    %broadcast_in_dim3A_770 = vector.broadcast %broadcast_in_dim3A_769 : i32 to vector<16xi32>
    %gather3A_771 = tpu.vector_load_idx %arg7[%broadcast_in_dim3A_770] : memref<16xf32, #tpu.memory_space<vmem>>[vector<16xi32>], vector<16xf32>,
    %sub3A_772 = arith.constant 1.000000e-01 : f32
    %sub3A_773 = vector.broadcast %sub3A_772 : f32 to vector<16xf32>
    %sub3A_774 = arith.subf %gather3A_771, %sub3A_773 : vector<16xf32>
    %scan3A_775 = arith.constant 0 : i32
    %scan3A_776 = arith.constant 156 : i32
    %scan3A_777 = arith.addi %scan3A_775, %scan3A_776 : i32
    %scan3A_778 = arith.constant 1 : i32
    %scan3A_779:8 = scf.for %scan3A_836 = %scan3A_775 to %scan3A_777 step %scan3A_778 iter_args(%scan3A_837 = %add3A_755, %scan3A_838 = %add3A_762, %scan3A_839 = %scan3A_747#2, %scan3A_840 = %scan3A_747#3, %scan3A_841 = %scan3A_747#4, %scan3A_842 = %scan3A_747#5, %scan3A_843 = %scan3A_747#6, %scan3A_844 = %scan3A_747#7) -> (vector<16xf32>, vector<16xf32>, vector<16xf32>, vector<16xf32>, vector<16xf32>, vector<16xf32>, vector<16xf32>, vector<16xf32>)  : i32 {
      %mul3A_845 = arith.constant 128 : i32
      %mul3A_846 = arith.muli %scan3A_836, %mul3A_845 : i32
      %add3A_847 = arith.constant 40000 : i32
      %add3A_848 = arith.addi %add3A_847, %mul3A_846 : i32
      %add3A_849 = arith.constant 0 : i32
      %add3A_850 = arith.addi %add3A_848, %add3A_849 : i32
      %get3A_851 = arith.index_cast %add3A_850 : i32 to index
      %get3A_852 = tpu.vector_load %arg8[%get3A_851] {strides = array<i32>} : memref<80000xf32, #tpu.memory_space<vmem>>, vector<16xf32>,
      %sub3A_853 = arith.subf %get3A_852, %sub3A_774 : vector<16xf32>
      %max3A_854 = arith.constant 0.000000e+00 : f32
      %max3A_855 = vector.broadcast %max3A_854 : f32 to vector<16xf32>
      %max3A_856 = arith.maximumf %sub3A_853, %max3A_855 : vector<16xf32>
      %add3A_857 = arith.addf %scan3A_837, %max3A_856 : vector<16xf32>
      %add3A_858 = arith.constant 16 : i32
      %add3A_859 = arith.addi %add3A_848, %add3A_858 : i32
      %get3A_860 = arith.index_cast %add3A_859 : i32 to index
      %get3A_861 = tpu.vector_load %arg8[%get3A_860] {strides = array<i32>} : memref<80000xf32, #tpu.memory_space<vmem>>, vector<16xf32>,
      %sub3A_862 = arith.subf %get3A_861, %sub3A_774 : vector<16xf32>
      %max3A_863 = arith.constant 0.000000e+00 : f32
      %max3A_864 = vector.broadcast %max3A_863 : f32 to vector<16xf32>
      %max3A_865 = arith.maximumf %sub3A_862, %max3A_864 : vector<16xf32>
      %add3A_866 = arith.addf %scan3A_838, %max3A_865 : vector<16xf32>
      %add3A_867 = arith.constant 32 : i32
      %add3A_868 = arith.addi %add3A_848, %add3A_867 : i32
      %get3A_869 = arith.index_cast %add3A_868 : i32 to index
      %get3A_870 = tpu.vector_load %arg8[%get3A_869] {strides = array<i32>} : memref<80000xf32, #tpu.memory_space<vmem>>, vector<16xf32>,
      %sub3A_871 = arith.subf %get3A_870, %sub3A_774 : vector<16xf32>
      %max3A_872 = arith.constant 0.000000e+00 : f32
      %max3A_873 = vector.broadcast %max3A_872 : f32 to vector<16xf32>
      %max3A_874 = arith.maximumf %sub3A_871, %max3A_873 : vector<16xf32>
      %add3A_875 = arith.addf %scan3A_839, %max3A_874 : vector<16xf32>
      %add3A_876 = arith.constant 48 : i32
      %add3A_877 = arith.addi %add3A_848, %add3A_876 : i32
      %get3A_878 = arith.index_cast %add3A_877 : i32 to index
      %get3A_879 = tpu.vector_load %arg8[%get3A_878] {strides = array<i32>} : memref<80000xf32, #tpu.memory_space<vmem>>, vector<16xf32>,
      %sub3A_880 = arith.subf %get3A_879, %sub3A_774 : vector<16xf32>
      %max3A_881 = arith.constant 0.000000e+00 : f32
      %max3A_882 = vector.broadcast %max3A_881 : f32 to vector<16xf32>
      %max3A_883 = arith.maximumf %sub3A_880, %max3A_882 : vector<16xf32>
      %add3A_884 = arith.addf %scan3A_840, %max3A_883 : vector<16xf32>
      %add3A_885 = arith.constant 64 : i32
      %add3A_886 = arith.addi %add3A_848, %add3A_885 : i32
      %get3A_887 = arith.index_cast %add3A_886 : i32 to index
      %get3A_888 = tpu.vector_load %arg8[%get3A_887] {strides = array<i32>} : memref<80000xf32, #tpu.memory_space<vmem>>, vector<16xf32>,
      %sub3A_889 = arith.subf %get3A_888, %sub3A_774 : vector<16xf32>
      %max3A_890 = arith.constant 0.000000e+00 : f32
      %max3A_891 = vector.broadcast %max3A_890 : f32 to vector<16xf32>
      %max3A_892 = arith.maximumf %sub3A_889, %max3A_891 : vector<16xf32>
      %add3A_893 = arith.addf %scan3A_841, %max3A_892 : vector<16xf32>
      %add3A_894 = arith.constant 80 : i32
      %add3A_895 = arith.addi %add3A_848, %add3A_894 : i32
      %get3A_896 = arith.index_cast %add3A_895 : i32 to index
      %get3A_897 = tpu.vector_load %arg8[%get3A_896] {strides = array<i32>} : memref<80000xf32, #tpu.memory_space<vmem>>, vector<16xf32>,
      %sub3A_898 = arith.subf %get3A_897, %sub3A_774 : vector<16xf32>
      %max3A_899 = arith.constant 0.000000e+00 : f32
      %max3A_900 = vector.broadcast %max3A_899 : f32 to vector<16xf32>
      %max3A_901 = arith.maximumf %sub3A_898, %max3A_900 : vector<16xf32>
      %add3A_902 = arith.addf %scan3A_842, %max3A_901 : vector<16xf32>
      %add3A_903 = arith.constant 96 : i32
      %add3A_904 = arith.addi %add3A_848, %add3A_903 : i32
      %get3A_905 = arith.index_cast %add3A_904 : i32 to index
      %get3A_906 = tpu.vector_load %arg8[%get3A_905] {strides = array<i32>} : memref<80000xf32, #tpu.memory_space<vmem>>, vector<16xf32>,
      %sub3A_907 = arith.subf %get3A_906, %sub3A_774 : vector<16xf32>
      %max3A_908 = arith.constant 0.000000e+00 : f32
      %max3A_909 = vector.broadcast %max3A_908 : f32 to vector<16xf32>
      %max3A_910 = arith.maximumf %sub3A_907, %max3A_909 : vector<16xf32>
      %add3A_911 = arith.addf %scan3A_843, %max3A_910 : vector<16xf32>
      %add3A_912 = arith.constant 112 : i32
      %add3A_913 = arith.addi %add3A_848, %add3A_912 : i32
      %get3A_914 = arith.index_cast %add3A_913 : i32 to index
      %get3A_915 = tpu.vector_load %arg8[%get3A_914] {strides = array<i32>} : memref<80000xf32, #tpu.memory_space<vmem>>, vector<16xf32>,
      %sub3A_916 = arith.subf %get3A_915, %sub3A_774 : vector<16xf32>
      %max3A_917 = arith.constant 0.000000e+00 : f32
      %max3A_918 = vector.broadcast %max3A_917 : f32 to vector<16xf32>
      %max3A_919 = arith.maximumf %sub3A_916, %max3A_918 : vector<16xf32>
      %add3A_920 = arith.addf %scan3A_844, %max3A_919 : vector<16xf32>
      scf.yield %add3A_857, %add3A_866, %add3A_875, %add3A_884, %add3A_893, %add3A_902, %add3A_911, %add3A_920 : vector<16xf32>, vector<16xf32>, vector<16xf32>, vector<16xf32>, vector<16xf32>, vector<16xf32>, vector<16xf32>, vector<16xf32>
    }
    %scan3A_780 = arith.constant 156 : i32
    %get3A_781 = arith.constant 59968 : index
    %get3A_782 = tpu.vector_load %arg8[%get3A_781] {strides = array<i32>} : memref<80000xf32, #tpu.memory_space<vmem>>, vector<16xf32>,
    %sub3A_783 = arith.subf %get3A_782, %sub3A_774 : vector<16xf32>
    %max3A_784 = arith.constant 0.000000e+00 : f32
    %max3A_785 = vector.broadcast %max3A_784 : f32 to vector<16xf32>
    %max3A_786 = arith.maximumf %sub3A_783, %max3A_785 : vector<16xf32>
    %add3A_787 = arith.addf %scan3A_779#0, %max3A_786 : vector<16xf32>
    %get3A_788 = arith.constant 59984 : index
    %get3A_789 = tpu.vector_load %arg8[%get3A_788] {strides = array<i32>} : memref<80000xf32, #tpu.memory_space<vmem>>, vector<16xf32>,
    %sub3A_790 = arith.subf %get3A_789, %sub3A_774 : vector<16xf32>
    %max3A_791 = arith.constant 0.000000e+00 : f32
    %max3A_792 = vector.broadcast %max3A_791 : f32 to vector<16xf32>
    %max3A_793 = arith.maximumf %sub3A_790, %max3A_792 : vector<16xf32>
    %add3A_794 = arith.addf %scan3A_779#1, %max3A_793 : vector<16xf32>
    %dma_wait3A_795 = arith.constant 60000 : i32
    %dma_wait3A_796 = tpu.memref_slice %arg8[%dma_wait3A_795] : memref<80000xf32, #tpu.memory_space<vmem>> -> memref<20000xf32, #tpu.memory_space<vmem>>
    %dma_wait3A_797 = tpu.memref_slice %arg3[%add3A_692] : memref<12800000xf32, #tpu.memory_space<hbm>> -> memref<20000xf32, #tpu.memory_space<hbm>>
    %dma_wait3A_798 = arith.constant 60000 : i32
    %dma_wait3A_799 = tpu.memref_slice %arg8[%dma_wait3A_798] : memref<80000xf32, #tpu.memory_space<vmem>> -> memref<20000xf32, #tpu.memory_space<vmem>>
    %dma_wait3A_800 = tpu.memref_slice %arg3[%add3A_692] : memref<12800000xf32, #tpu.memory_space<hbm>> -> memref<20000xf32, #tpu.memory_space<hbm>>
    tpu.wait_dma2 semaphore(%arg14 : memref<!tpu.dma_semaphore, #tpu.memory_space<semaphore_mem>>) src(%dma_wait3A_800 : memref<20000xf32, #tpu.memory_space<hbm>>) dst(%dma_wait3A_799 : memref<20000xf32, #tpu.memory_space<vmem>>)
    %broadcast_in_dim3A_801 = arith.constant 3 : i32
    %broadcast_in_dim3A_802 = vector.broadcast %broadcast_in_dim3A_801 : i32 to vector<16xi32>
    %gather3A_803 = tpu.vector_load_idx %arg7[%broadcast_in_dim3A_802] : memref<16xf32, #tpu.memory_space<vmem>>[vector<16xi32>], vector<16xf32>,
    %sub3A_804 = arith.constant 1.000000e-01 : f32
    %sub3A_805 = vector.broadcast %sub3A_804 : f32 to vector<16xf32>
    %sub3A_806 = arith.subf %gather3A_803, %sub3A_805 : vector<16xf32>
    %scan3A_807 = arith.constant 0 : i32
    %scan3A_808 = arith.constant 156 : i32
    %scan3A_809 = arith.addi %scan3A_807, %scan3A_808 : i32
    %scan3A_810 = arith.constant 1 : i32
    %scan3A_811:8 = scf.for %scan3A_836 = %scan3A_807 to %scan3A_809 step %scan3A_810 iter_args(%scan3A_837 = %add3A_787, %scan3A_838 = %add3A_794, %scan3A_839 = %scan3A_779#2, %scan3A_840 = %scan3A_779#3, %scan3A_841 = %scan3A_779#4, %scan3A_842 = %scan3A_779#5, %scan3A_843 = %scan3A_779#6, %scan3A_844 = %scan3A_779#7) -> (vector<16xf32>, vector<16xf32>, vector<16xf32>, vector<16xf32>, vector<16xf32>, vector<16xf32>, vector<16xf32>, vector<16xf32>)  : i32 {
      %mul3A_845 = arith.constant 128 : i32
      %mul3A_846 = arith.muli %scan3A_836, %mul3A_845 : i32
      %add3A_847 = arith.constant 60000 : i32
      %add3A_848 = arith.addi %add3A_847, %mul3A_846 : i32
      %add3A_849 = arith.constant 0 : i32
      %add3A_850 = arith.addi %add3A_848, %add3A_849 : i32
      %get3A_851 = arith.index_cast %add3A_850 : i32 to index
      %get3A_852 = tpu.vector_load %arg8[%get3A_851] {strides = array<i32>} : memref<80000xf32, #tpu.memory_space<vmem>>, vector<16xf32>,
      %sub3A_853 = arith.subf %get3A_852, %sub3A_806 : vector<16xf32>
      %max3A_854 = arith.constant 0.000000e+00 : f32
      %max3A_855 = vector.broadcast %max3A_854 : f32 to vector<16xf32>
      %max3A_856 = arith.maximumf %sub3A_853, %max3A_855 : vector<16xf32>
      %add3A_857 = arith.addf %scan3A_837, %max3A_856 : vector<16xf32>
      %add3A_858 = arith.constant 16 : i32
      %add3A_859 = arith.addi %add3A_848, %add3A_858 : i32
      %get3A_860 = arith.index_cast %add3A_859 : i32 to index
      %get3A_861 = tpu.vector_load %arg8[%get3A_860] {strides = array<i32>} : memref<80000xf32, #tpu.memory_space<vmem>>, vector<16xf32>,
      %sub3A_862 = arith.subf %get3A_861, %sub3A_806 : vector<16xf32>
      %max3A_863 = arith.constant 0.000000e+00 : f32
      %max3A_864 = vector.broadcast %max3A_863 : f32 to vector<16xf32>
      %max3A_865 = arith.maximumf %sub3A_862, %max3A_864 : vector<16xf32>
      %add3A_866 = arith.addf %scan3A_838, %max3A_865 : vector<16xf32>
      %add3A_867 = arith.constant 32 : i32
      %add3A_868 = arith.addi %add3A_848, %add3A_867 : i32
      %get3A_869 = arith.index_cast %add3A_868 : i32 to index
      %get3A_870 = tpu.vector_load %arg8[%get3A_869] {strides = array<i32>} : memref<80000xf32, #tpu.memory_space<vmem>>, vector<16xf32>,
      %sub3A_871 = arith.subf %get3A_870, %sub3A_806 : vector<16xf32>
      %max3A_872 = arith.constant 0.000000e+00 : f32
      %max3A_873 = vector.broadcast %max3A_872 : f32 to vector<16xf32>
      %max3A_874 = arith.maximumf %sub3A_871, %max3A_873 : vector<16xf32>
      %add3A_875 = arith.addf %scan3A_839, %max3A_874 : vector<16xf32>
      %add3A_876 = arith.constant 48 : i32
      %add3A_877 = arith.addi %add3A_848, %add3A_876 : i32
      %get3A_878 = arith.index_cast %add3A_877 : i32 to index
      %get3A_879 = tpu.vector_load %arg8[%get3A_878] {strides = array<i32>} : memref<80000xf32, #tpu.memory_space<vmem>>, vector<16xf32>,
      %sub3A_880 = arith.subf %get3A_879, %sub3A_806 : vector<16xf32>
      %max3A_881 = arith.constant 0.000000e+00 : f32
      %max3A_882 = vector.broadcast %max3A_881 : f32 to vector<16xf32>
      %max3A_883 = arith.maximumf %sub3A_880, %max3A_882 : vector<16xf32>
      %add3A_884 = arith.addf %scan3A_840, %max3A_883 : vector<16xf32>
      %add3A_885 = arith.constant 64 : i32
      %add3A_886 = arith.addi %add3A_848, %add3A_885 : i32
      %get3A_887 = arith.index_cast %add3A_886 : i32 to index
      %get3A_888 = tpu.vector_load %arg8[%get3A_887] {strides = array<i32>} : memref<80000xf32, #tpu.memory_space<vmem>>, vector<16xf32>,
      %sub3A_889 = arith.subf %get3A_888, %sub3A_806 : vector<16xf32>
      %max3A_890 = arith.constant 0.000000e+00 : f32
      %max3A_891 = vector.broadcast %max3A_890 : f32 to vector<16xf32>
      %max3A_892 = arith.maximumf %sub3A_889, %max3A_891 : vector<16xf32>
      %add3A_893 = arith.addf %scan3A_841, %max3A_892 : vector<16xf32>
      %add3A_894 = arith.constant 80 : i32
      %add3A_895 = arith.addi %add3A_848, %add3A_894 : i32
      %get3A_896 = arith.index_cast %add3A_895 : i32 to index
      %get3A_897 = tpu.vector_load %arg8[%get3A_896] {strides = array<i32>} : memref<80000xf32, #tpu.memory_space<vmem>>, vector<16xf32>,
      %sub3A_898 = arith.subf %get3A_897, %sub3A_806 : vector<16xf32>
      %max3A_899 = arith.constant 0.000000e+00 : f32
      %max3A_900 = vector.broadcast %max3A_899 : f32 to vector<16xf32>
      %max3A_901 = arith.maximumf %sub3A_898, %max3A_900 : vector<16xf32>
      %add3A_902 = arith.addf %scan3A_842, %max3A_901 : vector<16xf32>
      %add3A_903 = arith.constant 96 : i32
      %add3A_904 = arith.addi %add3A_848, %add3A_903 : i32
      %get3A_905 = arith.index_cast %add3A_904 : i32 to index
      %get3A_906 = tpu.vector_load %arg8[%get3A_905] {strides = array<i32>} : memref<80000xf32, #tpu.memory_space<vmem>>, vector<16xf32>,
      %sub3A_907 = arith.subf %get3A_906, %sub3A_806 : vector<16xf32>
      %max3A_908 = arith.constant 0.000000e+00 : f32
      %max3A_909 = vector.broadcast %max3A_908 : f32 to vector<16xf32>
      %max3A_910 = arith.maximumf %sub3A_907, %max3A_909 : vector<16xf32>
      %add3A_911 = arith.addf %scan3A_843, %max3A_910 : vector<16xf32>
      %add3A_912 = arith.constant 112 : i32
      %add3A_913 = arith.addi %add3A_848, %add3A_912 : i32
      %get3A_914 = arith.index_cast %add3A_913 : i32 to index
      %get3A_915 = tpu.vector_load %arg8[%get3A_914] {strides = array<i32>} : memref<80000xf32, #tpu.memory_space<vmem>>, vector<16xf32>,
      %sub3A_916 = arith.subf %get3A_915, %sub3A_806 : vector<16xf32>
      %max3A_917 = arith.constant 0.000000e+00 : f32
      %max3A_918 = vector.broadcast %max3A_917 : f32 to vector<16xf32>
      %max3A_919 = arith.maximumf %sub3A_916, %max3A_918 : vector<16xf32>
      %add3A_920 = arith.addf %scan3A_844, %max3A_919 : vector<16xf32>
      scf.yield %add3A_857, %add3A_866, %add3A_875, %add3A_884, %add3A_893, %add3A_902, %add3A_911, %add3A_920 : vector<16xf32>, vector<16xf32>, vector<16xf32>, vector<16xf32>, vector<16xf32>, vector<16xf32>, vector<16xf32>, vector<16xf32>
    }
    %scan3A_812 = arith.constant 156 : i32
    %get3A_813 = arith.constant 79968 : index
    %get3A_814 = tpu.vector_load %arg8[%get3A_813] {strides = array<i32>} : memref<80000xf32, #tpu.memory_space<vmem>>, vector<16xf32>,
    %sub3A_815 = arith.subf %get3A_814, %sub3A_806 : vector<16xf32>
    %max3A_816 = arith.constant 0.000000e+00 : f32
    %max3A_817 = vector.broadcast %max3A_816 : f32 to vector<16xf32>
    %max3A_818 = arith.maximumf %sub3A_815, %max3A_817 : vector<16xf32>
    %add3A_819 = arith.addf %scan3A_811#0, %max3A_818 : vector<16xf32>
    %get3A_820 = arith.constant 79984 : index
    %get3A_821 = tpu.vector_load %arg8[%get3A_820] {strides = array<i32>} : memref<80000xf32, #tpu.memory_space<vmem>>, vector<16xf32>,
    %sub3A_822 = arith.subf %get3A_821, %sub3A_806 : vector<16xf32>
    %max3A_823 = arith.constant 0.000000e+00 : f32
    %max3A_824 = vector.broadcast %max3A_823 : f32 to vector<16xf32>
    %max3A_825 = arith.maximumf %sub3A_822, %max3A_824 : vector<16xf32>
    %add3A_826 = arith.addf %scan3A_811#1, %max3A_825 : vector<16xf32>
    %add3A_827 = arith.addf %add3A_819, %add3A_826 : vector<16xf32>
    %add3A_828 = arith.addf %add3A_827, %scan3A_811#2 : vector<16xf32>
    %add3A_829 = arith.addf %add3A_828, %scan3A_811#3 : vector<16xf32>
    %add3A_830 = arith.addf %add3A_829, %scan3A_811#4 : vector<16xf32>
    %add3A_831 = arith.addf %add3A_830, %scan3A_811#5 : vector<16xf32>
    %add3A_832 = arith.addf %add3A_831, %scan3A_811#6 : vector<16xf32>
    %add3A_833 = arith.addf %add3A_832, %scan3A_811#7 : vector<16xf32>
    %swap3A_834 = arith.constant 0 : index
    %swap3A_835 = tpu.vector_load %arg9[%swap3A_834] {strides = array<i32>} : memref<16xf32, #tpu.memory_space<vmem>>, vector<16xf32>,
    tpu.vector_store %arg9[%swap3A_834], %add3A_833 {strides = array<i32>} : memref<16xf32, #tpu.memory_space<vmem>>, vector<16xf32>,
    "tpu.region"() ({
      %run_scoped3A = tpu.sem_alloc : memref<!tpu.dma_semaphore, #tpu.memory_space<semaphore_mem>>
      %dma_start3A_836 = arith.constant 0 : i32
      %dma_start3A_837 = tpu.memref_slice %arg4[%add3A, %dma_start3A_836] : memref<32x16xf32, #tpu.memory_space<hbm>> -> memref<1x16xf32, #tpu.memory_space<hbm>>
      %dma_start3A_838 = tpu.memref_squeeze %dma_start3A_837 : memref<1x16xf32, #tpu.memory_space<hbm>> -> memref<16xf32, #tpu.memory_space<hbm>>
      %dma_start3A_839 = arith.constant 0 : i32
      %dma_start3A_840 = tpu.memref_slice %arg4[%add3A, %dma_start3A_839] : memref<32x16xf32, #tpu.memory_space<hbm>> -> memref<1x16xf32, #tpu.memory_space<hbm>>
      %dma_start3A_841 = tpu.memref_squeeze %dma_start3A_840 : memref<1x16xf32, #tpu.memory_space<hbm>> -> memref<16xf32, #tpu.memory_space<hbm>>
      tpu.enqueue_dma source(%arg9 : memref<16xf32, #tpu.memory_space<vmem>>) target(%dma_start3A_841 : memref<16xf32, #tpu.memory_space<hbm>>) target_semaphore(%run_scoped3A : memref<!tpu.dma_semaphore, #tpu.memory_space<semaphore_mem>>)
      %dma_wait3A_842 = arith.constant 0 : i32
      %dma_wait3A_843 = tpu.memref_slice %arg4[%add3A, %dma_wait3A_842] : memref<32x16xf32, #tpu.memory_space<hbm>> -> memref<1x16xf32, #tpu.memory_space<hbm>>
      %dma_wait3A_844 = tpu.memref_squeeze %dma_wait3A_843 : memref<1x16xf32, #tpu.memory_space<hbm>> -> memref<16xf32, #tpu.memory_space<hbm>>
      %dma_wait3A_845 = arith.constant 0 : i32
      %dma_wait3A_846 = tpu.memref_slice %arg4[%add3A, %dma_wait3A_845] : memref<32x16xf32, #tpu.memory_space<hbm>> -> memref<1x16xf32, #tpu.memory_space<hbm>>
      %dma_wait3A_847 = tpu.memref_squeeze %dma_wait3A_846 : memref<1x16xf32, #tpu.memory_space<hbm>> -> memref<16xf32, #tpu.memory_space<hbm>>
      tpu.wait_dma2 semaphore(%run_scoped3A : memref<!tpu.dma_semaphore, #tpu.memory_space<semaphore_mem>>) src(%arg9 : memref<16xf32, #tpu.memory_space<vmem>>) dst(%dma_wait3A_847 : memref<16xf32, #tpu.memory_space<hbm>>)
      tpu.yield
    }) : () -> ()
    return
  }
}

</mosaic_0001>

<sc_bundles>
// kernel: kernel.3.cloned.1.call-start
scs
__scs_entry_jumppad:
0x0: {  	(pc) =	sbr.rel $0x88, $3  }
0x1: {  	(tag) =	ssettag $0x0;
	lr =	simm.s32 $0x1  }
0x2: {  	[smem:$0x3F9F] =	sst lr;
	_ =	strace $0xD0000000  }
0x3: {  	_ = 	snop  }
0x4: {  	_ = 	snop  }
0x5: {  	_ = 	snop  }
0x6: {  	_ = 	snop  }
0x7: {  	_ = 	snop  }
__scs_overlays_trampoline_lowered:
0x8: {  	[smem:$0x3FAE] =	sst s0  }
0x9: {  	[smem:$0x3FAF] =	sst s1  }
0xa: {  	[smem:$0x3FB0] =	sst s2  }
0xb: {  	[smem:$0x3FB1] =	sst s3  }
0xc: {  	[smem:$0x3FB2] =	sst s4  }
0xd: {  	[smem:$0x3FB3] =	sst s5  }
0xe: {  	[smem:$0x3FB4] =	sst s6  }
0xf: {  	[smem:$0x3FB5] =	sst s7  }
0x10: {  	[smem:$0x3FB6] =	sst s8  }
0x11: {  	[smem:$0x3FB7] =	sst s9;
	s0 =	simm.s32 @!p0 $0x0  }
0x12: {  	s1 =	sld [smem:$0x3F9D];
	s0 =	simm.s32 @p0 $0x1  }
0x13: {  	[smem:$0x3FB8] =	sst s0;
	s0 =	simm.s32 @!p1 $0x0  }
0x14: {  	s2 =	sld [smem:$0x3F9C];
	s0 =	simm.s32 @p1 $0x1  }
0x15: {  	[smem:$0x3FB9] =	sst s0;
	s0 =	simm.s32 @!p2 $0x0  }
0x16: {  	s3 =	sld [smem:$0x3FDB];
	s0 =	simm.s32 @p2 $0x1  }
0x17: {  	s4 =	simm.s32 $0x1BF5;
	[smem:$0x3FBB] =	sst s0  }
0x18: {  	s0 =	sld [smem:$0x3F9E];
	_ =	swait.ge [sflag:s4], $0x0  }
0x19: {  	s7 =	sld [smem:$0x3F9F]  }
0x1a: {  	s8 =	sadd.s32 $0xFFFFE003, lr  }
0x1b: {  	s9 =	sadd.s32 $0xFFFFFEF7, lr;
	s5 =	simm.s32 $0xFFFFFFFF;
	p2 =	slt.u32 s8, $0xFFFFF086  }
0x1c: {  	p1 =	slt.u32 s9, $0xF7A;
	s5 =	simm.s32 @!p2 $0x0  }
0x1d: {  	s5 =	simm.s32 @p1 $0x1;
	p0 =	seq.s32 s7, s2  }
0x1e: {  	s7 =	smul.u32 @!p0 $0xF7A, s2;
	p2 =	seq.s32 @!p0 s5, $0x0  }
0x1f: {  	s9 =	smul.u32 $0xF7A, s1;
	s8 =	simm.s32 @!p0 $0x1BF5;
	p2 =	por !p2, p0  }
0x20: {  	[sflag:s8] =	ssyncset.s32 @!p0 $0xFFFFF086;
	s6 =	sadd.s32 @!p0 s3, s7;
	s7 =	simm.s32 @!p0 $0x108  }
0x21: {  	s3 =	sadd.s32 s3, s9;
	s6 =	sadd.s32 @!p0 $0x88, s6;
	s7 =	simm.s32 @p2 $0x1082  }
0x22: {  	[simem:s7], [sflag:s8] =	dma.local @!p0 [hbm:s6], $0xF7A  }
0x23: {  	s9 =	sor.u32 $0xD0000000, s2;
	s6 =	simm.s32 $0x108;
	_ =	swait.ge @!p0 [sflag:s8], $0x0  }
0x24: {  	s3 =	sadd.s32 $0x88, s3;
	s6 =	simm.s32 @!p1 $0x1082;
	[sflag:s4] =	ssyncset.s32 $0xFFFFF086  }
0x25: {  	[simem:s6], [sflag:s4] =	dma.local [hbm:s3], $0xF7A  }
0x26: {  	[smem:$0x3F9F] =	sst s1;
	(tag) =	ssettag s2;
	_ =	strace s9  }
0x27: {  	s1 =	sld [smem:$0x3FAF]  }
0x28: {  	s2 =	sld [smem:$0x3FB0]  }
0x29: {  	s4 =	sld [smem:$0x3FB2]  }
0x2a: {  	p0 =	seq.s32 s5, $0x0;
	s5 =	sld [smem:$0x3FB3]  }
0x2b: {  	s6 =	sld [smem:$0x3FB4]  }
0x2c: {  	s7 =	sld [smem:$0x3FB5]  }
0x2d: {  	s3 =	simm.s32 $0x108;
	s8 =	sld [smem:$0x3FB6]  }
0x2e: {  	s3 =	simm.s32 @!p0 $0x1082;
	s9 =	sld [smem:$0x3FB7]  }
0x2f: {  	lr =	sadd.s32 s0, s3;
	s0 =	sld [smem:$0x3FAE]  }
0x30: {  	s3 =	sld [smem:$0x3FB1]  }
0x31: {  	[smem:$0x3FBA] =	sst s10  }
0x32: {  	s10 =	sld [smem:$0x3FB8];
	_ =	sdelay $0x3  }
0x33: {  	p0 =	seq.s32 s10, $0x1;
	s10 =	sld [smem:$0x3FBA];
	_ =	sdelay $0x3  }
0x34: {  	[smem:$0x3FBA] =	sst s10  }
0x35: {  	s10 =	sld [smem:$0x3FB9];
	_ =	sdelay $0x3  }
0x36: {  	p1 =	seq.s32 s10, $0x1;
	s10 =	sld [smem:$0x3FBA];
	_ =	sdelay $0x3  }
0x37: {  	[smem:$0x3FBA] =	sst s10  }
0x38: {  	s10 =	sld [smem:$0x3FBB]  }
0x39: {  	_ = 	snop;
	(pc) =	sbr.ind lr, $3  }
0x3a: {  	_ = 	snop  }
0x3b: {  	_ = 	snop  }
0x3c: {  	p2 =	seq.s32 s10, $0x1;
	s10 =	sld [smem:$0x3FBA]  }
0x3d: {  	_ =	shalt  }
0x3e: {  	_ =	shalt  }
0x3f: {  	_ =	shalt  }
0x40: {  	_ =	shalt  }
0x41: {  	_ =	shalt  }
0x42: {  	_ =	shalt  }
0x43: {  	_ =	shalt  }
0x44: {  	_ =	shalt  }
0x45: {  	_ =	shalt  }
0x46: {  	_ =	shalt  }
0x47: {  	_ =	shalt  }
0x48: {  	_ =	shalt  }
0x49: {  	_ =	shalt  }
0x4a: {  	_ =	shalt  }
0x4b: {  	_ =	shalt  }
0x4c: {  	_ =	shalt  }
0x4d: {  	_ =	shalt  }
0x4e: {  	_ =	shalt  }
0x4f: {  	_ =	shalt  }
0x50: {  	_ =	shalt  }
0x51: {  	_ =	shalt  }
0x52: {  	_ =	shalt  }
0x53: {  	_ =	shalt  }
0x54: {  	_ =	shalt  }
0x55: {  	_ =	shalt  }
0x56: {  	_ =	shalt  }
0x57: {  	_ =	shalt  }
0x58: {  	_ =	shalt  }
0x59: {  	_ =	shalt  }
0x5a: {  	_ =	shalt  }
0x5b: {  	_ =	shalt  }
0x5c: {  	_ =	shalt  }
0x5d: {  	_ =	shalt  }
0x5e: {  	_ =	shalt  }
0x5f: {  	_ =	shalt  }
0x60: {  	_ =	shalt  }
0x61: {  	_ =	shalt  }
0x62: {  	_ =	shalt  }
0x63: {  	_ =	shalt  }
0x64: {  	_ =	shalt  }
0x65: {  	_ =	shalt  }
0x66: {  	_ =	shalt  }
0x67: {  	_ =	shalt  }
0x68: {  	_ =	shalt  }
0x69: {  	_ =	shalt  }
0x6a: {  	_ =	shalt  }
0x6b: {  	_ =	shalt  }
0x6c: {  	_ =	shalt  }
0x6d: {  	_ =	shalt  }
0x6e: {  	_ =	shalt  }
0x6f: {  	_ =	shalt  }
0x70: {  	_ =	shalt  }
0x71: {  	_ =	shalt  }
0x72: {  	_ =	shalt  }
0x73: {  	_ =	shalt  }
0x74: {  	_ =	shalt  }
0x75: {  	_ =	shalt  }
0x76: {  	_ =	shalt  }
0x77: {  	_ =	shalt  }
0x78: {  	_ =	shalt  }
0x79: {  	_ =	shalt  }
0x7a: {  	_ =	shalt  }
0x7b: {  	_ =	shalt  }
0x7c: {  	_ =	shalt  }
0x7d: {  	_ =	shalt  }
0x7e: {  	_ =	shalt  }
0x7f: {  	_ =	shalt  }
0x80: {  	_ =	shalt  }
0x81: {  	_ =	shalt  }
0x82: {  	_ =	shalt  }
0x83: {  	_ =	shalt  }
0x84: {  	_ =	shalt  }
0x85: {  	_ =	shalt  }
0x86: {  	_ =	shalt  }
0x87: {  	_ =	shalt  }
.Lfunc_end0:
.L_simem_size_0:
called_computation_lowered:
.L_overlay_start_0:
0x88: {  	s2 =	sld [smem:$0x3FD9]  }
0x89: {  	s3 =	sld [smem:$0x3FFE];
	_ =	sdelay $0x1  }
0x8a: {  	s1 =	srdreg.scid  }
0x8b: {  	s0 =	sand.u32 $0x1, s1  }
0x8c: {  	s17 =	sshll.u32 s0, $0xA;
	s2 =	sadd.s32 s3, s2  }
0x8d: {  	s2 =	sadd.s32 s2, s17  }
0x8e: {  	[smem:$0x3FC6] =	sst s2  }
0x8f: {  	_ = 	snop  }
0x90: {  	s2 =	sld [smem:$0x3FC9];
	(tm) =	ssettm $0x1  }
0x91: {  	s18 =	sld [smem:$0x3FFB];
	_ =	sdelay $0x3  }
0x92: {  	_ =	strace s18  }
0x93: {  	s3 =	sld [smem:$0x3FFC];
	_ =	sdelay $0x3  }
0x94: {  	_ =	strace s3  }
0x95: {  	s3 =	sld [smem:$0x3FFD];
	_ =	sdelay $0x3  }
0x96: {  	_ =	strace s3  }
0x97: {  	_ =	strace $0x8FFFFFFF  }
0x98: {  	s19 =	sld [smem:$0x3FDB];
	_ =	sdelay $0x1  }
0x99: {  	s4 =	simm.s32 $_scs_section_size  }
0x9a: {  	s5 =	simm.s32 $_size__tile_overlayer_lowered;
	s6 =	simm.s32 $_tile_overlayer_lowered  }
0x9b: {  	s22 =	simm.s32 $0x1BFF;
	s21 =	sshll.u32 s6, $0x1;
	s3 =	sadd.s32 s4, s19  }
0x9c: {  	s7 =	simm.s32 $0x0;
	s20 =	sshll.u32 s5, $0x1;
	s5 =	sadd.s32 s21, s3  }
0x9d: {  	[timem:s7], [sflag:s22] =	dma.local [hbm:s5], s20  }
0x9e: {  	_ =	swait.ge [sflag:s22], s20  }
0x9f: {  	s4 =	ssub.s32 $0x0, s20;
	[sflag:s22] =	ssyncset.done $0x0  }
0xa0: {  	[sflag:s22] =	ssyncadd.s32 s4;
	_ =	sdelay $0x1  }
0xa1: {  	s23 =	simm.s32 $0x1B8B  }
0xa2: {  	_ =	swait.ge [sflag:s23], $0x1  }
0xa3: {  	[sflag:s23] =	ssyncset.done $0x0  }
0xa4: {  	s25 =	simm.s32 $0x1B8E;
	s24 =	sld [smem:$0x3FFE];
	[sflag:s23] =	ssyncadd.s32 $0xFFFFFFFF  }
0xa5: {  	s26 =	simm.s32 $execute0_lowered;
	[smem:$0x3FD2] =	sst s25  }
0xa6: {  	s5 =	sshll.u32 s26, $0x1;
	_ =	strace $0x80000046;
	[dreg:$0x1] =	wrdreg $0xFFFFFFFF  }
0xa7: {  	s28 =	simm.s32 $_size_execute0_lowered;
	s3 =	sadd.s32 s3, s5;
	[dreg:$0x0] =	wrdreg $0x0  }
0xa8: {  	s5 =	sshll.u32 s28, $0x1;
	[dreg:$0x2] =	wrdreg s3  }
0xa9: {  	[dreg:$0x3] =	wrdreg s5  }
0xaa: {  	[dreg:$0x4] =	wrdreg $0xC0  }
0xab: {  	_ =	task [dreg:s7], $0x5FFFF  }
0xac: {  	[dreg:$0x1] =	wrdreg $0xFFFFFFFF  }
0xad: {  	[dreg:$0x0] =	wrdreg $0x60  }
0xae: {  	[dreg:$0x2] =	wrdreg s2  }
0xaf: {  	[dreg:$0x3] =	wrdreg s24  }
0xb0: {  	[dreg:$0x4] =	wrdreg $0x9  }
0xb1: {  	_ =	task.clear_ibuf [dreg:s7], $0x5FFFF;
	_ =	strace $0x90000046  }
0xb2: {  	s29 =	simm.s32 $0x9;
	_ =	strace $0x80000048  }
0xb3: {  	_ =	swait.ge [sflag:s29], $0x1  }
0xb4: {  	[sflag:s29] =	ssyncadd.s32 $0xFFFFFFFF  }
0xb5: {  	_ =	strace $0x90000048  }
0xb6: {  	_ =	sfence  }
0xb7: {  	s30 =	sld [smem:$0x0];
	_ =	sdelay $0x2  }
0xb8: {  	s31 =	sshll.u32 s1, $0xD;
	s1 =	sshrl.u32 s1, $0x2  }
0xb9: {  	s3 =	sand.u32 $0x4000, s31;
	s1 =	sadd.s32 s1, s30  }
0xba: {  	s0 =	sor.u32 s3, s0;
	s1 =	sshll.u32 s1, $0x11  }
0xbb: {  	s0 =	sor.u32 s1, s0  }
0xbc: {  	s0 =	sadd.s32 $0x8F2B, s0  }
0xbd: {  	[sflag:s0] =	ssyncadd.remote.s32 $0x1  }
0xbe: {  	_ =	sfence.sel $0xFFFF  }
0xbf: {  	[dreg:$0x0] =	wrdreg $0xFFFFFFFF;
	(pc) =	sbr.abs _section_cstart, $3  }
0xc0: {  	[dreg:$0x1] =	wrdreg $0xFFFFFFFF  }
0xc1: {  	_ =	task.clear_ibuf [dreg:s7], $0x2FFFF;
	_ =	strace $0x9FFFFFFF  }
0xc2: {  	(tm) =	ssettm $0x7FFFFFFF  }
0xc3: {  	_ =	shalt  }
tec
execute0_lowered:
.L_overlay_start_1:
0x0: {  	(tag) =	ssettag $0x1  }
0x1: {  	s0 =	srdreg.scid;
	s1 =	stileid.u32  }
0x2: {  	s2 =	rddreg [dreg:$0x1];
	s3 =	simm.s32 $0x0;
	s28 =	simm.s32 $0x6  }
0x3: {  	s31 =	simm.s32 $0x100;
	s0 =	sand.u32 $0x1, s0;
	s1 =	sshll.u32 s1, $0x1  }
0x4: {  	s29 =	simm.s32 $0x9DC0;
	s30 =	simm.s32 $0xEBE0;
	s1 =	sor.u32 s0, s1  }
0x5: {  	s8 =	simm.s32 $0x4;
	s9 =	simm.s32 $0x5;
	s5 =	smul.u32 $0x61A80, s1  }
0x6: {  	s10 =	simm.s32 $0x0;
	[smem:$0x7FF] =	sst s3;
	s4 =	sadd.s32 $0x187000, s2  }
0x7: {  	s0 =	ssub.s32 $0x2, s0;
	_ =	strace $0x80000047;
	s5 =	sshrl.u32 s5, $0x3  }
0x8: {  	s6 =	sshrl.u32 s0, $0x1;
	s13 =	sshll.u32 s1, $0x2;
	s5 =	sadd.s32 s4, s5  }
0x9: {  	s1 =	sshll.u32 s1, $0x4;
	s0 =	ssub.s32 s0, s6;
	s7 =	sadd.s32 $0x9C4, s5  }
0xa: {  	s6 =	simm.s32 $0x2;
	s20 =	sadd.s32 $0x1388, s5;
	[dreg:$0x3] =	wrdreg s7  }
0xb: {  	s21 =	sadd.s32 $0x1D4C, s5;
	s22 =	sadd.s32 $0x2710, s5;
	[dreg:$0x4] =	wrdreg s20  }
0xc: {  	s23 =	sadd.s32 $0x30D4, s5;
	s24 =	sadd.s32 $0x3A98, s5;
	[dreg:$0x5] =	wrdreg s21  }
0xd: {  	s25 =	sadd.s32 $0x445C, s5;
	s26 =	sadd.s32 $0x4E20, s5;
	[dreg:$0x6] =	wrdreg s22  }
0xe: {  	s14 =	sadd.s32 $0x57E4, s5;
	s15 =	sadd.s32 $0x61A8, s5;
	[dreg:$0x7] =	wrdreg s23  }
0xf: {  	v1 =	vimm.s32 $0x3020100;
	v2 =	vimm.s32 $0x493E0;
	vm0 =	vcmask $0x300;
	s16 =	sadd.s32 $0x6B6C, s5;
	s17 =	sadd.s32 $0x7530, s5;
	[dreg:$0x8] =	wrdreg s24  }
0x10: {  	vm1 =	vcmask $0xF00;
	vm14 =	vcmask $0x704;
	v1 =	vunpack.c.0.s8.s32 v1;
	s18 =	sadd.s32 $0x7EF4, s5;
	s19 =	sadd.s32 $0x88B8, s5;
	[dreg:$0x9] =	wrdreg s25  }
0x11: {  	vm15 =	vcmask $0xB08;
	v2 =	vsel vm0, $0x0, v2;
	v0 =	vmov s13;
	[dreg:$0xa] =	wrdreg s26;
	s20 =	sadd.s32 $0x927C, s5;
	s21 =	sadd.s32 $0x9C40, s5  }
0x12: {  	v1 =	vnsel vm1, $0x3, v1;
	v3 =	vmul.u32 $0x186A0, v0;
	v0 =	vsel vm14, $0x186A0, v2;
	s22 =	sadd.s32 s2, s1;
	s23 =	sadd.s32 $0xA604, s5;
	s24 =	smax.u32 s0, $0x1  }
0x13: {  	v4 =	vimm.s32 $0x3;
	v2 =	vsel vm15, $0x30D40, v0;
	v0 =	vor.u32 s13, v1;
	s25 =	sadd.s32 $0xAFC8, s5;
	s26 =	sadd.s32 $0xB98C, s5;
	s1 =	simm.s32 $0x1  }
0x14: {  	v1 =	vadd.s32 v2, v3;
	v2 =	vimm.s32 $0x1;
	v3 =	vimm.s32 $0x2;
	s0 =	simm.s32 $0x180;
	s2 =	simm.s32 $0x4FA0;
	s7 =	simm.s32 $0x3  }
.LBB2_1:
0x15: {  	s11 =	rddreg [dreg:$0x0]  }
0x16: {  	[tilespmem:s3], [sflag:$0x6] =	stream.linear.gather [hbm4b:s11+s3], $0x80, $0x38;
	[tilespmem:$0x13A80] =	vst v63  }
0x17: {  	_ =	swait.ge [sflag:s28], $0x80  }
0x18: {  	[sflag:s28] =	ssyncset.done $0x0  }
0x19: {  	[sflag:s28] =	ssyncadd.s32 $0xFFFFFF80  }
0x1a: {  	v5 =	vld.idx.msk [tilespmem:v0+s3+$0x0], $0xffff;
	_ =	sdelay $0x4  }
0x1b: {  	v5 =	vadd.s32 v5, v1  }
0x1c: {  	s13 =	simm.s32 $0x10;
	s12 =	simm.s32 $0x80;
	[tilespmem:$0x80] =	vst v5  }
0x1d: {  	[tilespmem:s31], [sflag:$0x1] =	stream.indirect.gather [hbm4b:s4+s13], $0x1, s12, s13, $0xb8;
	[tilespmem:$0x13A80] =	vst v63  }
0x1e: {  	_ =	swait.ge [sflag:s1], $0x10  }
0x1f: {  	[sflag:s1] =	ssyncset.done $0x0  }
0x20: {  	[sflag:s1] =	ssyncadd.s32 $0xFFFFFFF0  }
0x21: {  	[tilespmem:s0], [sflag:$0x2] =	stream.linear.gather [hbm4b:s5+s3], $0x4E20, $0x38;
	[tilespmem:$0x13A80] =	vst v63  }
0x22: {  	s13 =	rddreg [dreg:$0x3]  }
0x23: {  	[tilespmem:s2], [sflag:$0x3] =	stream.linear.gather [hbm4b:s13+s3], $0x4E20, $0x38;
	[tilespmem:$0x13A80] =	vst v63  }
0x24: {  	s12 =	rddreg [dreg:$0x4]  }
0x25: {  	[tilespmem:s29], [sflag:$0x4] =	stream.linear.gather [hbm4b:s12+s3], $0x4E20, $0x38;
	[tilespmem:$0x13A80] =	vst v63  }
0x26: {  	s13 =	rddreg [dreg:$0x5]  }
0x27: {  	[tilespmem:s30], [sflag:$0x5] =	stream.linear.gather [hbm4b:s13+s3], $0x4E20, $0x38;
	[tilespmem:$0x13A80] =	vst v63  }
0x28: {  	_ =	swait.ge [sflag:s6], $0x4E20  }
0x29: {  	[sflag:s6] =	ssyncset.done $0x0  }
0x2a: {  	[sflag:s6] =	ssyncadd.s32 $0xFFFFB1E0  }
0x2b: {  	s13 =	simm.s32 $0x0;
	v5 =	vld.msk [tilespmem:s31+$0x0], $0xffff  }
0x2c: {  	v6 =	vld [tilespmem:s13+$0x1F0]  }
0x2d: {  	v7 =	vld [tilespmem:s13+$0x180]  }
0x2e: {  	v8 =	vld [tilespmem:s13+$0x190];
	_ =	sdelay $0x1  }
0x2f: {  	v18 =	vld [tilespmem:s13+$0x1A0];
	v5 =	vadd.f32 $-1.000000010e-01, v5  }
0x30: {  	v11 =	vimm.f32 $0.0e+00;
	v13 =	vimm.f32 $0.0e+00;
	v12 =	vimm.f32 $0.0e+00;
	v16 =	vld [tilespmem:s13+$0x1B0]  }
0x31: {  	v10 =	vimm.f32 $0.0e+00;
	v9 =	vimm.f32 $0.0e+00;
	v14 =	vld [tilespmem:s13+$0x1C0];
	v6 =	vsub.f32 v6, v5  }
0x32: {  	v15 =	vld [tilespmem:s13+$0x1D0];
	v20 =	vsub.f32 v7, v5;
	v19 =	vsub.f32 v8, v5;
	v8 =	vimm.f32 $0.0e+00  }
0x33: {  	s11 =	simm.s32 $0x80;
	s12 =	simm.s32 $0x400;
	v17 =	vld [tilespmem:s13+$0x1E0];
	v7 =	vimm.f32 $0.0e+00;
	v21 =	vmax.f32 v6, $0.0e+00;
	v6 =	vimm.f32 $0.0e+00  }
.LBB2_2:
0x34: {  	p0 =	sne.s32 s12, $0x13600;
	v22 =	vld [tilespmem:s11+$0x1F0];
	v20 =	vmax.f32 v20, $0.0e+00;
	v18 =	vsub.f32 v18, v5;
	v11 =	vadd.f32 v21, v11  }
0x35: {  	v21 =	vld [tilespmem:s11+$0x180];
	v13 =	vadd.f32 v20, v13;
	v19 =	vmax.f32 v19, $0.0e+00;
	v16 =	vsub.f32 v16, v5  }
0x36: {  	v23 =	vld [tilespmem:s11+$0x190];
	v12 =	vadd.f32 v19, v12;
	v19 =	vmax.f32 v18, $0.0e+00;
	v14 =	vsub.f32 v14, v5  }
.Ltmp0:
0x37: {  	v18 =	vld [tilespmem:s11+$0x1A0];
	v10 =	vadd.f32 v19, v10;
	v19 =	vmax.f32 v16, $0.0e+00;
	v15 =	vsub.f32 v15, v5;
	(pc) =	sbr.rel @p0 .LBB2_2-.Ltmp0, $4  }
0x38: {  	v16 =	vld [tilespmem:s11+$0x1B0];
	v9 =	vadd.f32 v19, v9;
	v19 =	vmax.f32 v14, $0.0e+00;
	v17 =	vsub.f32 v17, v5  }
0x39: {  	v14 =	vld [tilespmem:s11+$0x1C0];
	v22 =	vsub.f32 v22, v5;
	v8 =	vadd.f32 v19, v8;
	v19 =	vmax.f32 v15, $0.0e+00  }
0x3a: {  	v20 =	vsub.f32 v21, v5;
	v15 =	vld [tilespmem:s11+$0x1D0];
	v7 =	vadd.f32 v19, v7;
	v24 =	vmax.f32 v17, $0.0e+00  }
0x3b: {  	v19 =	vsub.f32 v23, v5;
	v17 =	vld [tilespmem:s11+$0x1E0];
	s11 =	sshra.s32 s12, $0x2;
	s12 =	sadd.s32 $0x200, s12;
	v21 =	vmax.f32 v22, $0.0e+00;
	v6 =	vadd.f32 v24, v6  }
0x3c: {  	v22 =	vld [tilespmem:s11+$0x1F0]  }
0x3d: {  	v23 =	vld [tilespmem:s11+$0x180]  }
0x3e: {  	v24 =	vld [tilespmem:s11+$0x190]  }
0x3f: {  	v25 =	vld [tilespmem:s11+$0x1A0]  }
0x40: {  	v26 =	vld [tilespmem:s11+$0x1B0];
	v20 =	vmax.f32 v20, $0.0e+00;
	v18 =	vsub.f32 v18, v5;
	v11 =	vadd.f32 v21, v11  }
0x41: {  	v21 =	vld [tilespmem:s11+$0x1C0];
	v13 =	vadd.f32 v20, v13;
	v19 =	vmax.f32 v19, $0.0e+00;
	v16 =	vsub.f32 v16, v5  }
0x42: {  	v20 =	vld [tilespmem:s11+$0x1D0];
	v12 =	vadd.f32 v19, v12;
	v18 =	vmax.f32 v18, $0.0e+00;
	v14 =	vsub.f32 v14, v5  }
0x43: {  	v19 =	vld [tilespmem:s11+$0x1E0];
	v10 =	vadd.f32 v18, v10;
	v16 =	vmax.f32 v16, $0.0e+00;
	v15 =	vsub.f32 v15, v5  }
0x44: {  	s13 =	simm.s32 $0x0;
	s12 =	rddreg [dreg:$0x6];
	v18 =	vld [tilespmem:$0x4F90];
	v9 =	vadd.f32 v16, v9;
	v14 =	vmax.f32 v14, $0.0e+00;
	v16 =	vsub.f32 v17, v5  }
0x45: {  	v17 =	vld [tilespmem:$0x4F80];
	[tilespmem:s0], [sflag:$0x2] =	stream.linear.gather [hbm4b:s12+s13], $0x4E20, $0x38;
	v14 =	vadd.f32 v14, v8;
	v8 =	vsub.f32 v22, v5;
	v15 =	vmax.f32 v15, $0.0e+00  }
0x46: {  	_ =	swait.ge [sflag:s7], $0x4E20;
	v15 =	vadd.f32 v15, v7;
	v7 =	vsub.f32 v23, v5;
	v16 =	vmax.f32 v16, $0.0e+00  }
0x47: {  	v22 =	vsub.f32 v24, v5;
	[sflag:s7] =	ssyncset.done $0x0;
	v16 =	vadd.f32 v16, v6;
	v6 =	vmax.f32 v8, $0.0e+00  }
0x48: {  	v8 =	vsub.f32 v25, v5;
	[sflag:s7] =	ssyncadd.s32 $0xFFFFB1E0;
	v6 =	vadd.f32 v6, v11;
	v7 =	vmax.f32 v7, $0.0e+00  }
0x49: {  	v11 =	vsub.f32 v26, v5;
	v13 =	vadd.f32 v7, v13;
	v7 =	vmax.f32 v22, $0.0e+00;
	v22 =	vld.msk [tilespmem:s31+$0x0], $0xffff  }
0x4a: {  	s13 =	simm.s32 $0x0;
	v21 =	vsub.f32 v21, v5;
	v12 =	vadd.f32 v7, v12;
	v7 =	vmax.f32 v8, $0.0e+00  }
0x4b: {  	v8 =	vadd.f32 v7, v10;
	v7 =	vmax.f32 v11, $0.0e+00;
	v10 =	vsub.f32 v20, v5;
	v20 =	vld [tilespmem:s13+$0x5010]  }
0x4c: {  	v11 =	vsub.f32 v19, v5;
	v19 =	vld [tilespmem:s13+$0x4FA0];
	v9 =	vadd.f32 v7, v9;
	v7 =	vmax.f32 v21, $0.0e+00  }
0x4d: {  	v17 =	vsub.f32 v17, v5;
	v21 =	vld [tilespmem:s13+$0x4FB0];
	v7 =	vadd.f32 v7, v14  }
0x4e: {  	v10 =	vmax.f32 v10, $0.0e+00;
	v14 =	vsub.f32 v18, v5;
	v18 =	vld [tilespmem:s13+$0x4FC0];
	v5 =	vadd.f32 $-1.000000010e-01, v22  }
0x4f: {  	v23 =	vmax.f32 v11, $0.0e+00;
	v11 =	vadd.f32 v10, v15;
	v15 =	vld [tilespmem:s13+$0x4FD0]  }
0x50: {  	v10 =	vadd.f32 v23, v16;
	v16 =	vmax.f32 v14, $0.0e+00;
	v14 =	vld [tilespmem:s13+$0x4FE0];
	v22 =	vsub.f32 v20, v5  }
0x51: {  	v17 =	vmax.f32 v17, $0.0e+00;
	v12 =	vadd.f32 v16, v12;
	v16 =	vld [tilespmem:s13+$0x4FF0];
	v20 =	vsub.f32 v19, v5  }
0x52: {  	s11 =	simm.s32 $0x80;
	s12 =	simm.s32 $0x400;
	v13 =	vadd.f32 v17, v13;
	v17 =	vld [tilespmem:s13+$0x5000];
	v19 =	vsub.f32 v21, v5;
	v21 =	vmax.f32 v22, $0.0e+00  }
.LBB2_4:
0x53: {  	p0 =	sne.s32 s12, $0x13600;
	v22 =	vld [tilespmem:s11+$0x5010];
	v20 =	vmax.f32 v20, $0.0e+00;
	v18 =	vsub.f32 v18, v5;
	v6 =	vadd.f32 v21, v6  }
0x54: {  	v21 =	vld [tilespmem:s11+$0x4FA0];
	v13 =	vadd.f32 v20, v13;
	v19 =	vmax.f32 v19, $0.0e+00;
	v15 =	vsub.f32 v15, v5  }
0x55: {  	v23 =	vld [tilespmem:s11+$0x4FB0];
	v12 =	vadd.f32 v19, v12;
	v19 =	vmax.f32 v18, $0.0e+00;
	v14 =	vsub.f32 v14, v5  }
.Ltmp1:
0x56: {  	v18 =	vld [tilespmem:s11+$0x4FC0];
	v8 =	vadd.f32 v19, v8;
	v19 =	vmax.f32 v15, $0.0e+00;
	v16 =	vsub.f32 v16, v5;
	(pc) =	sbr.rel @p0 .LBB2_4-.Ltmp1, $4  }
0x57: {  	v15 =	vld [tilespmem:s11+$0x4FD0];
	v9 =	vadd.f32 v19, v9;
	v19 =	vmax.f32 v14, $0.0e+00;
	v17 =	vsub.f32 v17, v5  }
0x58: {  	v14 =	vld [tilespmem:s11+$0x4FE0];
	v22 =	vsub.f32 v22, v5;
	v7 =	vadd.f32 v19, v7;
	v19 =	vmax.f32 v16, $0.0e+00  }
0x59: {  	v20 =	vsub.f32 v21, v5;
	v16 =	vld [tilespmem:s11+$0x4FF0];
	v11 =	vadd.f32 v19, v11;
	v24 =	vmax.f32 v17, $0.0e+00  }
0x5a: {  	v19 =	vsub.f32 v23, v5;
	v17 =	vld [tilespmem:s11+$0x5000];
	s11 =	sshra.s32 s12, $0x2;
	s12 =	sadd.s32 $0x200, s12;
	v21 =	vmax.f32 v22, $0.0e+00;
	v10 =	vadd.f32 v24, v10  }
0x5b: {  	v22 =	vld [tilespmem:s11+$0x5010]  }
0x5c: {  	v23 =	vld [tilespmem:s11+$0x4FA0]  }
0x5d: {  	v24 =	vld [tilespmem:s11+$0x4FB0]  }
0x5e: {  	v25 =	vld [tilespmem:s11+$0x4FC0]  }
0x5f: {  	v26 =	vld [tilespmem:s11+$0x4FD0];
	v20 =	vmax.f32 v20, $0.0e+00;
	v18 =	vsub.f32 v18, v5;
	v6 =	vadd.f32 v21, v6  }
0x60: {  	v21 =	vld [tilespmem:s11+$0x4FE0];
	v13 =	vadd.f32 v20, v13;
	v19 =	vmax.f32 v19, $0.0e+00;
	v15 =	vsub.f32 v15, v5  }
0x61: {  	v20 =	vld [tilespmem:s11+$0x4FF0];
	v12 =	vadd.f32 v19, v12;
	v18 =	vmax.f32 v18, $0.0e+00;
	v14 =	vsub.f32 v14, v5  }
0x62: {  	v19 =	vld [tilespmem:s11+$0x5000];
	v8 =	vadd.f32 v18, v8;
	v15 =	vmax.f32 v15, $0.0e+00;
	v16 =	vsub.f32 v16, v5  }
0x63: {  	s13 =	simm.s32 $0x0;
	s12 =	rddreg [dreg:$0x7];
	v18 =	vld [tilespmem:$0x9DB0];
	v9 =	vadd.f32 v15, v9;
	v14 =	vmax.f32 v14, $0.0e+00;
	v15 =	vsub.f32 v17, v5  }
0x64: {  	v17 =	vld [tilespmem:$0x9DA0];
	[tilespmem:s2], [sflag:$0x3] =	stream.linear.gather [hbm4b:s12+s13], $0x4E20, $0x38;
	v7 =	vadd.f32 v14, v7;
	v14 =	vsub.f32 v22, v5;
	v16 =	vmax.f32 v16, $0.0e+00  }
0x65: {  	_ =	swait.ge [sflag:s8], $0x4E20;
	v11 =	vadd.f32 v16, v11;
	v16 =	vsub.f32 v23, v5;
	v15 =	vmax.f32 v15, $0.0e+00  }
0x66: {  	[sflag:s8] =	ssyncset.done $0x0;
	v10 =	vadd.f32 v15, v10;
	v15 =	vsub.f32 v24, v5;
	v14 =	vmax.f32 v14, $0.0e+00  }
0x67: {  	[sflag:s8] =	ssyncadd.s32 $0xFFFFB1E0;
	v6 =	vadd.f32 v14, v6;
	v14 =	vmax.f32 v16, $0.0e+00;
	v16 =	vsub.f32 v25, v5  }
0x68: {  	v22 =	vld.msk [tilespmem:s31+$0x0], $0xffff;
	v13 =	vadd.f32 v14, v13;
	v14 =	vmax.f32 v15, $0.0e+00;
	v15 =	vsub.f32 v26, v5  }
0x69: {  	s13 =	simm.s32 $0x0;
	v12 =	vadd.f32 v14, v12;
	v14 =	vmax.f32 v16, $0.0e+00;
	v16 =	vsub.f32 v21, v5  }
0x6a: {  	v8 =	vadd.f32 v14, v8;
	v14 =	vmax.f32 v15, $0.0e+00;
	v15 =	vsub.f32 v20, v5;
	v20 =	vld [tilespmem:s13+$0x9E30]  }
0x6b: {  	v9 =	vadd.f32 v14, v9;
	v14 =	vmax.f32 v16, $0.0e+00;
	v16 =	vsub.f32 v19, v5;
	v19 =	vld [tilespmem:s13+$0x9DC0]  }
0x6c: {  	v23 =	vld [tilespmem:s13+$0x9DD0];
	v21 =	vsub.f32 v18, v5;
	v7 =	vadd.f32 v14, v7;
	v14 =	vmax.f32 v15, $0.0e+00  }
0x6d: {  	v18 =	vld [tilespmem:s13+$0x9DE0];
	v15 =	vmax.f32 v16, $0.0e+00;
	v16 =	vsub.f32 v17, v5;
	v5 =	vadd.f32 $-1.000000010e-01, v22  }
0x6e: {  	v11 =	vadd.f32 v14, v11;
	v10 =	vadd.f32 v15, v10;
	v15 =	vld [tilespmem:s13+$0x9DF0]  }
0x6f: {  	v17 =	vmax.f32 v21, $0.0e+00;
	v14 =	vld [tilespmem:s13+$0x9E00];
	v16 =	vmax.f32 v16, $0.0e+00;
	v21 =	vsub.f32 v20, v5  }
0x70: {  	v13 =	vadd.f32 v16, v13;
	v16 =	vld [tilespmem:s13+$0x9E10];
	v20 =	vsub.f32 v19, v5  }
0x71: {  	s11 =	simm.s32 $0x80;
	s12 =	simm.s32 $0x400;
	v12 =	vadd.f32 v17, v12;
	v17 =	vld [tilespmem:s13+$0x9E20];
	v19 =	vsub.f32 v23, v5;
	v21 =	vmax.f32 v21, $0.0e+00  }
.LBB2_6:
0x72: {  	p0 =	sne.s32 s12, $0x13600;
	v22 =	vld [tilespmem:s11+$0x9E30];
	v20 =	vmax.f32 v20, $0.0e+00;
	v18 =	vsub.f32 v18, v5;
	v6 =	vadd.f32 v21, v6  }
0x73: {  	v21 =	vld [tilespmem:s11+$0x9DC0];
	v13 =	vadd.f32 v20, v13;
	v19 =	vmax.f32 v19, $0.0e+00;
	v15 =	vsub.f32 v15, v5  }
0x74: {  	v23 =	vld [tilespmem:s11+$0x9DD0];
	v12 =	vadd.f32 v19, v12;
	v19 =	vmax.f32 v18, $0.0e+00;
	v14 =	vsub.f32 v14, v5  }
.Ltmp2:
0x75: {  	v18 =	vld [tilespmem:s11+$0x9DE0];
	v8 =	vadd.f32 v19, v8;
	v19 =	vmax.f32 v15, $0.0e+00;
	v16 =	vsub.f32 v16, v5;
	(pc) =	sbr.rel @p0 .LBB2_6-.Ltmp2, $4  }
0x76: {  	v15 =	vld [tilespmem:s11+$0x9DF0];
	v9 =	vadd.f32 v19, v9;
	v19 =	vmax.f32 v14, $0.0e+00;
	v17 =	vsub.f32 v17, v5  }
0x77: {  	v14 =	vld [tilespmem:s11+$0x9E00];
	v22 =	vsub.f32 v22, v5;
	v7 =	vadd.f32 v19, v7;
	v19 =	vmax.f32 v16, $0.0e+00  }
0x78: {  	v20 =	vsub.f32 v21, v5;
	v16 =	vld [tilespmem:s11+$0x9E10];
	v11 =	vadd.f32 v19, v11;
	v24 =	vmax.f32 v17, $0.0e+00  }
0x79: {  	v19 =	vsub.f32 v23, v5;
	v17 =	vld [tilespmem:s11+$0x9E20];
	s11 =	sshra.s32 s12, $0x2;
	s12 =	sadd.s32 $0x200, s12;
	v21 =	vmax.f32 v22, $0.0e+00;
	v10 =	vadd.f32 v24, v10  }
0x7a: {  	v22 =	vld [tilespmem:s11+$0x9E30]  }
0x7b: {  	v23 =	vld [tilespmem:s11+$0x9DC0]  }
0x7c: {  	v24 =	vld [tilespmem:s11+$0x9DD0]  }
0x7d: {  	v25 =	vld [tilespmem:s11+$0x9DE0]  }
0x7e: {  	v26 =	vld [tilespmem:s11+$0x9DF0];
	v20 =	vmax.f32 v20, $0.0e+00;
	v18 =	vsub.f32 v18, v5;
	v6 =	vadd.f32 v21, v6  }
0x7f: {  	v21 =	vld [tilespmem:s11+$0x9E00];
	v13 =	vadd.f32 v20, v13;
	v19 =	vmax.f32 v19, $0.0e+00;
	v15 =	vsub.f32 v15, v5  }
0x80: {  	v20 =	vld [tilespmem:s11+$0x9E10];
	v12 =	vadd.f32 v19, v12;
	v18 =	vmax.f32 v18, $0.0e+00;
	v14 =	vsub.f32 v14, v5  }
0x81: {  	v19 =	vld [tilespmem:s11+$0x9E20];
	v8 =	vadd.f32 v18, v8;
	v15 =	vmax.f32 v15, $0.0e+00;
	v16 =	vsub.f32 v16, v5  }
0x82: {  	s13 =	simm.s32 $0x0;
	s12 =	rddreg [dreg:$0x8];
	v18 =	vld [tilespmem:$0xEBD0];
	v9 =	vadd.f32 v15, v9;
	v14 =	vmax.f32 v14, $0.0e+00;
	v15 =	vsub.f32 v17, v5  }
0x83: {  	v17 =	vld [tilespmem:$0xEBC0];
	[tilespmem:s29], [sflag:$0x4] =	stream.linear.gather [hbm4b:s12+s13], $0x4E20, $0x38;
	v7 =	vadd.f32 v14, v7;
	v14 =	vsub.f32 v22, v5;
	v16 =	vmax.f32 v16, $0.0e+00  }
0x84: {  	_ =	swait.ge [sflag:s9], $0x4E20;
	v11 =	vadd.f32 v16, v11;
	v16 =	vsub.f32 v23, v5;
	v15 =	vmax.f32 v15, $0.0e+00  }
0x85: {  	[sflag:s9] =	ssyncset.done $0x0;
	v10 =	vadd.f32 v15, v10;
	v15 =	vsub.f32 v24, v5;
	v14 =	vmax.f32 v14, $0.0e+00  }
0x86: {  	[sflag:s9] =	ssyncadd.s32 $0xFFFFB1E0;
	v6 =	vadd.f32 v14, v6;
	v14 =	vmax.f32 v16, $0.0e+00;
	v16 =	vsub.f32 v25, v5  }
0x87: {  	v22 =	vld.msk [tilespmem:s31+$0x0], $0xffff;
	v13 =	vadd.f32 v14, v13;
	v14 =	vmax.f32 v15, $0.0e+00;
	v15 =	vsub.f32 v26, v5  }
0x88: {  	s13 =	simm.s32 $0x0;
	v12 =	vadd.f32 v14, v12;
	v14 =	vmax.f32 v16, $0.0e+00;
	v16 =	vsub.f32 v21, v5  }
0x89: {  	v8 =	vadd.f32 v14, v8;
	v14 =	vmax.f32 v15, $0.0e+00;
	v15 =	vsub.f32 v20, v5;
	v20 =	vld [tilespmem:s13+$0xEC50]  }
0x8a: {  	v9 =	vadd.f32 v14, v9;
	v14 =	vmax.f32 v16, $0.0e+00;
	v16 =	vsub.f32 v19, v5;
	v19 =	vld [tilespmem:s13+$0xEBE0]  }
0x8b: {  	v23 =	vld [tilespmem:s13+$0xEBF0];
	v21 =	vsub.f32 v18, v5;
	v7 =	vadd.f32 v14, v7;
	v14 =	vmax.f32 v15, $0.0e+00  }
0x8c: {  	v18 =	vld [tilespmem:s13+$0xEC00];
	v15 =	vmax.f32 v16, $0.0e+00;
	v16 =	vsub.f32 v17, v5;
	v5 =	vadd.f32 $-1.000000010e-01, v22  }
0x8d: {  	v11 =	vadd.f32 v14, v11;
	v10 =	vadd.f32 v15, v10;
	v15 =	vld [tilespmem:s13+$0xEC10]  }
0x8e: {  	v17 =	vmax.f32 v21, $0.0e+00;
	v14 =	vld [tilespmem:s13+$0xEC20];
	v16 =	vmax.f32 v16, $0.0e+00;
	v21 =	vsub.f32 v20, v5  }
0x8f: {  	v13 =	vadd.f32 v16, v13;
	v16 =	vld [tilespmem:s13+$0xEC30];
	v20 =	vsub.f32 v19, v5  }
0x90: {  	s11 =	simm.s32 $0x80;
	s12 =	simm.s32 $0x400;
	v12 =	vadd.f32 v17, v12;
	v17 =	vld [tilespmem:s13+$0xEC40];
	v19 =	vsub.f32 v23, v5;
	v21 =	vmax.f32 v21, $0.0e+00  }
.LBB2_8:
0x91: {  	p0 =	sne.s32 s12, $0x13600;
	v22 =	vld [tilespmem:s11+$0xEC50];
	v20 =	vmax.f32 v20, $0.0e+00;
	v18 =	vsub.f32 v18, v5;
	v6 =	vadd.f32 v21, v6  }
0x92: {  	v21 =	vld [tilespmem:s11+$0xEBE0];
	v13 =	vadd.f32 v20, v13;
	v19 =	vmax.f32 v19, $0.0e+00;
	v15 =	vsub.f32 v15, v5  }
0x93: {  	v23 =	vld [tilespmem:s11+$0xEBF0];
	v12 =	vadd.f32 v19, v12;
	v19 =	vmax.f32 v18, $0.0e+00;
	v14 =	vsub.f32 v14, v5  }
.Ltmp3:
0x94: {  	v18 =	vld [tilespmem:s11+$0xEC00];
	v8 =	vadd.f32 v19, v8;
	v19 =	vmax.f32 v15, $0.0e+00;
	v16 =	vsub.f32 v16, v5;
	(pc) =	sbr.rel @p0 .LBB2_8-.Ltmp3, $4  }
0x95: {  	v15 =	vld [tilespmem:s11+$0xEC10];
	v9 =	vadd.f32 v19, v9;
	v19 =	vmax.f32 v14, $0.0e+00;
	v17 =	vsub.f32 v17, v5  }
0x96: {  	v14 =	vld [tilespmem:s11+$0xEC20];
	v22 =	vsub.f32 v22, v5;
	v7 =	vadd.f32 v19, v7;
	v19 =	vmax.f32 v16, $0.0e+00  }
0x97: {  	v20 =	vsub.f32 v21, v5;
	v16 =	vld [tilespmem:s11+$0xEC30];
	v11 =	vadd.f32 v19, v11;
	v24 =	vmax.f32 v17, $0.0e+00  }
0x98: {  	v19 =	vsub.f32 v23, v5;
	v17 =	vld [tilespmem:s11+$0xEC40];
	s11 =	sshra.s32 s12, $0x2;
	s12 =	sadd.s32 $0x200, s12;
	v21 =	vmax.f32 v22, $0.0e+00;
	v10 =	vadd.f32 v24, v10  }
0x99: {  	v22 =	vld [tilespmem:s11+$0xEC50]  }
0x9a: {  	v23 =	vld [tilespmem:s11+$0xEBE0]  }
0x9b: {  	v24 =	vld [tilespmem:s11+$0xEBF0]  }
0x9c: {  	v25 =	vld [tilespmem:s11+$0xEC00]  }
0x9d: {  	v26 =	vld [tilespmem:s11+$0xEC10];
	v20 =	vmax.f32 v20, $0.0e+00;
	v18 =	vsub.f32 v18, v5;
	v6 =	vadd.f32 v21, v6  }
0x9e: {  	v21 =	vld [tilespmem:s11+$0xEC20];
	v13 =	vadd.f32 v20, v13;
	v19 =	vmax.f32 v19, $0.0e+00;
	v15 =	vsub.f32 v15, v5  }
0x9f: {  	v20 =	vld [tilespmem:s11+$0xEC30];
	v12 =	vadd.f32 v19, v12;
	v18 =	vmax.f32 v18, $0.0e+00;
	v14 =	vsub.f32 v14, v5  }
0xa0: {  	v19 =	vld [tilespmem:s11+$0xEC40];
	v8 =	vadd.f32 v18, v8;
	v15 =	vmax.f32 v15, $0.0e+00;
	v16 =	vsub.f32 v16, v5  }
0xa1: {  	s13 =	simm.s32 $0x0;
	s12 =	rddreg [dreg:$0x9];
	v18 =	vld [tilespmem:$0x139F0];
	v9 =	vadd.f32 v15, v9;
	v14 =	vmax.f32 v14, $0.0e+00;
	v15 =	vsub.f32 v17, v5  }
0xa2: {  	v17 =	vld [tilespmem:$0x139E0];
	[tilespmem:s30], [sflag:$0x5] =	stream.linear.gather [hbm4b:s12+s13], $0x4E20, $0x38;
	v7 =	vadd.f32 v14, v7;
	v14 =	vsub.f32 v22, v5;
	v16 =	vmax.f32 v16, $0.0e+00  }
0xa3: {  	_ =	swait.ge [sflag:s6], $0x4E20;
	v11 =	vadd.f32 v16, v11;
	v16 =	vsub.f32 v23, v5;
	v15 =	vmax.f32 v15, $0.0e+00  }
0xa4: {  	[sflag:s6] =	ssyncset.done $0x0;
	v10 =	vadd.f32 v15, v10;
	v15 =	vsub.f32 v24, v5;
	v14 =	vmax.f32 v14, $0.0e+00  }
0xa5: {  	[sflag:s6] =	ssyncadd.s32 $0xFFFFB1E0;
	v6 =	vadd.f32 v14, v6;
	v14 =	vmax.f32 v16, $0.0e+00;
	v16 =	vsub.f32 v25, v5  }
0xa6: {  	v22 =	vld.msk [tilespmem:s31+$0x0], $0xffff;
	v13 =	vadd.f32 v14, v13;
	v14 =	vmax.f32 v15, $0.0e+00;
	v15 =	vsub.f32 v26, v5  }
0xa7: {  	s13 =	simm.s32 $0x0;
	v12 =	vadd.f32 v14, v12;
	v14 =	vmax.f32 v16, $0.0e+00;
	v16 =	vsub.f32 v21, v5  }
0xa8: {  	v8 =	vadd.f32 v14, v8;
	v14 =	vmax.f32 v15, $0.0e+00;
	v15 =	vsub.f32 v20, v5;
	v20 =	vld [tilespmem:s13+$0x1F0]  }
0xa9: {  	v9 =	vadd.f32 v14, v9;
	v14 =	vmax.f32 v16, $0.0e+00;
	v16 =	vsub.f32 v19, v5;
	v19 =	vld [tilespmem:s13+$0x180]  }
0xaa: {  	v23 =	vld [tilespmem:s13+$0x190];
	v21 =	vsub.f32 v18, v5;
	v7 =	vadd.f32 v14, v7;
	v14 =	vmax.f32 v15, $0.0e+00  }
0xab: {  	v18 =	vld [tilespmem:s13+$0x1A0];
	v15 =	vmax.f32 v16, $0.0e+00;
	v16 =	vsub.f32 v17, v5;
	v5 =	vadd.f32 $-1.000000010e-01, v22  }
0xac: {  	v11 =	vadd.f32 v14, v11;
	v10 =	vadd.f32 v15, v10;
	v15 =	vld [tilespmem:s13+$0x1B0]  }
0xad: {  	v17 =	vmax.f32 v21, $0.0e+00;
	v14 =	vld [tilespmem:s13+$0x1C0];
	v16 =	vmax.f32 v16, $0.0e+00;
	v21 =	vsub.f32 v20, v5  }
0xae: {  	v13 =	vadd.f32 v16, v13;
	v16 =	vld [tilespmem:s13+$0x1D0];
	v20 =	vsub.f32 v19, v5  }
0xaf: {  	s11 =	simm.s32 $0x80;
	s12 =	simm.s32 $0x400;
	v12 =	vadd.f32 v17, v12;
	v17 =	vld [tilespmem:s13+$0x1E0];
	v19 =	vsub.f32 v23, v5;
	v21 =	vmax.f32 v21, $0.0e+00  }
.LBB2_10:
0xb0: {  	p0 =	sne.s32 s12, $0x13600;
	v22 =	vld [tilespmem:s11+$0x1F0];
	v20 =	vmax.f32 v20, $0.0e+00;
	v18 =	vsub.f32 v18, v5;
	v6 =	vadd.f32 v21, v6  }
0xb1: {  	v21 =	vld [tilespmem:s11+$0x180];
	v13 =	vadd.f32 v20, v13;
	v19 =	vmax.f32 v19, $0.0e+00;
	v15 =	vsub.f32 v15, v5  }
0xb2: {  	v23 =	vld [tilespmem:s11+$0x190];
	v12 =	vadd.f32 v19, v12;
	v19 =	vmax.f32 v18, $0.0e+00;
	v14 =	vsub.f32 v14, v5  }
.Ltmp4:
0xb3: {  	v18 =	vld [tilespmem:s11+$0x1A0];
	v8 =	vadd.f32 v19, v8;
	v19 =	vmax.f32 v15, $0.0e+00;
	v16 =	vsub.f32 v16, v5;
	(pc) =	sbr.rel @p0 .LBB2_10-.Ltmp4, $4  }
0xb4: {  	v15 =	vld [tilespmem:s11+$0x1B0];
	v9 =	vadd.f32 v19, v9;
	v19 =	vmax.f32 v14, $0.0e+00;
	v17 =	vsub.f32 v17, v5  }
0xb5: {  	v14 =	vld [tilespmem:s11+$0x1C0];
	v22 =	vsub.f32 v22, v5;
	v7 =	vadd.f32 v19, v7;
	v19 =	vmax.f32 v16, $0.0e+00  }
0xb6: {  	v20 =	vsub.f32 v21, v5;
	v16 =	vld [tilespmem:s11+$0x1D0];
	v11 =	vadd.f32 v19, v11;
	v24 =	vmax.f32 v17, $0.0e+00  }
0xb7: {  	v19 =	vsub.f32 v23, v5;
	v17 =	vld [tilespmem:s11+$0x1E0];
	s11 =	sshra.s32 s12, $0x2;
	s12 =	sadd.s32 $0x200, s12;
	v21 =	vmax.f32 v22, $0.0e+00;
	v10 =	vadd.f32 v24, v10  }
0xb8: {  	v22 =	vld [tilespmem:s11+$0x1F0]  }
0xb9: {  	v23 =	vld [tilespmem:s11+$0x180]  }
0xba: {  	v24 =	vld [tilespmem:s11+$0x190]  }
0xbb: {  	v25 =	vld [tilespmem:s11+$0x1A0]  }
0xbc: {  	v26 =	vld [tilespmem:s11+$0x1B0];
	v20 =	vmax.f32 v20, $0.0e+00;
	v18 =	vsub.f32 v18, v5;
	v6 =	vadd.f32 v21, v6  }
0xbd: {  	v21 =	vld [tilespmem:s11+$0x1C0];
	v13 =	vadd.f32 v20, v13;
	v19 =	vmax.f32 v19, $0.0e+00;
	v15 =	vsub.f32 v15, v5  }
0xbe: {  	v20 =	vld [tilespmem:s11+$0x1D0];
	v12 =	vadd.f32 v19, v12;
	v18 =	vmax.f32 v18, $0.0e+00;
	v14 =	vsub.f32 v14, v5  }
0xbf: {  	v19 =	vld [tilespmem:s11+$0x1E0];
	v8 =	vadd.f32 v18, v8;
	v15 =	vmax.f32 v15, $0.0e+00;
	v16 =	vsub.f32 v16, v5  }
0xc0: {  	s13 =	simm.s32 $0x0;
	s12 =	rddreg [dreg:$0xa];
	v18 =	vld [tilespmem:$0x4F90];
	v9 =	vadd.f32 v15, v9;
	v14 =	vmax.f32 v14, $0.0e+00;
	v15 =	vsub.f32 v17, v5  }
0xc1: {  	v17 =	vld [tilespmem:$0x4F80];
	[tilespmem:s0], [sflag:$0x2] =	stream.linear.gather [hbm4b:s12+s13], $0x4E20, $0x38;
	v7 =	vadd.f32 v14, v7;
	v14 =	vsub.f32 v22, v5;
	v16 =	vmax.f32 v16, $0.0e+00  }
0xc2: {  	_ =	swait.ge [sflag:s7], $0x4E20;
	v11 =	vadd.f32 v16, v11;
	v16 =	vsub.f32 v23, v5;
	v15 =	vmax.f32 v15, $0.0e+00  }
0xc3: {  	[sflag:s7] =	ssyncset.done $0x0;
	v10 =	vadd.f32 v15, v10;
	v15 =	vsub.f32 v24, v5;
	v14 =	vmax.f32 v14, $0.0e+00  }
0xc4: {  	[sflag:s7] =	ssyncadd.s32 $0xFFFFB1E0;
	v6 =	vadd.f32 v14, v6;
	v14 =	vmax.f32 v16, $0.0e+00;
	v16 =	vsub.f32 v25, v5  }
0xc5: {  	v22 =	vld.idx.msk [tilespmem:v2+s31+$0x0], $0xffff;
	v13 =	vadd.f32 v14, v13;
	v14 =	vmax.f32 v15, $0.0e+00;
	v15 =	vsub.f32 v26, v5  }
0xc6: {  	s13 =	simm.s32 $0x0;
	v12 =	vadd.f32 v14, v12;
	v14 =	vmax.f32 v16, $0.0e+00;
	v16 =	vsub.f32 v21, v5  }
0xc7: {  	v8 =	vadd.f32 v14, v8;
	v14 =	vmax.f32 v15, $0.0e+00;
	v15 =	vsub.f32 v20, v5;
	v20 =	vld [tilespmem:s13+$0x5010]  }
0xc8: {  	v9 =	vadd.f32 v14, v9;
	v14 =	vmax.f32 v16, $0.0e+00;
	v16 =	vsub.f32 v19, v5;
	v19 =	vld [tilespmem:s13+$0x4FA0]  }
0xc9: {  	v23 =	vld [tilespmem:s13+$0x4FB0];
	v21 =	vsub.f32 v18, v5;
	v7 =	vadd.f32 v14, v7;
	v14 =	vmax.f32 v15, $0.0e+00  }
0xca: {  	v18 =	vld [tilespmem:s13+$0x4FC0];
	v15 =	vmax.f32 v16, $0.0e+00;
	v16 =	vsub.f32 v17, v5;
	v5 =	vadd.f32 $-1.000000010e-01, v22  }
0xcb: {  	v11 =	vadd.f32 v14, v11;
	v10 =	vadd.f32 v15, v10;
	v15 =	vld [tilespmem:s13+$0x4FD0]  }
0xcc: {  	v17 =	vmax.f32 v21, $0.0e+00;
	v14 =	vld [tilespmem:s13+$0x4FE0];
	v16 =	vmax.f32 v16, $0.0e+00;
	v21 =	vsub.f32 v20, v5  }
0xcd: {  	v13 =	vadd.f32 v16, v13;
	v16 =	vld [tilespmem:s13+$0x4FF0];
	v20 =	vsub.f32 v19, v5  }
0xce: {  	s11 =	simm.s32 $0x80;
	s12 =	simm.s32 $0x400;
	v12 =	vadd.f32 v17, v12;
	v17 =	vld [tilespmem:s13+$0x5000];
	v19 =	vsub.f32 v23, v5;
	v21 =	vmax.f32 v21, $0.0e+00  }
.LBB2_12:
0xcf: {  	p0 =	sne.s32 s12, $0x13600;
	v22 =	vld [tilespmem:s11+$0x5010];
	v20 =	vmax.f32 v20, $0.0e+00;
	v18 =	vsub.f32 v18, v5;
	v6 =	vadd.f32 v21, v6  }
0xd0: {  	v21 =	vld [tilespmem:s11+$0x4FA0];
	v13 =	vadd.f32 v20, v13;
	v19 =	vmax.f32 v19, $0.0e+00;
	v15 =	vsub.f32 v15, v5  }
0xd1: {  	v23 =	vld [tilespmem:s11+$0x4FB0];
	v12 =	vadd.f32 v19, v12;
	v19 =	vmax.f32 v18, $0.0e+00;
	v14 =	vsub.f32 v14, v5  }
.Ltmp5:
0xd2: {  	v18 =	vld [tilespmem:s11+$0x4FC0];
	v8 =	vadd.f32 v19, v8;
	v19 =	vmax.f32 v15, $0.0e+00;
	v16 =	vsub.f32 v16, v5;
	(pc) =	sbr.rel @p0 .LBB2_12-.Ltmp5, $4  }
0xd3: {  	v15 =	vld [tilespmem:s11+$0x4FD0];
	v9 =	vadd.f32 v19, v9;
	v19 =	vmax.f32 v14, $0.0e+00;
	v17 =	vsub.f32 v17, v5  }
0xd4: {  	v14 =	vld [tilespmem:s11+$0x4FE0];
	v22 =	vsub.f32 v22, v5;
	v7 =	vadd.f32 v19, v7;
	v19 =	vmax.f32 v16, $0.0e+00  }
0xd5: {  	v20 =	vsub.f32 v21, v5;
	v16 =	vld [tilespmem:s11+$0x4FF0];
	v11 =	vadd.f32 v19, v11;
	v24 =	vmax.f32 v17, $0.0e+00  }
0xd6: {  	v19 =	vsub.f32 v23, v5;
	v17 =	vld [tilespmem:s11+$0x5000];
	s11 =	sshra.s32 s12, $0x2;
	s12 =	sadd.s32 $0x200, s12;
	v21 =	vmax.f32 v22, $0.0e+00;
	v10 =	vadd.f32 v24, v10  }
0xd7: {  	v22 =	vld [tilespmem:s11+$0x5010]  }
0xd8: {  	v23 =	vld [tilespmem:s11+$0x4FA0]  }
0xd9: {  	v24 =	vld [tilespmem:s11+$0x4FB0]  }
0xda: {  	v25 =	vld [tilespmem:s11+$0x4FC0]  }
0xdb: {  	v26 =	vld [tilespmem:s11+$0x4FD0];
	v20 =	vmax.f32 v20, $0.0e+00;
	v18 =	vsub.f32 v18, v5;
	v6 =	vadd.f32 v21, v6  }
0xdc: {  	v21 =	vld [tilespmem:s11+$0x4FE0];
	v13 =	vadd.f32 v20, v13;
	v19 =	vmax.f32 v19, $0.0e+00;
	v15 =	vsub.f32 v15, v5  }
0xdd: {  	v20 =	vld [tilespmem:s11+$0x4FF0];
	v12 =	vadd.f32 v19, v12;
	v18 =	vmax.f32 v18, $0.0e+00;
	v14 =	vsub.f32 v14, v5  }
0xde: {  	v19 =	vld [tilespmem:s11+$0x5000];
	v8 =	vadd.f32 v18, v8;
	v15 =	vmax.f32 v15, $0.0e+00;
	v16 =	vsub.f32 v16, v5  }
0xdf: {  	s13 =	simm.s32 $0x0;
	v18 =	vld [tilespmem:$0x9DB0];
	v9 =	vadd.f32 v15, v9;
	v14 =	vmax.f32 v14, $0.0e+00;
	v15 =	vsub.f32 v17, v5  }
0xe0: {  	v17 =	vld [tilespmem:$0x9DA0];
	[tilespmem:s2], [sflag:$0x3] =	stream.linear.gather [hbm4b:s14+s13], $0x4E20, $0x38;
	v7 =	vadd.f32 v14, v7;
	v14 =	vsub.f32 v22, v5;
	v16 =	vmax.f32 v16, $0.0e+00  }
0xe1: {  	_ =	swait.ge [sflag:s8], $0x4E20;
	v11 =	vadd.f32 v16, v11;
	v16 =	vsub.f32 v23, v5;
	v15 =	vmax.f32 v15, $0.0e+00  }
0xe2: {  	[sflag:s8] =	ssyncset.done $0x0;
	v10 =	vadd.f32 v15, v10;
	v15 =	vsub.f32 v24, v5;
	v14 =	vmax.f32 v14, $0.0e+00  }
0xe3: {  	[sflag:s8] =	ssyncadd.s32 $0xFFFFB1E0;
	v6 =	vadd.f32 v14, v6;
	v14 =	vmax.f32 v16, $0.0e+00;
	v16 =	vsub.f32 v25, v5  }
0xe4: {  	v22 =	vld.idx.msk [tilespmem:v2+s31+$0x0], $0xffff;
	v13 =	vadd.f32 v14, v13;
	v14 =	vmax.f32 v15, $0.0e+00;
	v15 =	vsub.f32 v26, v5  }
0xe5: {  	s13 =	simm.s32 $0x0;
	v12 =	vadd.f32 v14, v12;
	v14 =	vmax.f32 v16, $0.0e+00;
	v16 =	vsub.f32 v21, v5  }
0xe6: {  	v8 =	vadd.f32 v14, v8;
	v14 =	vmax.f32 v15, $0.0e+00;
	v15 =	vsub.f32 v20, v5;
	v20 =	vld [tilespmem:s13+$0x9E30]  }
0xe7: {  	v9 =	vadd.f32 v14, v9;
	v14 =	vmax.f32 v16, $0.0e+00;
	v16 =	vsub.f32 v19, v5;
	v19 =	vld [tilespmem:s13+$0x9DC0]  }
0xe8: {  	v23 =	vld [tilespmem:s13+$0x9DD0];
	v21 =	vsub.f32 v18, v5;
	v7 =	vadd.f32 v14, v7;
	v14 =	vmax.f32 v15, $0.0e+00  }
0xe9: {  	v18 =	vld [tilespmem:s13+$0x9DE0];
	v15 =	vmax.f32 v16, $0.0e+00;
	v16 =	vsub.f32 v17, v5;
	v5 =	vadd.f32 $-1.000000010e-01, v22  }
0xea: {  	v11 =	vadd.f32 v14, v11;
	v10 =	vadd.f32 v15, v10;
	v15 =	vld [tilespmem:s13+$0x9DF0]  }
0xeb: {  	v17 =	vmax.f32 v21, $0.0e+00;
	v14 =	vld [tilespmem:s13+$0x9E00];
	v16 =	vmax.f32 v16, $0.0e+00;
	v21 =	vsub.f32 v20, v5  }
0xec: {  	v13 =	vadd.f32 v16, v13;
	v16 =	vld [tilespmem:s13+$0x9E10];
	v20 =	vsub.f32 v19, v5  }
0xed: {  	s12 =	simm.s32 $0x400;
	s11 =	simm.s32 $0x80;
	v12 =	vadd.f32 v17, v12;
	v17 =	vld [tilespmem:s13+$0x9E20];
	v19 =	vsub.f32 v23, v5;
	v21 =	vmax.f32 v21, $0.0e+00  }
.LBB2_14:
0xee: {  	p0 =	sne.s32 s12, $0x13600;
	v22 =	vld [tilespmem:s11+$0x9E30];
	v20 =	vmax.f32 v20, $0.0e+00;
	v18 =	vsub.f32 v18, v5;
	v6 =	vadd.f32 v21, v6  }
0xef: {  	v21 =	vld [tilespmem:s11+$0x9DC0];
	v13 =	vadd.f32 v20, v13;
	v19 =	vmax.f32 v19, $0.0e+00;
	v15 =	vsub.f32 v15, v5  }
0xf0: {  	v23 =	vld [tilespmem:s11+$0x9DD0];
	v12 =	vadd.f32 v19, v12;
	v19 =	vmax.f32 v18, $0.0e+00;
	v14 =	vsub.f32 v14, v5  }
.Ltmp6:
0xf1: {  	v18 =	vld [tilespmem:s11+$0x9DE0];
	v8 =	vadd.f32 v19, v8;
	v19 =	vmax.f32 v15, $0.0e+00;
	v16 =	vsub.f32 v16, v5;
	(pc) =	sbr.rel @p0 .LBB2_14-.Ltmp6, $4  }
0xf2: {  	v15 =	vld [tilespmem:s11+$0x9DF0];
	v9 =	vadd.f32 v19, v9;
	v19 =	vmax.f32 v14, $0.0e+00;
	v17 =	vsub.f32 v17, v5  }
0xf3: {  	v14 =	vld [tilespmem:s11+$0x9E00];
	v22 =	vsub.f32 v22, v5;
	v7 =	vadd.f32 v19, v7;
	v19 =	vmax.f32 v16, $0.0e+00  }
0xf4: {  	v20 =	vsub.f32 v21, v5;
	v16 =	vld [tilespmem:s11+$0x9E10];
	v11 =	vadd.f32 v19, v11;
	v24 =	vmax.f32 v17, $0.0e+00  }
0xf5: {  	v19 =	vsub.f32 v23, v5;
	v17 =	vld [tilespmem:s11+$0x9E20];
	s11 =	sshra.s32 s12, $0x2;
	s12 =	sadd.s32 $0x200, s12;
	v21 =	vmax.f32 v22, $0.0e+00;
	v10 =	vadd.f32 v24, v10  }
0xf6: {  	v22 =	vld [tilespmem:s11+$0x9E30]  }
0xf7: {  	v23 =	vld [tilespmem:s11+$0x9DC0]  }
0xf8: {  	v24 =	vld [tilespmem:s11+$0x9DD0]  }
0xf9: {  	v25 =	vld [tilespmem:s11+$0x9DE0]  }
0xfa: {  	v26 =	vld [tilespmem:s11+$0x9DF0];
	v20 =	vmax.f32 v20, $0.0e+00;
	v18 =	vsub.f32 v18, v5;
	v6 =	vadd.f32 v21, v6  }
0xfb: {  	v21 =	vld [tilespmem:s11+$0x9E00];
	v13 =	vadd.f32 v20, v13;
	v19 =	vmax.f32 v19, $0.0e+00;
	v15 =	vsub.f32 v15, v5  }
0xfc: {  	v20 =	vld [tilespmem:s11+$0x9E10];
	v12 =	vadd.f32 v19, v12;
	v18 =	vmax.f32 v18, $0.0e+00;
	v14 =	vsub.f32 v14, v5  }
0xfd: {  	v19 =	vld [tilespmem:s11+$0x9E20];
	v8 =	vadd.f32 v18, v8;
	v15 =	vmax.f32 v15, $0.0e+00;
	v16 =	vsub.f32 v16, v5  }
0xfe: {  	s13 =	simm.s32 $0x0;
	v18 =	vld [tilespmem:$0xEBD0];
	v9 =	vadd.f32 v15, v9;
	v14 =	vmax.f32 v14, $0.0e+00;
	v15 =	vsub.f32 v17, v5  }
0xff: {  	v17 =	vld [tilespmem:$0xEBC0];
	[tilespmem:s29], [sflag:$0x4] =	stream.linear.gather [hbm4b:s15+s13], $0x4E20, $0x38;
	v7 =	vadd.f32 v14, v7;
	v14 =	vsub.f32 v22, v5;
	v16 =	vmax.f32 v16, $0.0e+00  }
0x100: {  	_ =	swait.ge [sflag:s9], $0x4E20;
	v11 =	vadd.f32 v16, v11;
	v16 =	vsub.f32 v23, v5;
	v15 =	vmax.f32 v15, $0.0e+00  }
0x101: {  	[sflag:s9] =	ssyncset.done $0x0;
	v10 =	vadd.f32 v15, v10;
	v15 =	vsub.f32 v24, v5;
	v14 =	vmax.f32 v14, $0.0e+00  }
0x102: {  	[sflag:s9] =	ssyncadd.s32 $0xFFFFB1E0;
	v6 =	vadd.f32 v14, v6;
	v14 =	vmax.f32 v16, $0.0e+00;
	v16 =	vsub.f32 v25, v5  }
0x103: {  	v22 =	vld.idx.msk [tilespmem:v2+s31+$0x0], $0xffff;
	v13 =	vadd.f32 v14, v13;
	v14 =	vmax.f32 v15, $0.0e+00;
	v15 =	vsub.f32 v26, v5  }
0x104: {  	s13 =	simm.s32 $0x0;
	v12 =	vadd.f32 v14, v12;
	v14 =	vmax.f32 v16, $0.0e+00;
	v16 =	vsub.f32 v21, v5  }
0x105: {  	v8 =	vadd.f32 v14, v8;
	v14 =	vmax.f32 v15, $0.0e+00;
	v15 =	vsub.f32 v20, v5;
	v20 =	vld [tilespmem:s13+$0xEC50]  }
0x106: {  	v9 =	vadd.f32 v14, v9;
	v14 =	vmax.f32 v16, $0.0e+00;
	v16 =	vsub.f32 v19, v5;
	v19 =	vld [tilespmem:s13+$0xEBE0]  }
0x107: {  	v23 =	vld [tilespmem:s13+$0xEBF0];
	v21 =	vsub.f32 v18, v5;
	v7 =	vadd.f32 v14, v7;
	v14 =	vmax.f32 v15, $0.0e+00  }
0x108: {  	v18 =	vld [tilespmem:s13+$0xEC00];
	v15 =	vmax.f32 v16, $0.0e+00;
	v16 =	vsub.f32 v17, v5;
	v5 =	vadd.f32 $-1.000000010e-01, v22  }
0x109: {  	v11 =	vadd.f32 v14, v11;
	v10 =	vadd.f32 v15, v10;
	v15 =	vld [tilespmem:s13+$0xEC10]  }
0x10a: {  	v17 =	vmax.f32 v21, $0.0e+00;
	v14 =	vld [tilespmem:s13+$0xEC20];
	v16 =	vmax.f32 v16, $0.0e+00;
	v21 =	vsub.f32 v20, v5  }
0x10b: {  	v13 =	vadd.f32 v16, v13;
	v16 =	vld [tilespmem:s13+$0xEC30];
	v20 =	vsub.f32 v19, v5  }
0x10c: {  	s12 =	simm.s32 $0x400;
	s11 =	simm.s32 $0x80;
	v12 =	vadd.f32 v17, v12;
	v17 =	vld [tilespmem:s13+$0xEC40];
	v19 =	vsub.f32 v23, v5;
	v21 =	vmax.f32 v21, $0.0e+00  }
.LBB2_16:
0x10d: {  	p0 =	sne.s32 s12, $0x13600;
	v22 =	vld [tilespmem:s11+$0xEC50];
	v20 =	vmax.f32 v20, $0.0e+00;
	v18 =	vsub.f32 v18, v5;
	v6 =	vadd.f32 v21, v6  }
0x10e: {  	v21 =	vld [tilespmem:s11+$0xEBE0];
	v13 =	vadd.f32 v20, v13;
	v19 =	vmax.f32 v19, $0.0e+00;
	v15 =	vsub.f32 v15, v5  }
0x10f: {  	v23 =	vld [tilespmem:s11+$0xEBF0];
	v12 =	vadd.f32 v19, v12;
	v19 =	vmax.f32 v18, $0.0e+00;
	v14 =	vsub.f32 v14, v5  }
.Ltmp7:
0x110: {  	v18 =	vld [tilespmem:s11+$0xEC00];
	v8 =	vadd.f32 v19, v8;
	v19 =	vmax.f32 v15, $0.0e+00;
	v16 =	vsub.f32 v16, v5;
	(pc) =	sbr.rel @p0 .LBB2_16-.Ltmp7, $4  }
0x111: {  	v15 =	vld [tilespmem:s11+$0xEC10];
	v9 =	vadd.f32 v19, v9;
	v19 =	vmax.f32 v14, $0.0e+00;
	v17 =	vsub.f32 v17, v5  }
0x112: {  	v14 =	vld [tilespmem:s11+$0xEC20];
	v22 =	vsub.f32 v22, v5;
	v7 =	vadd.f32 v19, v7;
	v19 =	vmax.f32 v16, $0.0e+00  }
0x113: {  	v20 =	vsub.f32 v21, v5;
	v16 =	vld [tilespmem:s11+$0xEC30];
	v11 =	vadd.f32 v19, v11;
	v24 =	vmax.f32 v17, $0.0e+00  }
0x114: {  	v19 =	vsub.f32 v23, v5;
	v17 =	vld [tilespmem:s11+$0xEC40];
	s11 =	sshra.s32 s12, $0x2;
	s12 =	sadd.s32 $0x200, s12;
	v21 =	vmax.f32 v22, $0.0e+00;
	v10 =	vadd.f32 v24, v10  }
0x115: {  	v22 =	vld [tilespmem:s11+$0xEC50]  }
0x116: {  	v23 =	vld [tilespmem:s11+$0xEBE0]  }
0x117: {  	v24 =	vld [tilespmem:s11+$0xEBF0]  }
0x118: {  	v25 =	vld [tilespmem:s11+$0xEC00]  }
0x119: {  	v26 =	vld [tilespmem:s11+$0xEC10];
	v20 =	vmax.f32 v20, $0.0e+00;
	v18 =	vsub.f32 v18, v5;
	v6 =	vadd.f32 v21, v6  }
0x11a: {  	v21 =	vld [tilespmem:s11+$0xEC20];
	v13 =	vadd.f32 v20, v13;
	v19 =	vmax.f32 v19, $0.0e+00;
	v15 =	vsub.f32 v15, v5  }
0x11b: {  	v20 =	vld [tilespmem:s11+$0xEC30];
	v12 =	vadd.f32 v19, v12;
	v18 =	vmax.f32 v18, $0.0e+00;
	v14 =	vsub.f32 v14, v5  }
0x11c: {  	v19 =	vld [tilespmem:s11+$0xEC40];
	v8 =	vadd.f32 v18, v8;
	v15 =	vmax.f32 v15, $0.0e+00;
	v16 =	vsub.f32 v16, v5  }
0x11d: {  	s13 =	simm.s32 $0x0;
	v18 =	vld [tilespmem:$0x139F0];
	v9 =	vadd.f32 v15, v9;
	v14 =	vmax.f32 v14, $0.0e+00;
	v15 =	vsub.f32 v17, v5  }
0x11e: {  	v17 =	vld [tilespmem:$0x139E0];
	[tilespmem:s30], [sflag:$0x5] =	stream.linear.gather [hbm4b:s16+s13], $0x4E20, $0x38;
	v7 =	vadd.f32 v14, v7;
	v14 =	vsub.f32 v22, v5;
	v16 =	vmax.f32 v16, $0.0e+00  }
0x11f: {  	_ =	swait.ge [sflag:s6], $0x4E20;
	v11 =	vadd.f32 v16, v11;
	v16 =	vsub.f32 v23, v5;
	v15 =	vmax.f32 v15, $0.0e+00  }
0x120: {  	[sflag:s6] =	ssyncset.done $0x0;
	v10 =	vadd.f32 v15, v10;
	v15 =	vsub.f32 v24, v5;
	v14 =	vmax.f32 v14, $0.0e+00  }
0x121: {  	[sflag:s6] =	ssyncadd.s32 $0xFFFFB1E0;
	v6 =	vadd.f32 v14, v6;
	v14 =	vmax.f32 v16, $0.0e+00;
	v16 =	vsub.f32 v25, v5  }
0x122: {  	v22 =	vld.idx.msk [tilespmem:v2+s31+$0x0], $0xffff;
	v13 =	vadd.f32 v14, v13;
	v14 =	vmax.f32 v15, $0.0e+00;
	v15 =	vsub.f32 v26, v5  }
0x123: {  	s13 =	simm.s32 $0x0;
	v12 =	vadd.f32 v14, v12;
	v14 =	vmax.f32 v16, $0.0e+00;
	v16 =	vsub.f32 v21, v5  }
0x124: {  	v8 =	vadd.f32 v14, v8;
	v14 =	vmax.f32 v15, $0.0e+00;
	v15 =	vsub.f32 v20, v5;
	v20 =	vld [tilespmem:s13+$0x1F0]  }
0x125: {  	v9 =	vadd.f32 v14, v9;
	v14 =	vmax.f32 v16, $0.0e+00;
	v16 =	vsub.f32 v19, v5;
	v19 =	vld [tilespmem:s13+$0x180]  }
0x126: {  	v23 =	vld [tilespmem:s13+$0x190];
	v21 =	vsub.f32 v18, v5;
	v7 =	vadd.f32 v14, v7;
	v14 =	vmax.f32 v15, $0.0e+00  }
0x127: {  	v18 =	vld [tilespmem:s13+$0x1A0];
	v15 =	vmax.f32 v16, $0.0e+00;
	v16 =	vsub.f32 v17, v5;
	v5 =	vadd.f32 $-1.000000010e-01, v22  }
0x128: {  	v11 =	vadd.f32 v14, v11;
	v10 =	vadd.f32 v15, v10;
	v15 =	vld [tilespmem:s13+$0x1B0]  }
0x129: {  	v17 =	vmax.f32 v21, $0.0e+00;
	v14 =	vld [tilespmem:s13+$0x1C0];
	v16 =	vmax.f32 v16, $0.0e+00;
	v21 =	vsub.f32 v20, v5  }
0x12a: {  	v13 =	vadd.f32 v16, v13;
	v16 =	vld [tilespmem:s13+$0x1D0];
	v20 =	vsub.f32 v19, v5  }
0x12b: {  	s12 =	simm.s32 $0x400;
	s11 =	simm.s32 $0x80;
	v12 =	vadd.f32 v17, v12;
	v17 =	vld [tilespmem:s13+$0x1E0];
	v19 =	vsub.f32 v23, v5;
	v21 =	vmax.f32 v21, $0.0e+00  }
.LBB2_18:
0x12c: {  	p0 =	sne.s32 s12, $0x13600;
	v22 =	vld [tilespmem:s11+$0x1F0];
	v20 =	vmax.f32 v20, $0.0e+00;
	v18 =	vsub.f32 v18, v5;
	v6 =	vadd.f32 v21, v6  }
0x12d: {  	v21 =	vld [tilespmem:s11+$0x180];
	v13 =	vadd.f32 v20, v13;
	v19 =	vmax.f32 v19, $0.0e+00;
	v15 =	vsub.f32 v15, v5  }
0x12e: {  	v23 =	vld [tilespmem:s11+$0x190];
	v12 =	vadd.f32 v19, v12;
	v19 =	vmax.f32 v18, $0.0e+00;
	v14 =	vsub.f32 v14, v5  }
.Ltmp8:
0x12f: {  	v18 =	vld [tilespmem:s11+$0x1A0];
	v8 =	vadd.f32 v19, v8;
	v19 =	vmax.f32 v15, $0.0e+00;
	v16 =	vsub.f32 v16, v5;
	(pc) =	sbr.rel @p0 .LBB2_18-.Ltmp8, $4  }
0x130: {  	v15 =	vld [tilespmem:s11+$0x1B0];
	v9 =	vadd.f32 v19, v9;
	v19 =	vmax.f32 v14, $0.0e+00;
	v17 =	vsub.f32 v17, v5  }
0x131: {  	v14 =	vld [tilespmem:s11+$0x1C0];
	v22 =	vsub.f32 v22, v5;
	v7 =	vadd.f32 v19, v7;
	v19 =	vmax.f32 v16, $0.0e+00  }
0x132: {  	v20 =	vsub.f32 v21, v5;
	v16 =	vld [tilespmem:s11+$0x1D0];
	v11 =	vadd.f32 v19, v11;
	v24 =	vmax.f32 v17, $0.0e+00  }
0x133: {  	v19 =	vsub.f32 v23, v5;
	v17 =	vld [tilespmem:s11+$0x1E0];
	s11 =	sshra.s32 s12, $0x2;
	s12 =	sadd.s32 $0x200, s12;
	v21 =	vmax.f32 v22, $0.0e+00;
	v10 =	vadd.f32 v24, v10  }
0x134: {  	v22 =	vld [tilespmem:s11+$0x1F0]  }
0x135: {  	v23 =	vld [tilespmem:s11+$0x180]  }
0x136: {  	v24 =	vld [tilespmem:s11+$0x190]  }
0x137: {  	v25 =	vld [tilespmem:s11+$0x1A0]  }
0x138: {  	v26 =	vld [tilespmem:s11+$0x1B0];
	v20 =	vmax.f32 v20, $0.0e+00;
	v18 =	vsub.f32 v18, v5;
	v6 =	vadd.f32 v21, v6  }
0x139: {  	v21 =	vld [tilespmem:s11+$0x1C0];
	v13 =	vadd.f32 v20, v13;
	v19 =	vmax.f32 v19, $0.0e+00;
	v15 =	vsub.f32 v15, v5  }
0x13a: {  	v20 =	vld [tilespmem:s11+$0x1D0];
	v12 =	vadd.f32 v19, v12;
	v18 =	vmax.f32 v18, $0.0e+00;
	v14 =	vsub.f32 v14, v5  }
0x13b: {  	v19 =	vld [tilespmem:s11+$0x1E0];
	v8 =	vadd.f32 v18, v8;
	v15 =	vmax.f32 v15, $0.0e+00;
	v16 =	vsub.f32 v16, v5  }
0x13c: {  	s13 =	simm.s32 $0x0;
	v18 =	vld [tilespmem:$0x4F90];
	v9 =	vadd.f32 v15, v9;
	v14 =	vmax.f32 v14, $0.0e+00;
	v15 =	vsub.f32 v17, v5  }
0x13d: {  	v17 =	vld [tilespmem:$0x4F80];
	[tilespmem:s0], [sflag:$0x2] =	stream.linear.gather [hbm4b:s17+s13], $0x4E20, $0x38;
	v7 =	vadd.f32 v14, v7;
	v14 =	vsub.f32 v22, v5;
	v16 =	vmax.f32 v16, $0.0e+00  }
0x13e: {  	_ =	swait.ge [sflag:s7], $0x4E20;
	v11 =	vadd.f32 v16, v11;
	v16 =	vsub.f32 v23, v5;
	v15 =	vmax.f32 v15, $0.0e+00  }
0x13f: {  	[sflag:s7] =	ssyncset.done $0x0;
	v10 =	vadd.f32 v15, v10;
	v15 =	vsub.f32 v24, v5;
	v14 =	vmax.f32 v14, $0.0e+00  }
0x140: {  	[sflag:s7] =	ssyncadd.s32 $0xFFFFB1E0;
	v6 =	vadd.f32 v14, v6;
	v14 =	vmax.f32 v16, $0.0e+00;
	v16 =	vsub.f32 v25, v5  }
0x141: {  	v22 =	vld.idx.msk [tilespmem:v2+s31+$0x0], $0xffff;
	v13 =	vadd.f32 v14, v13;
	v14 =	vmax.f32 v15, $0.0e+00;
	v15 =	vsub.f32 v26, v5  }
0x142: {  	s13 =	simm.s32 $0x0;
	v12 =	vadd.f32 v14, v12;
	v14 =	vmax.f32 v16, $0.0e+00;
	v16 =	vsub.f32 v21, v5  }
0x143: {  	v8 =	vadd.f32 v14, v8;
	v14 =	vmax.f32 v15, $0.0e+00;
	v15 =	vsub.f32 v20, v5;
	v20 =	vld [tilespmem:s13+$0x5010]  }
0x144: {  	v9 =	vadd.f32 v14, v9;
	v14 =	vmax.f32 v16, $0.0e+00;
	v16 =	vsub.f32 v19, v5;
	v19 =	vld [tilespmem:s13+$0x4FA0]  }
0x145: {  	v23 =	vld [tilespmem:s13+$0x4FB0];
	v21 =	vsub.f32 v18, v5;
	v7 =	vadd.f32 v14, v7;
	v14 =	vmax.f32 v15, $0.0e+00  }
0x146: {  	v18 =	vld [tilespmem:s13+$0x4FC0];
	v15 =	vmax.f32 v16, $0.0e+00;
	v16 =	vsub.f32 v17, v5;
	v5 =	vadd.f32 $-1.000000010e-01, v22  }
0x147: {  	v11 =	vadd.f32 v14, v11;
	v10 =	vadd.f32 v15, v10;
	v15 =	vld [tilespmem:s13+$0x4FD0]  }
0x148: {  	v17 =	vmax.f32 v21, $0.0e+00;
	v14 =	vld [tilespmem:s13+$0x4FE0];
	v16 =	vmax.f32 v16, $0.0e+00;
	v21 =	vsub.f32 v20, v5  }
0x149: {  	v13 =	vadd.f32 v16, v13;
	v16 =	vld [tilespmem:s13+$0x4FF0];
	v20 =	vsub.f32 v19, v5  }
0x14a: {  	s12 =	simm.s32 $0x400;
	s11 =	simm.s32 $0x80;
	v12 =	vadd.f32 v17, v12;
	v17 =	vld [tilespmem:s13+$0x5000];
	v19 =	vsub.f32 v23, v5;
	v21 =	vmax.f32 v21, $0.0e+00  }
.LBB2_20:
0x14b: {  	p0 =	sne.s32 s12, $0x13600;
	v22 =	vld [tilespmem:s11+$0x5010];
	v20 =	vmax.f32 v20, $0.0e+00;
	v18 =	vsub.f32 v18, v5;
	v6 =	vadd.f32 v21, v6  }
0x14c: {  	v21 =	vld [tilespmem:s11+$0x4FA0];
	v13 =	vadd.f32 v20, v13;
	v19 =	vmax.f32 v19, $0.0e+00;
	v15 =	vsub.f32 v15, v5  }
0x14d: {  	v23 =	vld [tilespmem:s11+$0x4FB0];
	v12 =	vadd.f32 v19, v12;
	v19 =	vmax.f32 v18, $0.0e+00;
	v14 =	vsub.f32 v14, v5  }
.Ltmp9:
0x14e: {  	v18 =	vld [tilespmem:s11+$0x4FC0];
	v8 =	vadd.f32 v19, v8;
	v19 =	vmax.f32 v15, $0.0e+00;
	v16 =	vsub.f32 v16, v5;
	(pc) =	sbr.rel @p0 .LBB2_20-.Ltmp9, $4  }
0x14f: {  	v15 =	vld [tilespmem:s11+$0x4FD0];
	v9 =	vadd.f32 v19, v9;
	v19 =	vmax.f32 v14, $0.0e+00;
	v17 =	vsub.f32 v17, v5  }
0x150: {  	v14 =	vld [tilespmem:s11+$0x4FE0];
	v22 =	vsub.f32 v22, v5;
	v7 =	vadd.f32 v19, v7;
	v19 =	vmax.f32 v16, $0.0e+00  }
0x151: {  	v20 =	vsub.f32 v21, v5;
	v16 =	vld [tilespmem:s11+$0x4FF0];
	v11 =	vadd.f32 v19, v11;
	v24 =	vmax.f32 v17, $0.0e+00  }
0x152: {  	v19 =	vsub.f32 v23, v5;
	v17 =	vld [tilespmem:s11+$0x5000];
	s11 =	sshra.s32 s12, $0x2;
	s12 =	sadd.s32 $0x200, s12;
	v21 =	vmax.f32 v22, $0.0e+00;
	v10 =	vadd.f32 v24, v10  }
0x153: {  	v22 =	vld [tilespmem:s11+$0x5010]  }
0x154: {  	v23 =	vld [tilespmem:s11+$0x4FA0]  }
0x155: {  	v24 =	vld [tilespmem:s11+$0x4FB0]  }
0x156: {  	v25 =	vld [tilespmem:s11+$0x4FC0]  }
0x157: {  	v26 =	vld [tilespmem:s11+$0x4FD0];
	v20 =	vmax.f32 v20, $0.0e+00;
	v18 =	vsub.f32 v18, v5;
	v6 =	vadd.f32 v21, v6  }
0x158: {  	v21 =	vld [tilespmem:s11+$0x4FE0];
	v13 =	vadd.f32 v20, v13;
	v19 =	vmax.f32 v19, $0.0e+00;
	v15 =	vsub.f32 v15, v5  }
0x159: {  	v20 =	vld [tilespmem:s11+$0x4FF0];
	v12 =	vadd.f32 v19, v12;
	v18 =	vmax.f32 v18, $0.0e+00;
	v14 =	vsub.f32 v14, v5  }
0x15a: {  	v19 =	vld [tilespmem:s11+$0x5000];
	v8 =	vadd.f32 v18, v8;
	v15 =	vmax.f32 v15, $0.0e+00;
	v16 =	vsub.f32 v16, v5  }
0x15b: {  	s13 =	simm.s32 $0x0;
	v18 =	vld [tilespmem:$0x9DB0];
	v9 =	vadd.f32 v15, v9;
	v14 =	vmax.f32 v14, $0.0e+00;
	v15 =	vsub.f32 v17, v5  }
0x15c: {  	v17 =	vld [tilespmem:$0x9DA0];
	[tilespmem:s2], [sflag:$0x3] =	stream.linear.gather [hbm4b:s18+s13], $0x4E20, $0x38;
	v7 =	vadd.f32 v14, v7;
	v14 =	vsub.f32 v22, v5;
	v16 =	vmax.f32 v16, $0.0e+00  }
0x15d: {  	_ =	swait.ge [sflag:s8], $0x4E20;
	v11 =	vadd.f32 v16, v11;
	v16 =	vsub.f32 v23, v5;
	v15 =	vmax.f32 v15, $0.0e+00  }
0x15e: {  	[sflag:s8] =	ssyncset.done $0x0;
	v10 =	vadd.f32 v15, v10;
	v15 =	vsub.f32 v24, v5;
	v14 =	vmax.f32 v14, $0.0e+00  }
0x15f: {  	[sflag:s8] =	ssyncadd.s32 $0xFFFFB1E0;
	v6 =	vadd.f32 v14, v6;
	v14 =	vmax.f32 v16, $0.0e+00;
	v16 =	vsub.f32 v25, v5  }
0x160: {  	v22 =	vld.idx.msk [tilespmem:v3+s31+$0x0], $0xffff;
	v13 =	vadd.f32 v14, v13;
	v14 =	vmax.f32 v15, $0.0e+00;
	v15 =	vsub.f32 v26, v5  }
0x161: {  	s13 =	simm.s32 $0x0;
	v12 =	vadd.f32 v14, v12;
	v14 =	vmax.f32 v16, $0.0e+00;
	v16 =	vsub.f32 v21, v5  }
0x162: {  	v8 =	vadd.f32 v14, v8;
	v14 =	vmax.f32 v15, $0.0e+00;
	v15 =	vsub.f32 v20, v5;
	v20 =	vld [tilespmem:s13+$0x9E30]  }
0x163: {  	v9 =	vadd.f32 v14, v9;
	v14 =	vmax.f32 v16, $0.0e+00;
	v16 =	vsub.f32 v19, v5;
	v19 =	vld [tilespmem:s13+$0x9DC0]  }
0x164: {  	v23 =	vld [tilespmem:s13+$0x9DD0];
	v21 =	vsub.f32 v18, v5;
	v7 =	vadd.f32 v14, v7;
	v14 =	vmax.f32 v15, $0.0e+00  }
0x165: {  	v18 =	vld [tilespmem:s13+$0x9DE0];
	v15 =	vmax.f32 v16, $0.0e+00;
	v16 =	vsub.f32 v17, v5;
	v5 =	vadd.f32 $-1.000000010e-01, v22  }
0x166: {  	v11 =	vadd.f32 v14, v11;
	v10 =	vadd.f32 v15, v10;
	v15 =	vld [tilespmem:s13+$0x9DF0]  }
0x167: {  	v17 =	vmax.f32 v21, $0.0e+00;
	v14 =	vld [tilespmem:s13+$0x9E00];
	v16 =	vmax.f32 v16, $0.0e+00;
	v21 =	vsub.f32 v20, v5  }
0x168: {  	v13 =	vadd.f32 v16, v13;
	v16 =	vld [tilespmem:s13+$0x9E10];
	v20 =	vsub.f32 v19, v5  }
0x169: {  	s12 =	simm.s32 $0x400;
	s11 =	simm.s32 $0x80;
	v12 =	vadd.f32 v17, v12;
	v17 =	vld [tilespmem:s13+$0x9E20];
	v19 =	vsub.f32 v23, v5;
	v21 =	vmax.f32 v21, $0.0e+00  }
.LBB2_22:
0x16a: {  	p0 =	sne.s32 s12, $0x13600;
	v22 =	vld [tilespmem:s11+$0x9E30];
	v20 =	vmax.f32 v20, $0.0e+00;
	v18 =	vsub.f32 v18, v5;
	v6 =	vadd.f32 v21, v6  }
0x16b: {  	v21 =	vld [tilespmem:s11+$0x9DC0];
	v13 =	vadd.f32 v20, v13;
	v19 =	vmax.f32 v19, $0.0e+00;
	v15 =	vsub.f32 v15, v5  }
0x16c: {  	v23 =	vld [tilespmem:s11+$0x9DD0];
	v12 =	vadd.f32 v19, v12;
	v19 =	vmax.f32 v18, $0.0e+00;
	v14 =	vsub.f32 v14, v5  }
.Ltmp10:
0x16d: {  	v18 =	vld [tilespmem:s11+$0x9DE0];
	v8 =	vadd.f32 v19, v8;
	v19 =	vmax.f32 v15, $0.0e+00;
	v16 =	vsub.f32 v16, v5;
	(pc) =	sbr.rel @p0 .LBB2_22-.Ltmp10, $4  }
0x16e: {  	v15 =	vld [tilespmem:s11+$0x9DF0];
	v9 =	vadd.f32 v19, v9;
	v19 =	vmax.f32 v14, $0.0e+00;
	v17 =	vsub.f32 v17, v5  }
0x16f: {  	v14 =	vld [tilespmem:s11+$0x9E00];
	v22 =	vsub.f32 v22, v5;
	v7 =	vadd.f32 v19, v7;
	v19 =	vmax.f32 v16, $0.0e+00  }
0x170: {  	v20 =	vsub.f32 v21, v5;
	v16 =	vld [tilespmem:s11+$0x9E10];
	v11 =	vadd.f32 v19, v11;
	v24 =	vmax.f32 v17, $0.0e+00  }
0x171: {  	v19 =	vsub.f32 v23, v5;
	v17 =	vld [tilespmem:s11+$0x9E20];
	s11 =	sshra.s32 s12, $0x2;
	s12 =	sadd.s32 $0x200, s12;
	v21 =	vmax.f32 v22, $0.0e+00;
	v10 =	vadd.f32 v24, v10  }
0x172: {  	v22 =	vld [tilespmem:s11+$0x9E30]  }
0x173: {  	v23 =	vld [tilespmem:s11+$0x9DC0]  }
0x174: {  	v24 =	vld [tilespmem:s11+$0x9DD0]  }
0x175: {  	v25 =	vld [tilespmem:s11+$0x9DE0]  }
0x176: {  	v26 =	vld [tilespmem:s11+$0x9DF0];
	v20 =	vmax.f32 v20, $0.0e+00;
	v18 =	vsub.f32 v18, v5;
	v6 =	vadd.f32 v21, v6  }
0x177: {  	v21 =	vld [tilespmem:s11+$0x9E00];
	v13 =	vadd.f32 v20, v13;
	v19 =	vmax.f32 v19, $0.0e+00;
	v15 =	vsub.f32 v15, v5  }
0x178: {  	v20 =	vld [tilespmem:s11+$0x9E10];
	v12 =	vadd.f32 v19, v12;
	v18 =	vmax.f32 v18, $0.0e+00;
	v14 =	vsub.f32 v14, v5  }
0x179: {  	v19 =	vld [tilespmem:s11+$0x9E20];
	v8 =	vadd.f32 v18, v8;
	v15 =	vmax.f32 v15, $0.0e+00;
	v16 =	vsub.f32 v16, v5  }
0x17a: {  	s13 =	simm.s32 $0x0;
	v18 =	vld [tilespmem:$0xEBD0];
	v9 =	vadd.f32 v15, v9;
	v14 =	vmax.f32 v14, $0.0e+00;
	v15 =	vsub.f32 v17, v5  }
0x17b: {  	v17 =	vld [tilespmem:$0xEBC0];
	[tilespmem:s29], [sflag:$0x4] =	stream.linear.gather [hbm4b:s19+s13], $0x4E20, $0x38;
	v7 =	vadd.f32 v14, v7;
	v14 =	vsub.f32 v22, v5;
	v16 =	vmax.f32 v16, $0.0e+00  }
0x17c: {  	_ =	swait.ge [sflag:s9], $0x4E20;
	v11 =	vadd.f32 v16, v11;
	v16 =	vsub.f32 v23, v5;
	v15 =	vmax.f32 v15, $0.0e+00  }
0x17d: {  	[sflag:s9] =	ssyncset.done $0x0;
	v10 =	vadd.f32 v15, v10;
	v15 =	vsub.f32 v24, v5;
	v14 =	vmax.f32 v14, $0.0e+00  }
0x17e: {  	[sflag:s9] =	ssyncadd.s32 $0xFFFFB1E0;
	v6 =	vadd.f32 v14, v6;
	v14 =	vmax.f32 v16, $0.0e+00;
	v16 =	vsub.f32 v25, v5  }
0x17f: {  	v22 =	vld.idx.msk [tilespmem:v3+s31+$0x0], $0xffff;
	v13 =	vadd.f32 v14, v13;
	v14 =	vmax.f32 v15, $0.0e+00;
	v15 =	vsub.f32 v26, v5  }
0x180: {  	s13 =	simm.s32 $0x0;
	v12 =	vadd.f32 v14, v12;
	v14 =	vmax.f32 v16, $0.0e+00;
	v16 =	vsub.f32 v21, v5  }
0x181: {  	v8 =	vadd.f32 v14, v8;
	v14 =	vmax.f32 v15, $0.0e+00;
	v15 =	vsub.f32 v20, v5;
	v20 =	vld [tilespmem:s13+$0xEC50]  }
0x182: {  	v9 =	vadd.f32 v14, v9;
	v14 =	vmax.f32 v16, $0.0e+00;
	v16 =	vsub.f32 v19, v5;
	v19 =	vld [tilespmem:s13+$0xEBE0]  }
0x183: {  	v23 =	vld [tilespmem:s13+$0xEBF0];
	v21 =	vsub.f32 v18, v5;
	v7 =	vadd.f32 v14, v7;
	v14 =	vmax.f32 v15, $0.0e+00  }
0x184: {  	v18 =	vld [tilespmem:s13+$0xEC00];
	v15 =	vmax.f32 v16, $0.0e+00;
	v16 =	vsub.f32 v17, v5;
	v5 =	vadd.f32 $-1.000000010e-01, v22  }
0x185: {  	v11 =	vadd.f32 v14, v11;
	v10 =	vadd.f32 v15, v10;
	v15 =	vld [tilespmem:s13+$0xEC10]  }
0x186: {  	v17 =	vmax.f32 v21, $0.0e+00;
	v14 =	vld [tilespmem:s13+$0xEC20];
	v16 =	vmax.f32 v16, $0.0e+00;
	v21 =	vsub.f32 v20, v5  }
0x187: {  	v13 =	vadd.f32 v16, v13;
	v16 =	vld [tilespmem:s13+$0xEC30];
	v20 =	vsub.f32 v19, v5  }
0x188: {  	s12 =	simm.s32 $0x400;
	s11 =	simm.s32 $0x80;
	v12 =	vadd.f32 v17, v12;
	v17 =	vld [tilespmem:s13+$0xEC40];
	v19 =	vsub.f32 v23, v5;
	v21 =	vmax.f32 v21, $0.0e+00  }
.LBB2_24:
0x189: {  	p0 =	sne.s32 s12, $0x13600;
	v22 =	vld [tilespmem:s11+$0xEC50];
	v20 =	vmax.f32 v20, $0.0e+00;
	v18 =	vsub.f32 v18, v5;
	v6 =	vadd.f32 v21, v6  }
0x18a: {  	v21 =	vld [tilespmem:s11+$0xEBE0];
	v13 =	vadd.f32 v20, v13;
	v19 =	vmax.f32 v19, $0.0e+00;
	v15 =	vsub.f32 v15, v5  }
0x18b: {  	v23 =	vld [tilespmem:s11+$0xEBF0];
	v12 =	vadd.f32 v19, v12;
	v19 =	vmax.f32 v18, $0.0e+00;
	v14 =	vsub.f32 v14, v5  }
.Ltmp11:
0x18c: {  	v18 =	vld [tilespmem:s11+$0xEC00];
	v8 =	vadd.f32 v19, v8;
	v19 =	vmax.f32 v15, $0.0e+00;
	v16 =	vsub.f32 v16, v5;
	(pc) =	sbr.rel @p0 .LBB2_24-.Ltmp11, $4  }
0x18d: {  	v15 =	vld [tilespmem:s11+$0xEC10];
	v9 =	vadd.f32 v19, v9;
	v19 =	vmax.f32 v14, $0.0e+00;
	v17 =	vsub.f32 v17, v5  }
0x18e: {  	v14 =	vld [tilespmem:s11+$0xEC20];
	v22 =	vsub.f32 v22, v5;
	v7 =	vadd.f32 v19, v7;
	v19 =	vmax.f32 v16, $0.0e+00  }
0x18f: {  	v20 =	vsub.f32 v21, v5;
	v16 =	vld [tilespmem:s11+$0xEC30];
	v11 =	vadd.f32 v19, v11;
	v24 =	vmax.f32 v17, $0.0e+00  }
0x190: {  	v19 =	vsub.f32 v23, v5;
	v17 =	vld [tilespmem:s11+$0xEC40];
	s11 =	sshra.s32 s12, $0x2;
	s12 =	sadd.s32 $0x200, s12;
	v21 =	vmax.f32 v22, $0.0e+00;
	v10 =	vadd.f32 v24, v10  }
0x191: {  	v22 =	vld [tilespmem:s11+$0xEC50]  }
0x192: {  	v23 =	vld [tilespmem:s11+$0xEBE0]  }
0x193: {  	v24 =	vld [tilespmem:s11+$0xEBF0]  }
0x194: {  	v25 =	vld [tilespmem:s11+$0xEC00]  }
0x195: {  	v26 =	vld [tilespmem:s11+$0xEC10];
	v20 =	vmax.f32 v20, $0.0e+00;
	v18 =	vsub.f32 v18, v5;
	v6 =	vadd.f32 v21, v6  }
0x196: {  	v21 =	vld [tilespmem:s11+$0xEC20];
	v13 =	vadd.f32 v20, v13;
	v19 =	vmax.f32 v19, $0.0e+00;
	v15 =	vsub.f32 v15, v5  }
0x197: {  	v20 =	vld [tilespmem:s11+$0xEC30];
	v12 =	vadd.f32 v19, v12;
	v18 =	vmax.f32 v18, $0.0e+00;
	v14 =	vsub.f32 v14, v5  }
0x198: {  	v19 =	vld [tilespmem:s11+$0xEC40];
	v8 =	vadd.f32 v18, v8;
	v15 =	vmax.f32 v15, $0.0e+00;
	v16 =	vsub.f32 v16, v5  }
0x199: {  	s13 =	simm.s32 $0x0;
	v18 =	vld [tilespmem:$0x139F0];
	v9 =	vadd.f32 v15, v9;
	v14 =	vmax.f32 v14, $0.0e+00;
	v15 =	vsub.f32 v17, v5  }
0x19a: {  	v17 =	vld [tilespmem:$0x139E0];
	[tilespmem:s30], [sflag:$0x5] =	stream.linear.gather [hbm4b:s20+s13], $0x4E20, $0x38;
	v7 =	vadd.f32 v14, v7;
	v14 =	vsub.f32 v22, v5;
	v16 =	vmax.f32 v16, $0.0e+00  }
0x19b: {  	_ =	swait.ge [sflag:s6], $0x4E20;
	v11 =	vadd.f32 v16, v11;
	v16 =	vsub.f32 v23, v5;
	v15 =	vmax.f32 v15, $0.0e+00  }
0x19c: {  	[sflag:s6] =	ssyncset.done $0x0;
	v10 =	vadd.f32 v15, v10;
	v15 =	vsub.f32 v24, v5;
	v14 =	vmax.f32 v14, $0.0e+00  }
0x19d: {  	[sflag:s6] =	ssyncadd.s32 $0xFFFFB1E0;
	v6 =	vadd.f32 v14, v6;
	v14 =	vmax.f32 v16, $0.0e+00;
	v16 =	vsub.f32 v25, v5  }
0x19e: {  	v22 =	vld.idx.msk [tilespmem:v3+s31+$0x0], $0xffff;
	v13 =	vadd.f32 v14, v13;
	v14 =	vmax.f32 v15, $0.0e+00;
	v15 =	vsub.f32 v26, v5  }
0x19f: {  	s13 =	simm.s32 $0x0;
	v12 =	vadd.f32 v14, v12;
	v14 =	vmax.f32 v16, $0.0e+00;
	v16 =	vsub.f32 v21, v5  }
0x1a0: {  	v8 =	vadd.f32 v14, v8;
	v14 =	vmax.f32 v15, $0.0e+00;
	v15 =	vsub.f32 v20, v5;
	v20 =	vld [tilespmem:s13+$0x1F0]  }
0x1a1: {  	v9 =	vadd.f32 v14, v9;
	v14 =	vmax.f32 v16, $0.0e+00;
	v16 =	vsub.f32 v19, v5;
	v19 =	vld [tilespmem:s13+$0x180]  }
0x1a2: {  	v23 =	vld [tilespmem:s13+$0x190];
	v21 =	vsub.f32 v18, v5;
	v7 =	vadd.f32 v14, v7;
	v14 =	vmax.f32 v15, $0.0e+00  }
0x1a3: {  	v18 =	vld [tilespmem:s13+$0x1A0];
	v15 =	vmax.f32 v16, $0.0e+00;
	v16 =	vsub.f32 v17, v5;
	v5 =	vadd.f32 $-1.000000010e-01, v22  }
0x1a4: {  	v11 =	vadd.f32 v14, v11;
	v10 =	vadd.f32 v15, v10;
	v15 =	vld [tilespmem:s13+$0x1B0]  }
0x1a5: {  	v17 =	vmax.f32 v21, $0.0e+00;
	v14 =	vld [tilespmem:s13+$0x1C0];
	v16 =	vmax.f32 v16, $0.0e+00;
	v21 =	vsub.f32 v20, v5  }
0x1a6: {  	v13 =	vadd.f32 v16, v13;
	v16 =	vld [tilespmem:s13+$0x1D0];
	v20 =	vsub.f32 v19, v5  }
0x1a7: {  	s12 =	simm.s32 $0x400;
	s11 =	simm.s32 $0x80;
	v12 =	vadd.f32 v17, v12;
	v17 =	vld [tilespmem:s13+$0x1E0];
	v19 =	vsub.f32 v23, v5;
	v21 =	vmax.f32 v21, $0.0e+00  }
.LBB2_26:
0x1a8: {  	p0 =	sne.s32 s12, $0x13600;
	v22 =	vld [tilespmem:s11+$0x1F0];
	v20 =	vmax.f32 v20, $0.0e+00;
	v18 =	vsub.f32 v18, v5;
	v6 =	vadd.f32 v21, v6  }
0x1a9: {  	v21 =	vld [tilespmem:s11+$0x180];
	v13 =	vadd.f32 v20, v13;
	v19 =	vmax.f32 v19, $0.0e+00;
	v15 =	vsub.f32 v15, v5  }
0x1aa: {  	v23 =	vld [tilespmem:s11+$0x190];
	v12 =	vadd.f32 v19, v12;
	v19 =	vmax.f32 v18, $0.0e+00;
	v14 =	vsub.f32 v14, v5  }
.Ltmp12:
0x1ab: {  	v18 =	vld [tilespmem:s11+$0x1A0];
	v8 =	vadd.f32 v19, v8;
	v19 =	vmax.f32 v15, $0.0e+00;
	v16 =	vsub.f32 v16, v5;
	(pc) =	sbr.rel @p0 .LBB2_26-.Ltmp12, $4  }
0x1ac: {  	v15 =	vld [tilespmem:s11+$0x1B0];
	v9 =	vadd.f32 v19, v9;
	v19 =	vmax.f32 v14, $0.0e+00;
	v17 =	vsub.f32 v17, v5  }
0x1ad: {  	v14 =	vld [tilespmem:s11+$0x1C0];
	v22 =	vsub.f32 v22, v5;
	v7 =	vadd.f32 v19, v7;
	v19 =	vmax.f32 v16, $0.0e+00  }
0x1ae: {  	v20 =	vsub.f32 v21, v5;
	v16 =	vld [tilespmem:s11+$0x1D0];
	v11 =	vadd.f32 v19, v11;
	v24 =	vmax.f32 v17, $0.0e+00  }
0x1af: {  	v19 =	vsub.f32 v23, v5;
	v17 =	vld [tilespmem:s11+$0x1E0];
	s11 =	sshra.s32 s12, $0x2;
	s12 =	sadd.s32 $0x200, s12;
	v21 =	vmax.f32 v22, $0.0e+00;
	v10 =	vadd.f32 v24, v10  }
0x1b0: {  	v22 =	vld [tilespmem:s11+$0x1F0]  }
0x1b1: {  	v23 =	vld [tilespmem:s11+$0x180]  }
0x1b2: {  	v24 =	vld [tilespmem:s11+$0x190]  }
0x1b3: {  	v25 =	vld [tilespmem:s11+$0x1A0]  }
0x1b4: {  	v26 =	vld [tilespmem:s11+$0x1B0];
	v20 =	vmax.f32 v20, $0.0e+00;
	v18 =	vsub.f32 v18, v5;
	v6 =	vadd.f32 v21, v6  }
0x1b5: {  	v21 =	vld [tilespmem:s11+$0x1C0];
	v13 =	vadd.f32 v20, v13;
	v19 =	vmax.f32 v19, $0.0e+00;
	v15 =	vsub.f32 v15, v5  }
0x1b6: {  	v20 =	vld [tilespmem:s11+$0x1D0];
	v12 =	vadd.f32 v19, v12;
	v18 =	vmax.f32 v18, $0.0e+00;
	v14 =	vsub.f32 v14, v5  }
0x1b7: {  	v19 =	vld [tilespmem:s11+$0x1E0];
	v8 =	vadd.f32 v18, v8;
	v15 =	vmax.f32 v15, $0.0e+00;
	v16 =	vsub.f32 v16, v5  }
0x1b8: {  	s13 =	simm.s32 $0x0;
	v18 =	vld [tilespmem:$0x4F90];
	v9 =	vadd.f32 v15, v9;
	v14 =	vmax.f32 v14, $0.0e+00;
	v15 =	vsub.f32 v17, v5  }
0x1b9: {  	v17 =	vld [tilespmem:$0x4F80];
	[tilespmem:s0], [sflag:$0x2] =	stream.linear.gather [hbm4b:s21+s13], $0x4E20, $0x38;
	v7 =	vadd.f32 v14, v7;
	v14 =	vsub.f32 v22, v5;
	v16 =	vmax.f32 v16, $0.0e+00  }
0x1ba: {  	_ =	swait.ge [sflag:s7], $0x4E20;
	v11 =	vadd.f32 v16, v11;
	v16 =	vsub.f32 v23, v5;
	v15 =	vmax.f32 v15, $0.0e+00  }
0x1bb: {  	[sflag:s7] =	ssyncset.done $0x0;
	v10 =	vadd.f32 v15, v10;
	v15 =	vsub.f32 v24, v5;
	v14 =	vmax.f32 v14, $0.0e+00  }
0x1bc: {  	[sflag:s7] =	ssyncadd.s32 $0xFFFFB1E0;
	v6 =	vadd.f32 v14, v6;
	v14 =	vmax.f32 v16, $0.0e+00;
	v16 =	vsub.f32 v25, v5  }
0x1bd: {  	v22 =	vld.idx.msk [tilespmem:v3+s31+$0x0], $0xffff;
	v13 =	vadd.f32 v14, v13;
	v14 =	vmax.f32 v15, $0.0e+00;
	v15 =	vsub.f32 v26, v5  }
0x1be: {  	s13 =	simm.s32 $0x0;
	v12 =	vadd.f32 v14, v12;
	v14 =	vmax.f32 v16, $0.0e+00;
	v16 =	vsub.f32 v21, v5  }
0x1bf: {  	v8 =	vadd.f32 v14, v8;
	v14 =	vmax.f32 v15, $0.0e+00;
	v15 =	vsub.f32 v20, v5;
	v20 =	vld [tilespmem:s13+$0x5010]  }
0x1c0: {  	v9 =	vadd.f32 v14, v9;
	v14 =	vmax.f32 v16, $0.0e+00;
	v16 =	vsub.f32 v19, v5;
	v19 =	vld [tilespmem:s13+$0x4FA0]  }
0x1c1: {  	v23 =	vld [tilespmem:s13+$0x4FB0];
	v21 =	vsub.f32 v18, v5;
	v7 =	vadd.f32 v14, v7;
	v14 =	vmax.f32 v15, $0.0e+00  }
0x1c2: {  	v18 =	vld [tilespmem:s13+$0x4FC0];
	v15 =	vmax.f32 v16, $0.0e+00;
	v16 =	vsub.f32 v17, v5;
	v5 =	vadd.f32 $-1.000000010e-01, v22  }
0x1c3: {  	v11 =	vadd.f32 v14, v11;
	v10 =	vadd.f32 v15, v10;
	v15 =	vld [tilespmem:s13+$0x4FD0]  }
0x1c4: {  	v17 =	vmax.f32 v21, $0.0e+00;
	v14 =	vld [tilespmem:s13+$0x4FE0];
	v16 =	vmax.f32 v16, $0.0e+00;
	v21 =	vsub.f32 v20, v5  }
0x1c5: {  	v13 =	vadd.f32 v16, v13;
	v16 =	vld [tilespmem:s13+$0x4FF0];
	v20 =	vsub.f32 v19, v5  }
0x1c6: {  	s12 =	simm.s32 $0x400;
	s11 =	simm.s32 $0x80;
	v12 =	vadd.f32 v17, v12;
	v17 =	vld [tilespmem:s13+$0x5000];
	v19 =	vsub.f32 v23, v5;
	v21 =	vmax.f32 v21, $0.0e+00  }
.LBB2_28:
0x1c7: {  	p0 =	sne.s32 s12, $0x13600;
	v22 =	vld [tilespmem:s11+$0x5010];
	v20 =	vmax.f32 v20, $0.0e+00;
	v18 =	vsub.f32 v18, v5;
	v6 =	vadd.f32 v21, v6  }
0x1c8: {  	v21 =	vld [tilespmem:s11+$0x4FA0];
	v13 =	vadd.f32 v20, v13;
	v19 =	vmax.f32 v19, $0.0e+00;
	v15 =	vsub.f32 v15, v5  }
0x1c9: {  	v23 =	vld [tilespmem:s11+$0x4FB0];
	v12 =	vadd.f32 v19, v12;
	v19 =	vmax.f32 v18, $0.0e+00;
	v14 =	vsub.f32 v14, v5  }
.Ltmp13:
0x1ca: {  	v18 =	vld [tilespmem:s11+$0x4FC0];
	v8 =	vadd.f32 v19, v8;
	v19 =	vmax.f32 v15, $0.0e+00;
	v16 =	vsub.f32 v16, v5;
	(pc) =	sbr.rel @p0 .LBB2_28-.Ltmp13, $4  }
0x1cb: {  	v15 =	vld [tilespmem:s11+$0x4FD0];
	v9 =	vadd.f32 v19, v9;
	v19 =	vmax.f32 v14, $0.0e+00;
	v17 =	vsub.f32 v17, v5  }
0x1cc: {  	v14 =	vld [tilespmem:s11+$0x4FE0];
	v22 =	vsub.f32 v22, v5;
	v7 =	vadd.f32 v19, v7;
	v19 =	vmax.f32 v16, $0.0e+00  }
0x1cd: {  	v20 =	vsub.f32 v21, v5;
	v16 =	vld [tilespmem:s11+$0x4FF0];
	v11 =	vadd.f32 v19, v11;
	v24 =	vmax.f32 v17, $0.0e+00  }
0x1ce: {  	v19 =	vsub.f32 v23, v5;
	v17 =	vld [tilespmem:s11+$0x5000];
	s11 =	sshra.s32 s12, $0x2;
	s12 =	sadd.s32 $0x200, s12;
	v21 =	vmax.f32 v22, $0.0e+00;
	v10 =	vadd.f32 v24, v10  }
0x1cf: {  	v22 =	vld [tilespmem:s11+$0x5010]  }
0x1d0: {  	v23 =	vld [tilespmem:s11+$0x4FA0]  }
0x1d1: {  	v24 =	vld [tilespmem:s11+$0x4FB0]  }
0x1d2: {  	v25 =	vld [tilespmem:s11+$0x4FC0]  }
0x1d3: {  	v26 =	vld [tilespmem:s11+$0x4FD0];
	v20 =	vmax.f32 v20, $0.0e+00;
	v18 =	vsub.f32 v18, v5;
	v6 =	vadd.f32 v21, v6  }
0x1d4: {  	v21 =	vld [tilespmem:s11+$0x4FE0];
	v13 =	vadd.f32 v20, v13;
	v19 =	vmax.f32 v19, $0.0e+00;
	v15 =	vsub.f32 v15, v5  }
0x1d5: {  	v20 =	vld [tilespmem:s11+$0x4FF0];
	v12 =	vadd.f32 v19, v12;
	v18 =	vmax.f32 v18, $0.0e+00;
	v14 =	vsub.f32 v14, v5  }
0x1d6: {  	v19 =	vld [tilespmem:s11+$0x5000];
	v8 =	vadd.f32 v18, v8;
	v15 =	vmax.f32 v15, $0.0e+00;
	v16 =	vsub.f32 v16, v5  }
0x1d7: {  	s13 =	simm.s32 $0x0;
	v18 =	vld [tilespmem:$0x9DB0];
	v9 =	vadd.f32 v15, v9;
	v14 =	vmax.f32 v14, $0.0e+00;
	v15 =	vsub.f32 v17, v5  }
0x1d8: {  	v17 =	vld [tilespmem:$0x9DA0];
	[tilespmem:s2], [sflag:$0x3] =	stream.linear.gather [hbm4b:s23+s13], $0x4E20, $0x38;
	v7 =	vadd.f32 v14, v7;
	v14 =	vsub.f32 v22, v5;
	v16 =	vmax.f32 v16, $0.0e+00  }
0x1d9: {  	_ =	swait.ge [sflag:s8], $0x4E20;
	v11 =	vadd.f32 v16, v11;
	v16 =	vsub.f32 v23, v5;
	v15 =	vmax.f32 v15, $0.0e+00  }
0x1da: {  	[sflag:s8] =	ssyncset.done $0x0;
	v10 =	vadd.f32 v15, v10;
	v15 =	vsub.f32 v24, v5;
	v14 =	vmax.f32 v14, $0.0e+00  }
0x1db: {  	[sflag:s8] =	ssyncadd.s32 $0xFFFFB1E0;
	v6 =	vadd.f32 v14, v6;
	v14 =	vmax.f32 v16, $0.0e+00;
	v16 =	vsub.f32 v25, v5  }
0x1dc: {  	v22 =	vld.idx.msk [tilespmem:v3+s31+$0x0], $0xffff;
	v13 =	vadd.f32 v14, v13;
	v14 =	vmax.f32 v15, $0.0e+00;
	v15 =	vsub.f32 v26, v5  }
0x1dd: {  	s13 =	simm.s32 $0x0;
	v12 =	vadd.f32 v14, v12;
	v14 =	vmax.f32 v16, $0.0e+00;
	v16 =	vsub.f32 v21, v5  }
0x1de: {  	v8 =	vadd.f32 v14, v8;
	v14 =	vmax.f32 v15, $0.0e+00;
	v15 =	vsub.f32 v20, v5;
	v20 =	vld [tilespmem:s13+$0x9E30]  }
0x1df: {  	v9 =	vadd.f32 v14, v9;
	v14 =	vmax.f32 v16, $0.0e+00;
	v16 =	vsub.f32 v19, v5;
	v19 =	vld [tilespmem:s13+$0x9DC0]  }
0x1e0: {  	v23 =	vld [tilespmem:s13+$0x9DD0];
	v21 =	vsub.f32 v18, v5;
	v7 =	vadd.f32 v14, v7;
	v14 =	vmax.f32 v15, $0.0e+00  }
0x1e1: {  	v18 =	vld [tilespmem:s13+$0x9DE0];
	v15 =	vmax.f32 v16, $0.0e+00;
	v16 =	vsub.f32 v17, v5;
	v5 =	vadd.f32 $-1.000000010e-01, v22  }
0x1e2: {  	v11 =	vadd.f32 v14, v11;
	v10 =	vadd.f32 v15, v10;
	v15 =	vld [tilespmem:s13+$0x9DF0]  }
0x1e3: {  	v17 =	vmax.f32 v21, $0.0e+00;
	v14 =	vld [tilespmem:s13+$0x9E00];
	v16 =	vmax.f32 v16, $0.0e+00;
	v21 =	vsub.f32 v20, v5  }
0x1e4: {  	v13 =	vadd.f32 v16, v13;
	v16 =	vld [tilespmem:s13+$0x9E10];
	v20 =	vsub.f32 v19, v5  }
0x1e5: {  	s12 =	simm.s32 $0x400;
	s11 =	simm.s32 $0x80;
	v12 =	vadd.f32 v17, v12;
	v17 =	vld [tilespmem:s13+$0x9E20];
	v19 =	vsub.f32 v23, v5;
	v21 =	vmax.f32 v21, $0.0e+00  }
.LBB2_30:
0x1e6: {  	p0 =	sne.s32 s12, $0x13600;
	v22 =	vld [tilespmem:s11+$0x9E30];
	v20 =	vmax.f32 v20, $0.0e+00;
	v18 =	vsub.f32 v18, v5;
	v6 =	vadd.f32 v21, v6  }
0x1e7: {  	v21 =	vld [tilespmem:s11+$0x9DC0];
	v13 =	vadd.f32 v20, v13;
	v19 =	vmax.f32 v19, $0.0e+00;
	v15 =	vsub.f32 v15, v5  }
0x1e8: {  	v23 =	vld [tilespmem:s11+$0x9DD0];
	v12 =	vadd.f32 v19, v12;
	v19 =	vmax.f32 v18, $0.0e+00;
	v14 =	vsub.f32 v14, v5  }
.Ltmp14:
0x1e9: {  	v18 =	vld [tilespmem:s11+$0x9DE0];
	v8 =	vadd.f32 v19, v8;
	v19 =	vmax.f32 v15, $0.0e+00;
	v16 =	vsub.f32 v16, v5;
	(pc) =	sbr.rel @p0 .LBB2_30-.Ltmp14, $4  }
0x1ea: {  	v15 =	vld [tilespmem:s11+$0x9DF0];
	v9 =	vadd.f32 v19, v9;
	v19 =	vmax.f32 v14, $0.0e+00;
	v17 =	vsub.f32 v17, v5  }
0x1eb: {  	v14 =	vld [tilespmem:s11+$0x9E00];
	v22 =	vsub.f32 v22, v5;
	v7 =	vadd.f32 v19, v7;
	v19 =	vmax.f32 v16, $0.0e+00  }
0x1ec: {  	v20 =	vsub.f32 v21, v5;
	v16 =	vld [tilespmem:s11+$0x9E10];
	v11 =	vadd.f32 v19, v11;
	v24 =	vmax.f32 v17, $0.0e+00  }
0x1ed: {  	v19 =	vsub.f32 v23, v5;
	v17 =	vld [tilespmem:s11+$0x9E20];
	s11 =	sshra.s32 s12, $0x2;
	s12 =	sadd.s32 $0x200, s12;
	v21 =	vmax.f32 v22, $0.0e+00;
	v10 =	vadd.f32 v24, v10  }
0x1ee: {  	v22 =	vld [tilespmem:s11+$0x9E30]  }
0x1ef: {  	v23 =	vld [tilespmem:s11+$0x9DC0]  }
0x1f0: {  	v24 =	vld [tilespmem:s11+$0x9DD0]  }
0x1f1: {  	v25 =	vld [tilespmem:s11+$0x9DE0]  }
0x1f2: {  	v26 =	vld [tilespmem:s11+$0x9DF0];
	v20 =	vmax.f32 v20, $0.0e+00;
	v18 =	vsub.f32 v18, v5;
	v6 =	vadd.f32 v21, v6  }
0x1f3: {  	v21 =	vld [tilespmem:s11+$0x9E00];
	v13 =	vadd.f32 v20, v13;
	v19 =	vmax.f32 v19, $0.0e+00;
	v15 =	vsub.f32 v15, v5  }
0x1f4: {  	v20 =	vld [tilespmem:s11+$0x9E10];
	v12 =	vadd.f32 v19, v12;
	v18 =	vmax.f32 v18, $0.0e+00;
	v14 =	vsub.f32 v14, v5  }
0x1f5: {  	v19 =	vld [tilespmem:s11+$0x9E20];
	v8 =	vadd.f32 v18, v8;
	v15 =	vmax.f32 v15, $0.0e+00;
	v16 =	vsub.f32 v16, v5  }
0x1f6: {  	s13 =	simm.s32 $0x0;
	v18 =	vld [tilespmem:$0xEBD0];
	v9 =	vadd.f32 v15, v9;
	v14 =	vmax.f32 v14, $0.0e+00;
	v15 =	vsub.f32 v17, v5  }
0x1f7: {  	v17 =	vld [tilespmem:$0xEBC0];
	[tilespmem:s29], [sflag:$0x4] =	stream.linear.gather [hbm4b:s25+s13], $0x4E20, $0x38;
	v7 =	vadd.f32 v14, v7;
	v14 =	vsub.f32 v22, v5;
	v16 =	vmax.f32 v16, $0.0e+00  }
0x1f8: {  	_ =	swait.ge [sflag:s9], $0x4E20;
	v11 =	vadd.f32 v16, v11;
	v16 =	vsub.f32 v23, v5;
	v15 =	vmax.f32 v15, $0.0e+00  }
0x1f9: {  	[sflag:s9] =	ssyncset.done $0x0;
	v10 =	vadd.f32 v15, v10;
	v15 =	vsub.f32 v24, v5;
	v14 =	vmax.f32 v14, $0.0e+00  }
0x1fa: {  	[sflag:s9] =	ssyncadd.s32 $0xFFFFB1E0;
	v6 =	vadd.f32 v14, v6;
	v14 =	vmax.f32 v16, $0.0e+00;
	v16 =	vsub.f32 v25, v5  }
0x1fb: {  	v22 =	vld.idx.msk [tilespmem:v4+s31+$0x0], $0xffff;
	v13 =	vadd.f32 v14, v13;
	v14 =	vmax.f32 v15, $0.0e+00;
	v15 =	vsub.f32 v26, v5  }
0x1fc: {  	s13 =	simm.s32 $0x0;
	v12 =	vadd.f32 v14, v12;
	v14 =	vmax.f32 v16, $0.0e+00;
	v16 =	vsub.f32 v21, v5  }
0x1fd: {  	v8 =	vadd.f32 v14, v8;
	v14 =	vmax.f32 v15, $0.0e+00;
	v15 =	vsub.f32 v20, v5;
	v20 =	vld [tilespmem:s13+$0xEC50]  }
0x1fe: {  	v9 =	vadd.f32 v14, v9;
	v14 =	vmax.f32 v16, $0.0e+00;
	v16 =	vsub.f32 v19, v5;
	v19 =	vld [tilespmem:s13+$0xEBE0]  }
0x1ff: {  	v23 =	vld [tilespmem:s13+$0xEBF0];
	v21 =	vsub.f32 v18, v5;
	v7 =	vadd.f32 v14, v7;
	v14 =	vmax.f32 v15, $0.0e+00  }
0x200: {  	v18 =	vld [tilespmem:s13+$0xEC00];
	v15 =	vmax.f32 v16, $0.0e+00;
	v16 =	vsub.f32 v17, v5;
	v5 =	vadd.f32 $-1.000000010e-01, v22  }
0x201: {  	v11 =	vadd.f32 v14, v11;
	v10 =	vadd.f32 v15, v10;
	v15 =	vld [tilespmem:s13+$0xEC10]  }
0x202: {  	v17 =	vmax.f32 v21, $0.0e+00;
	v14 =	vld [tilespmem:s13+$0xEC20];
	v16 =	vmax.f32 v16, $0.0e+00;
	v21 =	vsub.f32 v20, v5  }
0x203: {  	v13 =	vadd.f32 v16, v13;
	v16 =	vld [tilespmem:s13+$0xEC30];
	v20 =	vsub.f32 v19, v5  }
0x204: {  	s12 =	simm.s32 $0x400;
	s11 =	simm.s32 $0x80;
	v12 =	vadd.f32 v17, v12;
	v17 =	vld [tilespmem:s13+$0xEC40];
	v19 =	vsub.f32 v23, v5;
	v21 =	vmax.f32 v21, $0.0e+00  }
.LBB2_32:
0x205: {  	p0 =	sne.s32 s12, $0x13600;
	v22 =	vld [tilespmem:s11+$0xEC50];
	v20 =	vmax.f32 v20, $0.0e+00;
	v18 =	vsub.f32 v18, v5;
	v6 =	vadd.f32 v21, v6  }
0x206: {  	v21 =	vld [tilespmem:s11+$0xEBE0];
	v13 =	vadd.f32 v20, v13;
	v19 =	vmax.f32 v19, $0.0e+00;
	v15 =	vsub.f32 v15, v5  }
0x207: {  	v23 =	vld [tilespmem:s11+$0xEBF0];
	v12 =	vadd.f32 v19, v12;
	v19 =	vmax.f32 v18, $0.0e+00;
	v14 =	vsub.f32 v14, v5  }
.Ltmp15:
0x208: {  	v18 =	vld [tilespmem:s11+$0xEC00];
	v8 =	vadd.f32 v19, v8;
	v19 =	vmax.f32 v15, $0.0e+00;
	v16 =	vsub.f32 v16, v5;
	(pc) =	sbr.rel @p0 .LBB2_32-.Ltmp15, $4  }
0x209: {  	v15 =	vld [tilespmem:s11+$0xEC10];
	v9 =	vadd.f32 v19, v9;
	v19 =	vmax.f32 v14, $0.0e+00;
	v17 =	vsub.f32 v17, v5  }
0x20a: {  	v14 =	vld [tilespmem:s11+$0xEC20];
	v22 =	vsub.f32 v22, v5;
	v7 =	vadd.f32 v19, v7;
	v19 =	vmax.f32 v16, $0.0e+00  }
0x20b: {  	v20 =	vsub.f32 v21, v5;
	v16 =	vld [tilespmem:s11+$0xEC30];
	v11 =	vadd.f32 v19, v11;
	v24 =	vmax.f32 v17, $0.0e+00  }
0x20c: {  	v19 =	vsub.f32 v23, v5;
	v17 =	vld [tilespmem:s11+$0xEC40];
	s11 =	sshra.s32 s12, $0x2;
	s12 =	sadd.s32 $0x200, s12;
	v21 =	vmax.f32 v22, $0.0e+00;
	v10 =	vadd.f32 v24, v10  }
0x20d: {  	v22 =	vld [tilespmem:s11+$0xEC50]  }
0x20e: {  	v23 =	vld [tilespmem:s11+$0xEBE0]  }
0x20f: {  	v24 =	vld [tilespmem:s11+$0xEBF0]  }
0x210: {  	v25 =	vld [tilespmem:s11+$0xEC00];
	v20 =	vmax.f32 v20, $0.0e+00;
	v18 =	vsub.f32 v18, v5;
	v6 =	vadd.f32 v21, v6  }
0x211: {  	v26 =	vld [tilespmem:s11+$0xEC10];
	v13 =	vadd.f32 v20, v13;
	v19 =	vmax.f32 v19, $0.0e+00;
	v15 =	vsub.f32 v15, v5  }
0x212: {  	v20 =	vld [tilespmem:s11+$0xEC30];
	v12 =	vadd.f32 v19, v12;
	v14 =	vsub.f32 v14, v5  }
0x213: {  	v21 =	vld [tilespmem:s11+$0xEC20];
	v18 =	vmax.f32 v18, $0.0e+00;
	v15 =	vmax.f32 v15, $0.0e+00;
	v16 =	vsub.f32 v16, v5  }
0x214: {  	v19 =	vld [tilespmem:s11+$0xEC40];
	v8 =	vadd.f32 v18, v8;
	v15 =	vadd.f32 v15, v9;
	v9 =	vmax.f32 v14, $0.0e+00  }
0x215: {  	s13 =	simm.s32 $0x0;
	v18 =	vld [tilespmem:$0x139F0];
	v14 =	vsub.f32 v17, v5;
	v7 =	vadd.f32 v9, v7;
	v16 =	vmax.f32 v16, $0.0e+00  }
0x216: {  	v17 =	vld [tilespmem:$0x139E0];
	[tilespmem:s30], [sflag:$0x5] =	stream.linear.gather [hbm4b:s26+s13], $0x4E20, $0x38;
	v9 =	vsub.f32 v22, v5;
	v11 =	vadd.f32 v16, v11  }
0x217: {  	_ =	swait.ge [sflag:s6], $0x4E20;
	v16 =	vsub.f32 v23, v5;
	v14 =	vmax.f32 v14, $0.0e+00;
	v20 =	vsub.f32 v20, v5  }
0x218: {  	[sflag:s6] =	ssyncset.done $0x0;
	v14 =	vadd.f32 v14, v10;
	v10 =	vsub.f32 v24, v5;
	v9 =	vmax.f32 v9, $0.0e+00  }
0x219: {  	[sflag:s6] =	ssyncadd.s32 $0xFFFFB1E0;
	v6 =	vadd.f32 v9, v6;
	v9 =	vmax.f32 v16, $0.0e+00;
	v16 =	vsub.f32 v25, v5  }
0x21a: {  	v22 =	vld.idx.msk [tilespmem:v4+s31+$0x0], $0xffff;
	v13 =	vadd.f32 v9, v13;
	v9 =	vmax.f32 v10, $0.0e+00;
	v10 =	vsub.f32 v26, v5  }
0x21b: {  	s13 =	simm.s32 $0x0;
	v12 =	vadd.f32 v9, v12;
	v9 =	vmax.f32 v16, $0.0e+00;
	v16 =	vsub.f32 v21, v5  }
0x21c: {  	v17 =	vsub.f32 v17, v5;
	v21 =	vld [tilespmem:s13+$0x1F0];
	v9 =	vadd.f32 v9, v8;
	v8 =	vmax.f32 v10, $0.0e+00  }
0x21d: {  	v10 =	vadd.f32 v8, v15;
	v8 =	vmax.f32 v16, $0.0e+00;
	v15 =	vsub.f32 v19, v5;
	v19 =	vld [tilespmem:s13+$0x180]  }
0x21e: {  	v23 =	vld [tilespmem:s13+$0x190];
	v16 =	vsub.f32 v18, v5;
	v7 =	vadd.f32 v8, v7  }
0x21f: {  	v18 =	vld [tilespmem:s13+$0x1A0];
	v8 =	vmax.f32 v20, $0.0e+00;
	v5 =	vadd.f32 $-1.000000010e-01, v22;
	v15 =	vmax.f32 v15, $0.0e+00  }
0x220: {  	v11 =	vadd.f32 v8, v11;
	v8 =	vadd.f32 v15, v14;
	v15 =	vld [tilespmem:s13+$0x1B0]  }
0x221: {  	v16 =	vmax.f32 v16, $0.0e+00;
	v14 =	vld [tilespmem:s13+$0x1C0];
	v21 =	vsub.f32 v21, v5  }
0x222: {  	v17 =	vmax.f32 v17, $0.0e+00;
	v12 =	vadd.f32 v16, v12;
	v16 =	vld [tilespmem:s13+$0x1D0];
	v20 =	vsub.f32 v19, v5  }
0x223: {  	s12 =	simm.s32 $0x400;
	s11 =	simm.s32 $0x80;
	v13 =	vadd.f32 v17, v13;
	v17 =	vld [tilespmem:s13+$0x1E0];
	v19 =	vsub.f32 v23, v5;
	v21 =	vmax.f32 v21, $0.0e+00  }
.LBB2_34:
0x224: {  	p0 =	sne.s32 s12, $0x13600;
	v22 =	vld [tilespmem:s11+$0x1F0];
	v20 =	vmax.f32 v20, $0.0e+00;
	v18 =	vsub.f32 v18, v5;
	v6 =	vadd.f32 v21, v6  }
0x225: {  	v21 =	vld [tilespmem:s11+$0x180];
	v13 =	vadd.f32 v20, v13;
	v19 =	vmax.f32 v19, $0.0e+00;
	v15 =	vsub.f32 v15, v5  }
0x226: {  	v23 =	vld [tilespmem:s11+$0x190];
	v12 =	vadd.f32 v19, v12;
	v19 =	vmax.f32 v18, $0.0e+00;
	v14 =	vsub.f32 v14, v5  }
.Ltmp16:
0x227: {  	v18 =	vld [tilespmem:s11+$0x1A0];
	v9 =	vadd.f32 v19, v9;
	v19 =	vmax.f32 v15, $0.0e+00;
	v16 =	vsub.f32 v16, v5;
	(pc) =	sbr.rel @p0 .LBB2_34-.Ltmp16, $4  }
0x228: {  	v15 =	vld [tilespmem:s11+$0x1B0];
	v10 =	vadd.f32 v19, v10;
	v19 =	vmax.f32 v14, $0.0e+00;
	v17 =	vsub.f32 v17, v5  }
0x229: {  	v14 =	vld [tilespmem:s11+$0x1C0];
	v22 =	vsub.f32 v22, v5;
	v7 =	vadd.f32 v19, v7;
	v19 =	vmax.f32 v16, $0.0e+00  }
0x22a: {  	v20 =	vsub.f32 v21, v5;
	v16 =	vld [tilespmem:s11+$0x1D0];
	v11 =	vadd.f32 v19, v11;
	v24 =	vmax.f32 v17, $0.0e+00  }
0x22b: {  	v19 =	vsub.f32 v23, v5;
	v17 =	vld [tilespmem:s11+$0x1E0];
	s11 =	sshra.s32 s12, $0x2;
	s12 =	sadd.s32 $0x200, s12;
	v21 =	vmax.f32 v22, $0.0e+00;
	v8 =	vadd.f32 v24, v8  }
0x22c: {  	v22 =	vld [tilespmem:s11+$0x1F0]  }
0x22d: {  	v23 =	vld [tilespmem:s11+$0x180];
	v20 =	vmax.f32 v20, $0.0e+00;
	v18 =	vsub.f32 v18, v5;
	v6 =	vadd.f32 v21, v6  }
0x22e: {  	v21 =	vld [tilespmem:s11+$0x190];
	v13 =	vadd.f32 v20, v13;
	v19 =	vmax.f32 v19, $0.0e+00;
	v15 =	vsub.f32 v15, v5  }
0x22f: {  	v20 =	vld [tilespmem:s11+$0x1A0];
	v12 =	vadd.f32 v19, v12;
	v18 =	vmax.f32 v18, $0.0e+00;
	v14 =	vsub.f32 v14, v5  }
0x230: {  	v19 =	vld [tilespmem:s11+$0x1B0];
	v9 =	vadd.f32 v18, v9;
	v15 =	vmax.f32 v15, $0.0e+00;
	v16 =	vsub.f32 v16, v5  }
0x231: {  	v25 =	vld [tilespmem:$0x4F90];
	v10 =	vadd.f32 v15, v10;
	v14 =	vmax.f32 v14, $0.0e+00;
	v15 =	vsub.f32 v17, v5  }
0x232: {  	v18 =	vld [tilespmem:s11+$0x1C0];
	v22 =	vsub.f32 v22, v5;
	v7 =	vadd.f32 v14, v7;
	v14 =	vmax.f32 v16, $0.0e+00  }
0x233: {  	v17 =	vld [tilespmem:s11+$0x1D0];
	v23 =	vsub.f32 v23, v5;
	v14 =	vadd.f32 v14, v11;
	v11 =	vmax.f32 v15, $0.0e+00  }
0x234: {  	v16 =	vld [tilespmem:s11+$0x1E0];
	v21 =	vsub.f32 v21, v5;
	v22 =	vmax.f32 v22, $0.0e+00;
	v24 =	vadd.f32 v11, v8  }
0x235: {  	v15 =	vld [tilespmem:$0x4F80];
	_ =	swait.ge [sflag:s7], $0x4E20;
	v8 =	vmax.f32 v23, $0.0e+00;
	v11 =	vsub.f32 v20, v5;
	v19 =	vsub.f32 v19, v5  }
0x236: {  	[sflag:s7] =	ssyncset.done $0x0;
	v6 =	vadd.f32 v22, v6;
	v13 =	vadd.f32 v8, v13;
	v8 =	vmax.f32 v21, $0.0e+00  }
0x237: {  	s13 =	simm.s32 $0x0;
	[sflag:s7] =	ssyncadd.s32 $0xFFFFB1E0;
	v12 =	vadd.f32 v8, v12;
	v8 =	vmax.f32 v11, $0.0e+00;
	v11 =	vsub.f32 v18, v5  }
0x238: {  	v17 =	vsub.f32 v17, v5;
	v20 =	vld [tilespmem:s13+$0x5010];
	v9 =	vadd.f32 v8, v9  }
0x239: {  	v8 =	vmax.f32 v19, $0.0e+00;
	v16 =	vsub.f32 v16, v5;
	v19 =	vld [tilespmem:s13+$0x4FA0];
	v18 =	vmax.f32 v11, $0.0e+00  }
0x23a: {  	v11 =	vadd.f32 v8, v10;
	v8 =	vadd.f32 v18, v7;
	v7 =	vmax.f32 v17, $0.0e+00;
	v17 =	vld [tilespmem:s13+$0x4FB0]  }
0x23b: {  	v22 =	vsub.f32 v25, v5;
	v21 =	vsub.f32 v15, v5;
	v16 =	vmax.f32 v16, $0.0e+00;
	v18 =	vld [tilespmem:s13+$0x4FC0]  }
0x23c: {  	v15 =	vld [tilespmem:s13+$0x4FD0];
	v10 =	vadd.f32 v7, v14;
	v7 =	vadd.f32 v16, v24  }
0x23d: {  	v16 =	vmax.f32 v21, $0.0e+00;
	v21 =	vmax.f32 v22, $0.0e+00;
	v14 =	vld [tilespmem:s13+$0x4FE0];
	v22 =	vsub.f32 v20, v5  }
0x23e: {  	v13 =	vadd.f32 v16, v13;
	v16 =	vld [tilespmem:s13+$0x4FF0];
	v20 =	vsub.f32 v19, v5  }
0x23f: {  	s12 =	simm.s32 $0x400;
	s11 =	simm.s32 $0x80;
	v12 =	vadd.f32 v21, v12;
	v21 =	vmax.f32 v22, $0.0e+00;
	v19 =	vsub.f32 v17, v5;
	v17 =	vld [tilespmem:s13+$0x5000]  }
.LBB2_36:
0x240: {  	p0 =	sne.s32 s12, $0x13600;
	v22 =	vld [tilespmem:s11+$0x5010];
	v20 =	vmax.f32 v20, $0.0e+00;
	v18 =	vsub.f32 v18, v5;
	v6 =	vadd.f32 v21, v6  }
0x241: {  	v21 =	vld [tilespmem:s11+$0x4FA0];
	v13 =	vadd.f32 v20, v13;
	v19 =	vmax.f32 v19, $0.0e+00;
	v15 =	vsub.f32 v15, v5  }
0x242: {  	v23 =	vld [tilespmem:s11+$0x4FB0];
	v12 =	vadd.f32 v19, v12;
	v19 =	vmax.f32 v18, $0.0e+00;
	v14 =	vsub.f32 v14, v5  }
.Ltmp17:
0x243: {  	v18 =	vld [tilespmem:s11+$0x4FC0];
	v9 =	vadd.f32 v19, v9;
	v19 =	vmax.f32 v15, $0.0e+00;
	v16 =	vsub.f32 v16, v5;
	(pc) =	sbr.rel @p0 .LBB2_36-.Ltmp17, $4  }
0x244: {  	v15 =	vld [tilespmem:s11+$0x4FD0];
	v11 =	vadd.f32 v19, v11;
	v19 =	vmax.f32 v14, $0.0e+00;
	v17 =	vsub.f32 v17, v5  }
0x245: {  	v14 =	vld [tilespmem:s11+$0x4FE0];
	v22 =	vsub.f32 v22, v5;
	v8 =	vadd.f32 v19, v8;
	v19 =	vmax.f32 v16, $0.0e+00  }
0x246: {  	v20 =	vsub.f32 v21, v5;
	v16 =	vld [tilespmem:s11+$0x4FF0];
	v10 =	vadd.f32 v19, v10;
	v24 =	vmax.f32 v17, $0.0e+00  }
0x247: {  	v19 =	vsub.f32 v23, v5;
	v17 =	vld [tilespmem:s11+$0x5000];
	s11 =	sshra.s32 s12, $0x2;
	s12 =	sadd.s32 $0x200, s12;
	v21 =	vmax.f32 v22, $0.0e+00;
	v7 =	vadd.f32 v24, v7  }
0x248: {  	v22 =	vld [tilespmem:s11+$0x5010];
	v20 =	vmax.f32 v20, $0.0e+00;
	v18 =	vsub.f32 v18, v5  }
0x249: {  	v23 =	vld [tilespmem:s11+$0x4FA0];
	v6 =	vadd.f32 v21, v6;
	v19 =	vmax.f32 v19, $0.0e+00;
	v15 =	vsub.f32 v15, v5  }
0x24a: {  	v21 =	vld [tilespmem:s11+$0x4FB0];
	v13 =	vadd.f32 v20, v13;
	v12 =	vadd.f32 v19, v12;
	v18 =	vmax.f32 v18, $0.0e+00  }
0x24b: {  	v20 =	vld [tilespmem:s11+$0x4FC0];
	v14 =	vsub.f32 v14, v5;
	v9 =	vadd.f32 v18, v9;
	v15 =	vmax.f32 v15, $0.0e+00  }
0x24c: {  	v19 =	vld [tilespmem:s11+$0x4FD0];
	v16 =	vsub.f32 v16, v5;
	v11 =	vadd.f32 v15, v11  }
0x24d: {  	v18 =	vld [tilespmem:s11+$0x4FE0];
	v14 =	vmax.f32 v14, $0.0e+00;
	v15 =	vsub.f32 v17, v5;
	v22 =	vsub.f32 v22, v5  }
0x24e: {  	v17 =	vld [tilespmem:s11+$0x4FF0];
	v8 =	vadd.f32 v14, v8;
	v14 =	vmax.f32 v16, $0.0e+00;
	v23 =	vsub.f32 v23, v5  }
0x24f: {  	v16 =	vld [tilespmem:s11+$0x5000];
	v21 =	vsub.f32 v21, v5;
	v10 =	vadd.f32 v14, v10  }
0x250: {  	v14 =	vmax.f32 v15, $0.0e+00;
	v15 =	vld [tilespmem:$0x9DA0];
	v20 =	vsub.f32 v20, v5;
	v22 =	vmax.f32 v22, $0.0e+00  }
0x251: {  	v7 =	vadd.f32 v14, v7;
	v14 =	vld [tilespmem:$0x9DB0];
	_ =	swait.ge [sflag:s8], $0x4E20;
	v21 =	vmax.f32 v21, $0.0e+00;
	v19 =	vsub.f32 v19, v5  }
0x252: {  	v6 =	vadd.f32 v22, v6;
	v22 =	vmax.f32 v23, $0.0e+00;
	[sflag:s8] =	ssyncset.done $0x0;
	v12 =	vadd.f32 v21, v12  }
0x253: {  	s13 =	simm.s32 $0x0;
	v20 =	vmax.f32 v20, $0.0e+00;
	v18 =	vsub.f32 v18, v5;
	v13 =	vadd.f32 v22, v13;
	[sflag:s8] =	ssyncadd.s32 $0xFFFFB1E0  }
0x254: {  	v9 =	vadd.f32 v20, v9;
	v17 =	vsub.f32 v17, v5;
	v20 =	vld [tilespmem:s13+$0x9E30]  }
0x255: {  	v19 =	vmax.f32 v19, $0.0e+00;
	v18 =	vmax.f32 v18, $0.0e+00;
	v16 =	vsub.f32 v16, v5;
	v21 =	vld [tilespmem:s13+$0x9DC0]  }
0x256: {  	v11 =	vadd.f32 v19, v11;
	v19 =	vld [tilespmem:s13+$0x9DD0];
	v8 =	vadd.f32 v18, v8;
	v17 =	vmax.f32 v17, $0.0e+00  }
0x257: {  	v22 =	vsub.f32 v15, v5;
	v18 =	vld [tilespmem:s13+$0x9DE0];
	v16 =	vmax.f32 v16, $0.0e+00;
	v14 =	vsub.f32 v14, v5  }
0x258: {  	v15 =	vld [tilespmem:s13+$0x9DF0];
	v10 =	vadd.f32 v17, v10;
	v7 =	vadd.f32 v16, v7  }
0x259: {  	v16 =	vmax.f32 v22, $0.0e+00;
	v17 =	vmax.f32 v14, $0.0e+00;
	v14 =	vld [tilespmem:s13+$0x9E00];
	v22 =	vsub.f32 v20, v5  }
0x25a: {  	v13 =	vadd.f32 v16, v13;
	v16 =	vld [tilespmem:s13+$0x9E10];
	v20 =	vsub.f32 v21, v5  }
0x25b: {  	s12 =	simm.s32 $0x400;
	s11 =	simm.s32 $0x80;
	v12 =	vadd.f32 v17, v12;
	v19 =	vsub.f32 v19, v5;
	v17 =	vld [tilespmem:s13+$0x9E20];
	v21 =	vmax.f32 v22, $0.0e+00  }
.LBB2_38:
0x25c: {  	p0 =	sne.s32 s12, $0x13600;
	v22 =	vld [tilespmem:s11+$0x9E30];
	v20 =	vmax.f32 v20, $0.0e+00;
	v18 =	vsub.f32 v18, v5;
	v6 =	vadd.f32 v21, v6  }
0x25d: {  	v21 =	vld [tilespmem:s11+$0x9DC0];
	v13 =	vadd.f32 v20, v13;
	v19 =	vmax.f32 v19, $0.0e+00;
	v15 =	vsub.f32 v15, v5  }
0x25e: {  	v23 =	vld [tilespmem:s11+$0x9DD0];
	v12 =	vadd.f32 v19, v12;
	v19 =	vmax.f32 v18, $0.0e+00;
	v14 =	vsub.f32 v14, v5  }
.Ltmp18:
0x25f: {  	v18 =	vld [tilespmem:s11+$0x9DE0];
	v9 =	vadd.f32 v19, v9;
	v19 =	vmax.f32 v15, $0.0e+00;
	v16 =	vsub.f32 v16, v5;
	(pc) =	sbr.rel @p0 .LBB2_38-.Ltmp18, $4  }
0x260: {  	v15 =	vld [tilespmem:s11+$0x9DF0];
	v11 =	vadd.f32 v19, v11;
	v19 =	vmax.f32 v14, $0.0e+00;
	v17 =	vsub.f32 v17, v5  }
0x261: {  	v14 =	vld [tilespmem:s11+$0x9E00];
	v22 =	vsub.f32 v22, v5;
	v8 =	vadd.f32 v19, v8;
	v19 =	vmax.f32 v16, $0.0e+00  }
0x262: {  	v20 =	vsub.f32 v21, v5;
	v16 =	vld [tilespmem:s11+$0x9E10];
	v10 =	vadd.f32 v19, v10;
	v24 =	vmax.f32 v17, $0.0e+00  }
0x263: {  	v19 =	vsub.f32 v23, v5;
	v17 =	vld [tilespmem:s11+$0x9E20];
	s11 =	sshra.s32 s12, $0x2;
	s12 =	sadd.s32 $0x200, s12;
	v21 =	vmax.f32 v22, $0.0e+00;
	v7 =	vadd.f32 v24, v7  }
0x264: {  	v22 =	vld [tilespmem:s11+$0x9E30]  }
0x265: {  	v23 =	vld [tilespmem:s11+$0x9DC0];
	v20 =	vmax.f32 v20, $0.0e+00;
	v18 =	vsub.f32 v18, v5  }
0x266: {  	v6 =	vadd.f32 v21, v6;
	v21 =	vld [tilespmem:s11+$0x9DD0];
	v19 =	vmax.f32 v19, $0.0e+00;
	v15 =	vsub.f32 v15, v5  }
0x267: {  	v24 =	vld [tilespmem:$0xEBD0];
	v13 =	vadd.f32 v20, v13;
	v12 =	vadd.f32 v19, v12;
	v18 =	vmax.f32 v18, $0.0e+00  }
0x268: {  	v20 =	vld [tilespmem:s11+$0x9DE0];
	v14 =	vsub.f32 v14, v5;
	v9 =	vadd.f32 v18, v9;
	v15 =	vmax.f32 v15, $0.0e+00  }
0x269: {  	v19 =	vld [tilespmem:s11+$0x9DF0];
	v16 =	vsub.f32 v16, v5;
	v11 =	vadd.f32 v15, v11  }
0x26a: {  	v18 =	vld [tilespmem:s11+$0x9E00];
	v14 =	vmax.f32 v14, $0.0e+00;
	v15 =	vsub.f32 v17, v5;
	v22 =	vsub.f32 v22, v5  }
0x26b: {  	v17 =	vld [tilespmem:s11+$0x9E10];
	v8 =	vadd.f32 v14, v8;
	v14 =	vmax.f32 v16, $0.0e+00;
	v23 =	vsub.f32 v23, v5  }
0x26c: {  	v16 =	vld [tilespmem:s11+$0x9E20];
	v21 =	vsub.f32 v21, v5;
	v14 =	vadd.f32 v14, v10  }
0x26d: {  	v10 =	vmax.f32 v15, $0.0e+00;
	v15 =	vld [tilespmem:$0xEBC0];
	v20 =	vsub.f32 v20, v5;
	_ =	swait.ge [sflag:s9], $0x4E20;
	v22 =	vmax.f32 v22, $0.0e+00  }
0x26e: {  	v7 =	vadd.f32 v10, v7;
	v10 =	vmax.f32 v23, $0.0e+00;
	v19 =	vsub.f32 v19, v5;
	[sflag:s9] =	ssyncset.done $0x0  }
0x26f: {  	s13 =	simm.s32 $0x0;
	v6 =	vadd.f32 v22, v6;
	v13 =	vadd.f32 v10, v13;
	v10 =	vmax.f32 v21, $0.0e+00;
	[sflag:s9] =	ssyncadd.s32 $0xFFFFB1E0  }
0x270: {  	v18 =	vsub.f32 v18, v5;
	v12 =	vadd.f32 v10, v12;
	v10 =	vmax.f32 v20, $0.0e+00;
	v20 =	vld [tilespmem:s13+$0xEBE0]  }
0x271: {  	v10 =	vadd.f32 v10, v9;
	v9 =	vsub.f32 v17, v5;
	v17 =	vld [tilespmem:s13+$0xEC50]  }
0x272: {  	v21 =	vsub.f32 v24, v5;
	v19 =	vmax.f32 v19, $0.0e+00;
	v16 =	vsub.f32 v16, v5  }
0x273: {  	v22 =	vld [tilespmem:s13+$0xEBF0];
	v18 =	vmax.f32 v18, $0.0e+00;
	v11 =	vadd.f32 v19, v11;
	v15 =	vsub.f32 v15, v5  }
0x274: {  	v19 =	vld [tilespmem:s13+$0xEC00];
	v8 =	vadd.f32 v18, v8;
	v9 =	vmax.f32 v9, $0.0e+00;
	v16 =	vmax.f32 v16, $0.0e+00  }
0x275: {  	v18 =	vld [tilespmem:s13+$0xEC10];
	v9 =	vadd.f32 v9, v14;
	v7 =	vadd.f32 v16, v7;
	v14 =	vmax.f32 v15, $0.0e+00  }
0x276: {  	v15 =	vmax.f32 v21, $0.0e+00;
	v16 =	vld [tilespmem:s13+$0xEC20];
	v21 =	vsub.f32 v20, v5;
	v23 =	vsub.f32 v17, v5  }
0x277: {  	v17 =	vadd.f32 v14, v13;
	v14 =	vadd.f32 v15, v12;
	v15 =	vld [tilespmem:s13+$0xEC30]  }
0x278: {  	s12 =	simm.s32 $0x400;
	s11 =	simm.s32 $0x80;
	v20 =	vsub.f32 v22, v5;
	v13 =	vld [tilespmem:s13+$0xEC40];
	v12 =	vmax.f32 v23, $0.0e+00  }
.LBB2_40:
0x279: {  	p0 =	sne.s32 s12, $0x13600;
	v22 =	vld [tilespmem:s11+$0xEC50];
	v21 =	vmax.f32 v21, $0.0e+00;
	v19 =	vsub.f32 v19, v5;
	v6 =	vadd.f32 v12, v6  }
0x27a: {  	v12 =	vld [tilespmem:s11+$0xEBE0];
	v17 =	vadd.f32 v21, v17;
	v20 =	vmax.f32 v20, $0.0e+00;
	v18 =	vsub.f32 v18, v5  }
0x27b: {  	v23 =	vld [tilespmem:s11+$0xEBF0];
	v14 =	vadd.f32 v20, v14;
	v20 =	vmax.f32 v19, $0.0e+00;
	v16 =	vsub.f32 v16, v5  }
.Ltmp19:
0x27c: {  	v19 =	vld [tilespmem:s11+$0xEC00];
	v10 =	vadd.f32 v20, v10;
	v20 =	vmax.f32 v18, $0.0e+00;
	v15 =	vsub.f32 v15, v5;
	(pc) =	sbr.rel @p0 .LBB2_40-.Ltmp19, $4  }
0x27d: {  	v18 =	vld [tilespmem:s11+$0xEC10];
	v11 =	vadd.f32 v20, v11;
	v20 =	vmax.f32 v16, $0.0e+00;
	v13 =	vsub.f32 v13, v5  }
0x27e: {  	v16 =	vld [tilespmem:s11+$0xEC20];
	v22 =	vsub.f32 v22, v5;
	v8 =	vadd.f32 v20, v8;
	v20 =	vmax.f32 v15, $0.0e+00  }
0x27f: {  	v21 =	vsub.f32 v12, v5;
	v15 =	vld [tilespmem:s11+$0xEC30];
	v9 =	vadd.f32 v20, v9;
	v24 =	vmax.f32 v13, $0.0e+00  }
0x280: {  	v20 =	vsub.f32 v23, v5;
	v13 =	vld [tilespmem:s11+$0xEC40];
	s11 =	sshra.s32 s12, $0x2;
	s12 =	sadd.s32 $0x200, s12;
	v12 =	vmax.f32 v22, $0.0e+00;
	v7 =	vadd.f32 v24, v7  }
0x281: {  	v22 =	vld [tilespmem:s11+$0xEBE0]  }
0x282: {  	v23 =	vld [tilespmem:s11+$0xEBF0]  }
0x283: {  	v21 =	vmax.f32 v21, $0.0e+00;
	v19 =	vsub.f32 v19, v5;
	v24 =	vld [tilespmem:$0x139E0]  }
0x284: {  	v47 =	vld [tilespmem:$0x139F0];
	v17 =	vadd.f32 v21, v17;
	v18 =	vsub.f32 v18, v5;
	v20 =	vmax.f32 v20, $0.0e+00  }
0x285: {  	v19 =	vmax.f32 v19, $0.0e+00;
	v14 =	vadd.f32 v20, v14;
	v16 =	vsub.f32 v16, v5  }
0x286: {  	v48 =	vld [tilespmem:s11+$0xEC00];
	v10 =	vadd.f32 v19, v10;
	v15 =	vsub.f32 v15, v5  }
0x287: {  	v18 =	vmax.f32 v18, $0.0e+00;
	v22 =	vsub.f32 v22, v5;
	v49 =	vsub.f32 v23, v5  }
0x288: {  	v51 =	vld [tilespmem:s11+$0xEC10];
	v11 =	vadd.f32 v18, v11;
	v52 =	vsub.f32 v24, v5  }
0x289: {  	v21 =	vsub.f32 v47, v5;
	v50 =	vmax.f32 v22, $0.0e+00;
	v18 =	vmax.f32 v49, $0.0e+00  }
0x28a: {  	v53 =	vld [tilespmem:s11+$0xEC20];
	v17 =	vadd.f32 v50, v17;
	v14 =	vadd.f32 v18, v14  }
0x28b: {  	v19 =	vsub.f32 v48, v5;
	v22 =	vmax.f32 v52, $0.0e+00;
	v21 =	vmax.f32 v21, $0.0e+00  }
0x28c: {  	v54 =	vld [tilespmem:s11+$0xEC30];
	v17 =	vadd.f32 v22, v17;
	v14 =	vadd.f32 v21, v14  }
0x28d: {  	v13 =	vsub.f32 v13, v5;
	v20 =	vsub.f32 v51, v5;
	v19 =	vmax.f32 v19, $0.0e+00  }
0x28e: {  	v55 =	vld [tilespmem:s11+$0xEC40];
	v16 =	vmax.f32 v16, $0.0e+00;
	v10 =	vadd.f32 v19, v10;
	v14 =	vadd.f32 v14, v17  }
0x28f: {  	v8 =	vadd.f32 v16, v8;
	v56 =	vsub.f32 v53, v5;
	v57 =	vmax.f32 v20, $0.0e+00  }
0x290: {  	v58 =	vld [tilespmem:s11+$0xEC50];
	v15 =	vmax.f32 v15, $0.0e+00;
	v11 =	vadd.f32 v57, v11;
	v10 =	vadd.f32 v14, v10  }
0x291: {  	v59 =	vsub.f32 v54, v5;
	v9 =	vadd.f32 v15, v9;
	v60 =	vmax.f32 v56, $0.0e+00  }
0x292: {  	v13 =	vmax.f32 v13, $0.0e+00;
	v8 =	vadd.f32 v60, v8;
	v10 =	vadd.f32 v10, v11  }
0x293: {  	v61 =	vsub.f32 v55, v5;
	v7 =	vadd.f32 v13, v7;
	v62 =	vmax.f32 v59, $0.0e+00  }
0x294: {  	v9 =	vadd.f32 v62, v9;
	v8 =	vadd.f32 v10, v8  }
0x295: {  	v6 =	vadd.f32 v12, v6;
	v5 =	vsub.f32 v58, v5;
	v63 =	vmax.f32 v61, $0.0e+00  }
0x296: {  	v7 =	vadd.f32 v63, v7;
	v8 =	vadd.f32 v8, v9  }
0x297: {  	v5 =	vmax.f32 v5, $0.0e+00  }
0x298: {  	v5 =	vadd.f32 v5, v6;
	v6 =	vadd.f32 v8, v7;
	_ =	sdelay $0x1  }
0x299: {  	s10 =	sadd.s32 $0x1, s10;
	v5 =	vadd.f32 v6, v5  }
0x29a: {  	p0 =	sne.s32 s10, s24  }
.Ltmp20:
0x29b: {  	s13 =	simm.s32 $0x13A00;
	[tilespmem:$0x13A00] =	vst v5;
	(pc) =	sbr.rel @p0 .LBB2_1-.Ltmp20, $4  }
0x29c: {  	[hbm4b:s22+s3] =	stream.linear.scatter [tilespmem:s13], [sflag:$0x6], $0x80, $0x38;
	[tilespmem:$0x13A80] =	vst v63  }
0x29d: {  	_ =	swait.ge [sflag:s28], $0x80  }
0x29e: {  	[sflag:s28] =	ssyncset.done $0x0  }
0x29f: {  	[sflag:s28] =	ssyncadd.s32 $0xFFFFFF80  }
0x2a0: {  	_ =	sfence.sel $0x180000  }
0x2a1: {  	[bflag:$0x0] =	sbarrier.arrive $0xFFFF  }
0x2a2: {  	_ =	strace $0x90000047  }
0x2a3: {  	s0 =	stileid.u32;
	[bflag:$0x2] =	sbarrier.arrive $0xFFFF  }
0x2a4: {  	p0 =	sne.s32 s0, $0x0;
	s0 =	rddreg [dreg:$0x2]  }
0x2a5: {  	s0 =	sadd.s32 @!p0 $0x100000, s0  }
0x2a6: {  	[sflag:s0] =	ssyncadd.tile.s32 @!p0 $0x1;
	_ =	shalt  }
.Lfunc_end2:
_tile_overlayer_lowered:
.L_overlay_start_2:
0x2a7: {  	(tag) =	ssettag $0x2  }
0x2a8: {  	s0 =	rddreg [dreg:$0x0];
	s2 =	stileid.u32  }
0x2a9: {  	s1 =	rddreg [dreg:$0x1];
	p0 =	sne.s32 s2, $0x0  }
0x2aa: {  	s3 =	rddreg [dreg:$0x2];
	[bflag:$0x3] =	sbarrier.arrive $0xFFFF;
	s2 =	simm.s32 @!p0 $0x1C06  }
0x2ab: {  	[timem:s3], [sflag:s2] =	dma.local @!p0 [hbm:s0], s1  }
0x2ac: {  	s0 =	simm.s32 @!p0 $0x6  }
0x2ad: {  	_ =	swait.ge @!p0 [sflag:s0], s1  }
0x2ae: {  	s1 =	ssub.s32 @!p0 $0x0, s1;
	[sflag:s0] =	ssyncset.done @!p0 $0x0  }
0x2af: {  	[sflag:s0] =	ssyncadd.s32 @!p0 s1  }
0x2b0: {  	[bflag:$0x3] =	sbarrier.arrive $0xFFFF  }
0x2b1: {  	_ =	shalt  }

</sc_bundles>
